<compile_context>
chip_gen: v7x
topology: tpu7x:2x2x1
jax: 0.10.2.dev20260603
libtpu: 0.0.44.dev20260713+nightly
codegen_flags: <defaults>
</compile_context>

<pallas_src>
import functools

import jax
import jax.numpy as jnp
from jax import lax
from jax.experimental import pallas as pl
from jax.experimental.pallas import tpu as pltpu
from jax.experimental.pallas import tpu_sc as plsc

NC = 2
NS = 16
LN = 16
NW = NC * NS
CK = 128
CHB = 16

F32 = jnp.float32


def _mesh():
    return plsc.VectorSubcoreMesh(core_axis_name="c", subcore_axis_name="s")



def _sc_degree(dst3, np_rows):
    _, CH, _ = dst3.shape
    rpt = np_rows // NS

    @functools.partial(
        pl.kernel,
        out_type=jax.ShapeDtypeStruct((NC, np_rows), F32),
        mesh=_mesh(),
        scratch_types=[
            pltpu.VMEM((CH, CK), jnp.int32),
            pltpu.VMEM((CK,), F32),
            pltpu.VMEM((rpt,), F32),
            pltpu.VMEM_SHARED((np_rows,), F32),
        ],
    )
    def k(dst_hbm, out_hbm, idx_d, ones_v, init_v, deg_sh):
        cid = lax.axis_index("c")
        sid = lax.axis_index("s")
        wid = cid * NS + sid
        base = sid * rpt
        iv = jnp.where(cid == 0, 1.0, 0.0).astype(F32)
        for i in range(CK // LN):
            ones_v[pl.ds(i * LN, LN)] = jnp.full((LN,), 1.0, F32)

        @pl.loop(0, rpt // LN)
        def _(i):
            init_v[pl.ds(i * LN, LN)] = jnp.zeros((LN,), F32) + iv

        pltpu.sync_copy(init_v, deg_sh.at[pl.ds(base, rpt)])
        pltpu.sync_copy(dst_hbm.at[wid], idx_d)
        plsc.subcore_barrier()

        @pl.loop(0, CH)
        def _(j):
            pltpu.sync_copy(ones_v, deg_sh.at[idx_d.at[j]], add=True)

        plsc.subcore_barrier()
        pltpu.sync_copy(deg_sh.at[pl.ds(base, rpt)],
                        out_hbm.at[cid, pl.ds(base, rpt)])

    return k(dst3)


def _sc_aggregate(hs, edges4, zeros_hbm):
    NP, D = hs.shape
    TOT_BLK = edges4.shape[0]
    NBW = TOT_BLK // NW
    CH = NBW * CHB
    rpt = NP // NS

    @functools.partial(
        pl.kernel,
        out_type=jax.ShapeDtypeStruct((NC, NP, D), F32),
        mesh=_mesh(),
        scratch_types=[
            pltpu.VMEM((2, 2, CHB, CK), jnp.int32),
            pltpu.VMEM((2, CK, D), F32),
            pltpu.VMEM_SHARED((NP, D), F32),
            pltpu.SemaphoreType.DMA((2,)),
            pltpu.SemaphoreType.DMA,
        ],
    )
    def k(hs_hbm, e_hbm, z_hbm, out_hbm, iblk, rbuf, acc_sh, gsem, isem):
        cid = lax.axis_index("c")
        sid = lax.axis_index("s")
        blkbase = (cid * NS + sid) * NBW
        base = sid * rpt

        @pl.when(cid == 0)
        def _():
            pltpu.sync_copy(hs_hbm.at[pl.ds(base, rpt)],
                            acc_sh.at[pl.ds(base, rpt)])
        @pl.when(cid == 1)
        def _():
            pltpu.sync_copy(z_hbm.at[pl.ds(base, rpt)],
                            acc_sh.at[pl.ds(base, rpt)])
        pltpu.sync_copy(e_hbm.at[blkbase], iblk.at[0])
        plsc.subcore_barrier()

        pltpu.async_copy(hs_hbm.at[iblk.at[0, 0, 0]], rbuf.at[0], gsem.at[0])

        @pl.loop(0, CH)
        def _(j):
            blk = j // CHB
            off = j % CHB
            ib = blk % 2
            b = j % 2
            pltpu.make_async_copy(hs_hbm.at[iblk.at[ib, 0, off]],
                                  rbuf.at[b], gsem.at[b]).wait()
            @pl.when(jnp.logical_and(off == 0, blk + 1 < NBW))
            def _():
                pltpu.async_copy(e_hbm.at[blkbase + blk + 1],
                                 iblk.at[1 - ib], isem)
            @pl.when(jnp.logical_and(off == CHB - 1, blk + 1 < NBW))
            def _():
                pltpu.make_async_copy(e_hbm.at[blkbase + blk + 1],
                                      iblk.at[1 - ib], isem).wait()
            @pl.when(j + 1 < CH)
            def _():
                jn = j + 1
                pltpu.async_copy(
                    hs_hbm.at[iblk.at[(jn // CHB) % 2, 0, jn % CHB]],
                    rbuf.at[1 - b], gsem.at[1 - b])
            pltpu.sync_copy(rbuf.at[b], acc_sh.at[iblk.at[ib, 1, off]],
                            add=True)

        plsc.subcore_barrier()
        pltpu.sync_copy(acc_sh.at[pl.ds(base, rpt)],
                        out_hbm.at[cid, pl.ds(base, rpt)])

    return k(hs, edges4, zeros_hbm)


def _sc_cs_scatter(h2, u3, v3, zeros_hbm, np_rows):
    _, D = h2.shape
    NP = np_rows
    _, CHM, _ = u3.shape
    rpt = NP // NS

    @functools.partial(
        pl.kernel,
        out_type=(jax.ShapeDtypeStruct((NC, NP, D), F32),
                  jax.ShapeDtypeStruct((NC, NP), F32)),
        mesh=_mesh(),
        scratch_types=[
            pltpu.VMEM((CHM, CK), jnp.int32),
            pltpu.VMEM((CHM, CK), jnp.int32),
            pltpu.VMEM((2, CK, D), F32),
            pltpu.VMEM((CK,), F32),
            pltpu.VMEM((rpt,), F32),
            pltpu.VMEM_SHARED((NP, D), F32),
            pltpu.VMEM_SHARED((NP,), F32),
            pltpu.SemaphoreType.DMA((2,)),
            pltpu.SemaphoreType.DMA,
        ],
    )
    def k(h_hbm, u_hbm, v_hbm, z_hbm, t_hbm, c_hbm,
          idx_u, idx_v, rbuf, ones_v, zv, t_sh, c_sh, gsem, csem):
        cid = lax.axis_index("c")
        sid = lax.axis_index("s")
        wid = cid * NS + sid
        base = sid * rpt
        for i in range(CK // LN):
            ones_v[pl.ds(i * LN, LN)] = jnp.full((LN,), 1.0, F32)

        @pl.loop(0, rpt // LN)
        def _(i):
            zv[pl.ds(i * LN, LN)] = jnp.zeros((LN,), F32)

        pltpu.sync_copy(z_hbm.at[pl.ds(base, rpt)], t_sh.at[pl.ds(base, rpt)])
        pltpu.sync_copy(zv, c_sh.at[pl.ds(base, rpt)])
        pltpu.sync_copy(u_hbm.at[wid], idx_u)
        pltpu.sync_copy(v_hbm.at[wid], idx_v)
        plsc.subcore_barrier()

        pltpu.async_copy(h_hbm.at[idx_u.at[0]], rbuf.at[0], gsem.at[0])

        @pl.loop(0, CHM)
        def _(j):
            b = j % 2
            pltpu.make_async_copy(h_hbm.at[idx_u.at[j]], rbuf.at[b],
                                  gsem.at[b]).wait()
            @pl.when(j + 1 < CHM)
            def _():
                pltpu.async_copy(h_hbm.at[idx_u.at[j + 1]], rbuf.at[1 - b],
                                 gsem.at[1 - b])
            pltpu.async_copy(ones_v, c_sh.at[idx_v.at[j]], csem, add=True)
            pltpu.sync_copy(rbuf.at[b], t_sh.at[idx_v.at[j]], add=True)

        @pl.loop(0, CHM)
        def _(j):
            pltpu.make_async_copy(ones_v, c_sh.at[idx_v.at[j]], csem).wait()

        plsc.subcore_barrier()
        pltpu.sync_copy(t_sh.at[pl.ds(base, rpt)],
                        t_hbm.at[cid, pl.ds(base, rpt)])
        pltpu.sync_copy(c_sh.at[pl.ds(base, rpt)],
                        c_hbm.at[cid, pl.ds(base, rpt)])

    return k(h2, u3, v3, zeros_hbm)



def _tc_pre(x, W_mlp, b_mlp, W_g1, degs, BR=512):
    NP, D = x.shape

    def body(x_r, wm_r, bm_r, wg_r, deg_r, hs_r, dinv_r):
        deg = deg_r[0] + deg_r[1]
        dinv = lax.rsqrt(deg)
        h0 = jnp.dot(x_r[...], wm_r[...], preferred_element_type=F32) + bm_r[...]
        g = jnp.dot(h0, wg_r[...], preferred_element_type=F32)
        hs_r[...] = g * dinv
        dinv_r[...] = dinv

    return pl.pallas_call(
        body,
        grid=(NP // BR,),
        in_specs=[
            pl.BlockSpec((BR, D), lambda i: (i, 0)),
            pl.BlockSpec((D, D), lambda i: (0, 0)),
            pl.BlockSpec((1, D), lambda i: (0, 0)),
            pl.BlockSpec((D, D), lambda i: (0, 0)),
            pl.BlockSpec((NC, BR, 1), lambda i: (0, i, 0)),
        ],
        out_specs=[pl.BlockSpec((BR, D), lambda i: (i, 0)),
                   pl.BlockSpec((BR, 1), lambda i: (i, 0))],
        out_shape=[jax.ShapeDtypeStruct((NP, D), F32),
                   jax.ShapeDtypeStruct((NP, 1), F32)],
    )(x, W_mlp, b_mlp.reshape(1, D), W_g1, degs[..., None])


def _tc_mid(p, dinv, b, W_next, BR=512):
    _, NP, D = p.shape

    def body(p_r, dinv_r, b_r, w_r, out_r):
        h = (p_r[0] + p_r[1]) * dinv_r[...] + b_r[...]
        h = jnp.where(h > 0, h, jnp.exp(h) - 1.0)
        out_r[...] = jnp.dot(h, w_r[...], preferred_element_type=F32) * dinv_r[...]

    return pl.pallas_call(
        body,
        grid=(NP // BR,),
        in_specs=[
            pl.BlockSpec((NC, BR, D), lambda i: (0, i, 0)),
            pl.BlockSpec((BR, 1), lambda i: (i, 0)),
            pl.BlockSpec((1, D), lambda i: (0, 0)),
            pl.BlockSpec((D, D), lambda i: (0, 0)),
        ],
        out_specs=pl.BlockSpec((BR, D), lambda i: (i, 0)),
        out_shape=jax.ShapeDtypeStruct((NP, D), F32),
    )(p, dinv, b.reshape(1, D), W_next)


def _tc_final(p, dinv, b, nrows, BR=512):
    _, NP, D = p.shape

    def body(p_r, dinv_r, b_r, out_r):
        h = (p_r[0] + p_r[1]) * dinv_r[...] + b_r[...]
        out_r[...] = jnp.where(h > 0, h, jnp.exp(h) - 1.0)

    return pl.pallas_call(
        body,
        grid=(NP // BR,),
        in_specs=[
            pl.BlockSpec((NC, BR, D), lambda i: (0, i, 0)),
            pl.BlockSpec((BR, 1), lambda i: (i, 0)),
            pl.BlockSpec((1, D), lambda i: (0, 0)),
        ],
        out_specs=pl.BlockSpec((BR, D), lambda i: (i, 0)),
        out_shape=jax.ShapeDtypeStruct((nrows, D), F32),
    )(p, dinv, b.reshape(1, D))


def _tc_mean(t, c, nrows, BR=512):
    _, NP, D = t.shape

    def body(t_r, c_r, out_r):
        out_r[...] = (t_r[0] + t_r[1]) / (1.0 + c_r[0] + c_r[1])

    return pl.pallas_call(
        body,
        grid=(NP // BR,),
        in_specs=[
            pl.BlockSpec((NC, BR, D), lambda i: (0, i, 0)),
            pl.BlockSpec((NC, BR, 1), lambda i: (0, i, 0)),
        ],
        out_specs=pl.BlockSpec((BR, D), lambda i: (i, 0)),
        out_shape=jax.ShapeDtypeStruct((nrows, D), F32),
    )(t, c[..., None])



def _pad_chunks(idx, fill_lo, fill_n, workers, n_chunks):
    total = workers * n_chunks * CK
    pad = total - idx.shape[0]
    padv = fill_lo + jnp.arange(pad, dtype=jnp.int32) % fill_n
    return jnp.concatenate([idx, padv]).reshape(workers, n_chunks, CK)


def kernel(x_q, x_t, edge_index_q, cs_u, cs_v,
           W_mlp, b_mlp, W_g1, b_g1, W_g2, b_g2):
    N, D = x_q.shape
    NT = x_t.shape[0]
    E = edge_index_q.shape[1]
    M = cs_u.shape[0]

    NP = ((max(N, NT) + 1 + NS * LN - 1) // (NS * LN)) * (NS * LN)
    TRASH = max(N, NT)

    NBP = (E + NS * CHB * CK - 1) // (NS * CHB * CK)
    NB0 = max(1, min(NBP - 1, (NBP * 8 + 5) // 10))
    NB1 = NBP - NB0
    TOT_BLK = NS * NBP
    CH = NBP * CHB
    CHM = (M + NW * CK - 1) // (NW * CK)

    src3 = _pad_chunks(edge_index_q[0], 0, N, NS, CH)
    dst3 = _pad_chunks(edge_index_q[1], TRASH, NP - TRASH, NS, CH)
    edges4 = jnp.stack([src3.reshape(TOT_BLK, CHB, CK),
                        dst3.reshape(TOT_BLK, CHB, CK)], axis=1)
    dst3 = dst3.reshape(NW, CH // 2, CK)
    u3 = _pad_chunks(cs_u, 0, N, NW, CHM)
    v3 = _pad_chunks(cs_v, TRASH, NP - TRASH, NW, CHM)

    x_pad = jnp.concatenate([x_q, jnp.zeros((NP - N, D), F32)])
    zeros_hbm = jnp.zeros((NP, D), F32)

    degs = _sc_degree(dst3, NP)
    hs1, dinv = _tc_pre(x_pad, W_mlp, b_mlp, W_g1, degs)
    p1 = _sc_aggregate(hs1, edges4, zeros_hbm)
    hs2 = _tc_mid(p1, dinv, b_g1, W_g2)
    p2 = _sc_aggregate(hs2, edges4, zeros_hbm)
    h2 = _tc_final(p2, dinv, b_g2, N)
    t, c = _sc_cs_scatter(h2, u3, v3, zeros_hbm, NP)
    xt = _tc_mean(t, c, NT)

    return h2, xt

# --- scband reference (transcript-rebuilt; emitter-appended) ---
"""Pipeline reference for scband-encoder-gcn-67912022884657 (READ-ONLY COPY).

The authoritative reference and input builder live on the scoring server;
editing this copy changes nothing except your own understanding.
"""

import jax, jax.numpy as jnp
import numpy as np

N_Q = 10000
N_T = 10000
E = 320000
M = 50000
D_IN = 128
D_ENC = 128


def setup_inputs(seed: int = 0):
    key = jax.random.key(seed)
    ks = jax.random.split(key, 12)
    x_q = jax.random.normal(ks[0], (N_Q, D_IN), dtype=jnp.float32)
    x_t = jax.random.normal(ks[1], (N_T, D_IN), dtype=jnp.float32)
    edge_index_q = jax.random.randint(ks[2], (2, E), 0, N_Q, dtype=jnp.int32)
    cs_u = jax.random.randint(ks[3], (M,), 0, N_Q, dtype=jnp.int32)
    cs_v = jax.random.randint(ks[4], (M,), 0, N_T, dtype=jnp.int32)
    s = 1.0 / np.sqrt(D_ENC)
    W_mlp = jax.random.normal(ks[5], (D_IN, D_ENC), dtype=jnp.float32) * s
    b_mlp = jnp.zeros((D_ENC,), dtype=jnp.float32)
    W_g1 = jax.random.normal(ks[6], (D_ENC, D_ENC), dtype=jnp.float32) * s
    b_g1 = jnp.zeros((D_ENC,), dtype=jnp.float32)
    W_g2 = jax.random.normal(ks[7], (D_ENC, D_ENC), dtype=jnp.float32) * s
    b_g2 = jnp.zeros((D_ENC,), dtype=jnp.float32)
    return {"x_q": x_q, "x_t": x_t, "edge_index_q": edge_index_q, "cs_u": cs_u, "cs_v": cs_v,
            "W_mlp": W_mlp, "b_mlp": b_mlp, "W_g1": W_g1, "b_g1": b_g1, "W_g2": W_g2, "b_g2": b_g2}


def gcn_conv(x, edge_index, W, b):
    # GCNConv with self-loops and symmetric normalization: D^{-1/2}(A+I)D^{-1/2} X W + b
    n = x.shape[0]
    loop = jnp.arange(n, dtype=edge_index.dtype)
    src = jnp.concatenate([edge_index[0], loop])
    dst = jnp.concatenate([edge_index[1], loop])
    deg = jnp.zeros((n,), x.dtype).at[dst].add(1.0)
    dinv = jnp.where(deg > 0, 1.0 / jnp.sqrt(deg), 0.0)
    norm = dinv[src] * dinv[dst]
    h = x @ W
    msg = h[src] * norm[:, None]
    out = jnp.zeros((n, W.shape[1]), x.dtype).at[dst].add(msg)
    return out + b


def reference(x_q, x_t, edge_index_q, cs_u, cs_v, W_mlp, b_mlp, W_g1, b_g1, W_g2, b_g2):
    # X_q = mlp(X_q)
    h = x_q @ W_mlp + b_mlp
    # two GCN layers with ELU
    h = jax.nn.elu(gcn_conv(h, edge_index_q, W_g1, b_g1))
    h = jax.nn.elu(gcn_conv(h, edge_index_q, W_g2, b_g2))
    # CS_u2v scatter: X_t[v_li] += X_q[u]; X_norm[v_li] += 1  (dict flattened to (u,v) pairs)
    n_t = x_t.shape[0]
    X_t = jnp.zeros((n_t, h.shape[1]), h.dtype).at[cs_v].add(h[cs_u])
    X_norm = jnp.ones((n_t, 1), h.dtype).at[cs_v].add(1.0)
    return h, X_t / X_norm

if __name__ == "__main__":
    import jax
    _d = setup_inputs()
    print(jax.jit(kernel)(*tuple(_d.values())))

</pallas_src>

<mosaic_0001>
#map = affine_map<(d0, d1) -> (0, 0)>
#map1 = affine_map<(d0, d1) -> (0, 0, 0, 0)>
#map2 = affine_map<(d0, d1) -> (0, 0, 0)>
module attributes {stable_mosaic.version = 14 : i64} {
  func.func @k(%arg0: i32, %arg1: i32, %arg2: memref<10240x128xf32, #tpu.memory_space<hbm>>, %arg3: memref<160x2x16x128xi32, #tpu.memory_space<hbm>>, %arg4: memref<10240x128xf32, #tpu.memory_space<hbm>>, %arg5: memref<2x10240x128xf32, #tpu.memory_space<hbm>>, %arg6: memref<2x2x16x128xi32, #tpu.memory_space<vmem>>, %arg7: memref<2x128x128xf32, #tpu.memory_space<vmem>>, %arg8: memref<10240x128xf32, #tpu.memory_space<vmem_shared>>, %arg9: memref<2x!tpu.dma_semaphore, #tpu.memory_space<semaphore_mem>>, %arg10: memref<!tpu.dma_semaphore, #tpu.memory_space<semaphore_mem>>) attributes {dimension_semantics = [#tpu.dimension_semantics<core_parallel>, #tpu.dimension_semantics<subcore_parallel>], iteration_bounds = array<i64: 2, 16>, scalar_prefetch = 0 : i64, scratch_operands = 5 : i64, tpu.core_type = #tpu.core_type<sc_vector_subcore>, window_params = [{transform_indices = #map}, {transform_indices = #map1}, {transform_indices = #map}, {transform_indices = #map2}]} {
    %mul3A = arith.constant 16 : i32
    %mul3A_0 = arith.muli %arg0, %mul3A : i32
    %add3A = arith.addi %mul3A_0, %arg1 : i32
    %mul3A_1 = arith.constant 5 : i32
    %mul3A_2 = arith.muli %add3A, %mul3A_1 : i32
    %mul3A_3 = arith.constant 640 : i32
    %mul3A_4 = arith.muli %arg1, %mul3A_3 : i32
    %eq3A = arith.constant 0 : i32
    %eq3A_5 = arith.cmpi eq, %arg0, %eq3A : i32
    %convert_element_type3A = arith.extui %eq3A_5 : i1 to i32
    %cond3A = arith.constant 0 : i32
    %cond3A_6 = arith.cmpi ne, %convert_element_type3A, %cond3A : i32
    scf.if %cond3A_6 {
      "tpu.region"() ({
        %run_scoped3A_33 = tpu.sem_alloc : memref<!tpu.dma_semaphore, #tpu.memory_space<semaphore_mem>>
        %dma_start3A_34 = arith.constant 0 : i32
        %dma_start3A_35 = tpu.memref_slice %arg8[%mul3A_4, %dma_start3A_34] : memref<10240x128xf32, #tpu.memory_space<vmem_shared>> -> memref<640x128xf32, #tpu.memory_space<vmem_shared>>
        %dma_start3A_36 = arith.constant 0 : i32
        %dma_start3A_37 = tpu.memref_slice %arg2[%mul3A_4, %dma_start3A_36] : memref<10240x128xf32, #tpu.memory_space<hbm>> -> memref<640x128xf32, #tpu.memory_space<hbm>>
        tpu.enqueue_dma source(%dma_start3A_37 : memref<640x128xf32, #tpu.memory_space<hbm>>) target(%dma_start3A_35 : memref<640x128xf32, #tpu.memory_space<vmem_shared>>) target_semaphore(%run_scoped3A_33 : memref<!tpu.dma_semaphore, #tpu.memory_space<semaphore_mem>>)
        %dma_wait3A = arith.constant 0 : i32
        %dma_wait3A_38 = tpu.memref_slice %arg8[%mul3A_4, %dma_wait3A] : memref<10240x128xf32, #tpu.memory_space<vmem_shared>> -> memref<640x128xf32, #tpu.memory_space<vmem_shared>>
        %dma_wait3A_39 = arith.constant 0 : i32
        %dma_wait3A_40 = tpu.memref_slice %arg2[%mul3A_4, %dma_wait3A_39] : memref<10240x128xf32, #tpu.memory_space<hbm>> -> memref<640x128xf32, #tpu.memory_space<hbm>>
        tpu.wait_dma2 semaphore(%run_scoped3A_33 : memref<!tpu.dma_semaphore, #tpu.memory_space<semaphore_mem>>) src(%dma_wait3A_40 : memref<640x128xf32, #tpu.memory_space<hbm>>) dst(%dma_wait3A_38 : memref<640x128xf32, #tpu.memory_space<vmem_shared>>)
        tpu.yield
      }) : () -> ()
    } else {
    }
    %eq3A_7 = arith.constant 1 : i32
    %eq3A_8 = arith.cmpi eq, %arg0, %eq3A_7 : i32
    %convert_element_type3A_9 = arith.extui %eq3A_8 : i1 to i32
    %cond3A_10 = arith.constant 0 : i32
    %cond3A_11 = arith.cmpi ne, %convert_element_type3A_9, %cond3A_10 : i32
    scf.if %cond3A_11 {
      "tpu.region"() ({
        %run_scoped3A_33 = tpu.sem_alloc : memref<!tpu.dma_semaphore, #tpu.memory_space<semaphore_mem>>
        %dma_start3A_34 = arith.constant 0 : i32
        %dma_start3A_35 = tpu.memref_slice %arg8[%mul3A_4, %dma_start3A_34] : memref<10240x128xf32, #tpu.memory_space<vmem_shared>> -> memref<640x128xf32, #tpu.memory_space<vmem_shared>>
        %dma_start3A_36 = arith.constant 0 : i32
        %dma_start3A_37 = tpu.memref_slice %arg4[%mul3A_4, %dma_start3A_36] : memref<10240x128xf32, #tpu.memory_space<hbm>> -> memref<640x128xf32, #tpu.memory_space<hbm>>
        tpu.enqueue_dma source(%dma_start3A_37 : memref<640x128xf32, #tpu.memory_space<hbm>>) target(%dma_start3A_35 : memref<640x128xf32, #tpu.memory_space<vmem_shared>>) target_semaphore(%run_scoped3A_33 : memref<!tpu.dma_semaphore, #tpu.memory_space<semaphore_mem>>)
        %dma_wait3A = arith.constant 0 : i32
        %dma_wait3A_38 = tpu.memref_slice %arg8[%mul3A_4, %dma_wait3A] : memref<10240x128xf32, #tpu.memory_space<vmem_shared>> -> memref<640x128xf32, #tpu.memory_space<vmem_shared>>
        %dma_wait3A_39 = arith.constant 0 : i32
        %dma_wait3A_40 = tpu.memref_slice %arg4[%mul3A_4, %dma_wait3A_39] : memref<10240x128xf32, #tpu.memory_space<hbm>> -> memref<640x128xf32, #tpu.memory_space<hbm>>
        tpu.wait_dma2 semaphore(%run_scoped3A_33 : memref<!tpu.dma_semaphore, #tpu.memory_space<semaphore_mem>>) src(%dma_wait3A_40 : memref<640x128xf32, #tpu.memory_space<hbm>>) dst(%dma_wait3A_38 : memref<640x128xf32, #tpu.memory_space<vmem_shared>>)
        tpu.yield
      }) : () -> ()
    } else {
    }
    %run_scoped3A = arith.constant 0 : i32
    "tpu.region"() ({
      %run_scoped3A_33 = tpu.sem_alloc : memref<!tpu.dma_semaphore, #tpu.memory_space<semaphore_mem>>
      %dma_start3A_34 = arith.constant 0 : i32
      %dma_start3A_35 = arith.constant 0 : i32
      %dma_start3A_36 = arith.constant 0 : i32
      %dma_start3A_37 = tpu.memref_slice %arg6[%run_scoped3A, %dma_start3A_34, %dma_start3A_35, %dma_start3A_36] : memref<2x2x16x128xi32, #tpu.memory_space<vmem>> -> memref<1x2x16x128xi32, #tpu.memory_space<vmem>>
      %dma_start3A_38 = tpu.memref_squeeze %dma_start3A_37 : memref<1x2x16x128xi32, #tpu.memory_space<vmem>> -> memref<2x16x128xi32, #tpu.memory_space<vmem>>
      %dma_start3A_39 = arith.constant 0 : i32
      %dma_start3A_40 = arith.constant 0 : i32
      %dma_start3A_41 = arith.constant 0 : i32
      %dma_start3A_42 = tpu.memref_slice %arg3[%mul3A_2, %dma_start3A_39, %dma_start3A_40, %dma_start3A_41] : memref<160x2x16x128xi32, #tpu.memory_space<hbm>> -> memref<1x2x16x128xi32, #tpu.memory_space<hbm>>
      %dma_start3A_43 = tpu.memref_squeeze %dma_start3A_42 : memref<1x2x16x128xi32, #tpu.memory_space<hbm>> -> memref<2x16x128xi32, #tpu.memory_space<hbm>>
      %dma_start3A_44 = arith.constant 0 : i32
      %dma_start3A_45 = arith.constant 0 : i32
      %dma_start3A_46 = arith.constant 0 : i32
      %dma_start3A_47 = tpu.memref_slice %arg6[%run_scoped3A, %dma_start3A_44, %dma_start3A_45, %dma_start3A_46] : memref<2x2x16x128xi32, #tpu.memory_space<vmem>> -> memref<1x2x16x128xi32, #tpu.memory_space<vmem>>
      %dma_start3A_48 = tpu.memref_squeeze %dma_start3A_47 : memref<1x2x16x128xi32, #tpu.memory_space<vmem>> -> memref<2x16x128xi32, #tpu.memory_space<vmem>>
      %dma_start3A_49 = arith.constant 0 : i32
      %dma_start3A_50 = arith.constant 0 : i32
      %dma_start3A_51 = arith.constant 0 : i32
      %dma_start3A_52 = tpu.memref_slice %arg3[%mul3A_2, %dma_start3A_49, %dma_start3A_50, %dma_start3A_51] : memref<160x2x16x128xi32, #tpu.memory_space<hbm>> -> memref<1x2x16x128xi32, #tpu.memory_space<hbm>>
      %dma_start3A_53 = tpu.memref_squeeze %dma_start3A_52 : memref<1x2x16x128xi32, #tpu.memory_space<hbm>> -> memref<2x16x128xi32, #tpu.memory_space<hbm>>
      tpu.enqueue_dma source(%dma_start3A_53 : memref<2x16x128xi32, #tpu.memory_space<hbm>>) target(%dma_start3A_48 : memref<2x16x128xi32, #tpu.memory_space<vmem>>) target_semaphore(%run_scoped3A_33 : memref<!tpu.dma_semaphore, #tpu.memory_space<semaphore_mem>>)
      %dma_wait3A = arith.constant 0 : i32
      %dma_wait3A_54 = arith.constant 0 : i32
      %dma_wait3A_55 = arith.constant 0 : i32
      %dma_wait3A_56 = tpu.memref_slice %arg6[%run_scoped3A, %dma_wait3A, %dma_wait3A_54, %dma_wait3A_55] : memref<2x2x16x128xi32, #tpu.memory_space<vmem>> -> memref<1x2x16x128xi32, #tpu.memory_space<vmem>>
      %dma_wait3A_57 = tpu.memref_squeeze %dma_wait3A_56 : memref<1x2x16x128xi32, #tpu.memory_space<vmem>> -> memref<2x16x128xi32, #tpu.memory_space<vmem>>
      %dma_wait3A_58 = arith.constant 0 : i32
      %dma_wait3A_59 = arith.constant 0 : i32
      %dma_wait3A_60 = arith.constant 0 : i32
      %dma_wait3A_61 = tpu.memref_slice %arg3[%mul3A_2, %dma_wait3A_58, %dma_wait3A_59, %dma_wait3A_60] : memref<160x2x16x128xi32, #tpu.memory_space<hbm>> -> memref<1x2x16x128xi32, #tpu.memory_space<hbm>>
      %dma_wait3A_62 = tpu.memref_squeeze %dma_wait3A_61 : memref<1x2x16x128xi32, #tpu.memory_space<hbm>> -> memref<2x16x128xi32, #tpu.memory_space<hbm>>
      %dma_wait3A_63 = arith.constant 0 : i32
      %dma_wait3A_64 = arith.constant 0 : i32
      %dma_wait3A_65 = arith.constant 0 : i32
      %dma_wait3A_66 = tpu.memref_slice %arg6[%run_scoped3A, %dma_wait3A_63, %dma_wait3A_64, %dma_wait3A_65] : memref<2x2x16x128xi32, #tpu.memory_space<vmem>> -> memref<1x2x16x128xi32, #tpu.memory_space<vmem>>
      %dma_wait3A_67 = tpu.memref_squeeze %dma_wait3A_66 : memref<1x2x16x128xi32, #tpu.memory_space<vmem>> -> memref<2x16x128xi32, #tpu.memory_space<vmem>>
      %dma_wait3A_68 = arith.constant 0 : i32
      %dma_wait3A_69 = arith.constant 0 : i32
      %dma_wait3A_70 = arith.constant 0 : i32
      %dma_wait3A_71 = tpu.memref_slice %arg3[%mul3A_2, %dma_wait3A_68, %dma_wait3A_69, %dma_wait3A_70] : memref<160x2x16x128xi32, #tpu.memory_space<hbm>> -> memref<1x2x16x128xi32, #tpu.memory_space<hbm>>
      %dma_wait3A_72 = tpu.memref_squeeze %dma_wait3A_71 : memref<1x2x16x128xi32, #tpu.memory_space<hbm>> -> memref<2x16x128xi32, #tpu.memory_space<hbm>>
      tpu.wait_dma2 semaphore(%run_scoped3A_33 : memref<!tpu.dma_semaphore, #tpu.memory_space<semaphore_mem>>) src(%dma_wait3A_72 : memref<2x16x128xi32, #tpu.memory_space<hbm>>) dst(%dma_wait3A_67 : memref<2x16x128xi32, #tpu.memory_space<vmem>>)
      tpu.yield
    }) : () -> ()
    %barrier3A = arith.constant 0 : index
    tpu.barrier barrier_id(%barrier3A)
    %dma_start3A = arith.constant 0 : i32
    %dma_start3A_12 = arith.constant 0 : i32
    %dma_start3A_13 = arith.constant 0 : i32
    %dma_start3A_14 = arith.constant 0 : i32
    %dma_start3A_15 = arith.constant 0 : i32
    %dma_start3A_16 = arith.constant 0 : i32
    %dma_start3A_17 = arith.constant 0 : i32
    %dma_start3A_18 = tpu.memref_slice %arg7[%dma_start3A_14, %dma_start3A_16, %dma_start3A_17] : memref<2x128x128xf32, #tpu.memory_space<vmem>> -> memref<1x128x128xf32, #tpu.memory_space<vmem>>
    %dma_start3A_19 = tpu.memref_squeeze %dma_start3A_18 : memref<1x128x128xf32, #tpu.memory_space<vmem>> -> memref<128x128xf32, #tpu.memory_space<vmem>>
    %dma_start3A_20 = arith.constant 0 : i32
    %dma_start3A_21 = tpu.memref_slice %arg6[%dma_start3A, %dma_start3A_12, %dma_start3A_13, %dma_start3A_20] : memref<2x2x16x128xi32, #tpu.memory_space<vmem>> -> memref<1x1x1x128xi32, #tpu.memory_space<vmem>>
    %dma_start3A_22 = tpu.memref_squeeze %dma_start3A_21 : memref<1x1x1x128xi32, #tpu.memory_space<vmem>> -> memref<128xi32, #tpu.memory_space<vmem>>
    %dma_start3A_23 = arith.constant 0 : i32
    %dma_start3A_24 = arith.constant 0 : i32
    %dma_start3A_25 = tpu.memref_slice %arg2[%dma_start3A_23, %dma_start3A_24] : memref<10240x128xf32, #tpu.memory_space<hbm>> -> memref<10240x128xf32, #tpu.memory_space<hbm>>
    %dma_start3A_26 = tpu.memref_slice %arg9[%dma_start3A_15] : memref<2x!tpu.dma_semaphore, #tpu.memory_space<semaphore_mem>> -> memref<1x!tpu.dma_semaphore, #tpu.memory_space<semaphore_mem>>
    %dma_start3A_27 = tpu.memref_squeeze %dma_start3A_26 : memref<1x!tpu.dma_semaphore, #tpu.memory_space<semaphore_mem>> -> memref<!tpu.dma_semaphore, #tpu.memory_space<semaphore_mem>>
    tpu.enqueue_indirect_dma source(%dma_start3A_25 : memref<10240x128xf32, #tpu.memory_space<hbm>>) target(%dma_start3A_19 : memref<128x128xf32, #tpu.memory_space<vmem>>) offsets(%dma_start3A_22 : memref<128xi32, #tpu.memory_space<vmem>>) semaphore(%dma_start3A_27 : memref<!tpu.dma_semaphore, #tpu.memory_space<semaphore_mem>>)
    %scan3A = arith.constant 0 : i32
    %scan3A_28 = arith.constant 80 : i32
    %scan3A_29 = arith.addi %scan3A, %scan3A_28 : i32
    %scan3A_30 = arith.constant 1 : i32
    scf.for %scan3A_33 = %scan3A to %scan3A_29 step %scan3A_30  : i32 {
      %mul3A_34 = arith.constant 1 : i32
      %mul3A_35 = arith.muli %scan3A_33, %mul3A_34 : i32
      %add3A_36 = arith.constant 0 : i32
      %add3A_37 = arith.addi %add3A_36, %mul3A_35 : i32
      %jit3A = arith.constant 16 : i32
      %div3A = arith.divsi %add3A_37, %jit3A : i32
      %sign3A = arith.constant 0 : i32
      %sign3A_38 = arith.cmpi sgt, %add3A_37, %sign3A : i32
      %sign3A_39 = arith.extui %sign3A_38 : i1 to i32
      %sign3A_40 = arith.constant 0 : i32
      %sign3A_41 = arith.cmpi slt, %add3A_37, %sign3A_40 : i32
      %sign3A_42 = arith.extui %sign3A_41 : i1 to i32
      %sign3A_43 = arith.subi %sign3A_39, %sign3A_42 : i32
      %sign3A_44 = arith.constant 0 : i32
      %sign3A_45 = arith.cmpi sgt, %jit3A, %sign3A_44 : i32
      %sign3A_46 = arith.extui %sign3A_45 : i1 to i32
      %sign3A_47 = arith.constant 0 : i32
      %sign3A_48 = arith.cmpi slt, %jit3A, %sign3A_47 : i32
      %sign3A_49 = arith.extui %sign3A_48 : i1 to i32
      %sign3A_50 = arith.subi %sign3A_46, %sign3A_49 : i32
      %ne3A = arith.cmpi ne, %sign3A_43, %sign3A_50 : i32
      %rem3A = arith.remsi %add3A_37, %jit3A : i32
      %ne3A_51 = arith.constant 0 : i32
      %ne3A_52 = arith.cmpi ne, %rem3A, %ne3A_51 : i32
      %and3A = arith.andi %ne3A, %ne3A_52 : i1
      %sub3A = arith.constant 1 : i32
      %sub3A_53 = arith.subi %div3A, %sub3A : i32
      %select_n3A = arith.select %and3A, %sub3A_53, %div3A : i32
      %jit3A_54 = arith.constant 16 : i32
      %eq3A_55 = arith.constant 0 : i32
      %eq3A_56 = arith.cmpi eq, %jit3A_54, %eq3A_55 : i32
      %jit3A_57 = arith.constant 1 : i32
      %select_n3A_58 = arith.select %eq3A_56, %jit3A_57, %jit3A_54 : i32
      %rem3A_59 = arith.remsi %add3A_37, %select_n3A_58 : i32
      %ne3A_60 = arith.constant 0 : i32
      %ne3A_61 = arith.cmpi ne, %rem3A_59, %ne3A_60 : i32
      %lt3A = arith.constant 0 : i32
      %lt3A_62 = arith.cmpi slt, %rem3A_59, %lt3A : i32
      %lt3A_63 = arith.constant 0 : i32
      %lt3A_64 = arith.cmpi slt, %select_n3A_58, %lt3A_63 : i32
      %ne3A_65 = arith.xori %lt3A_62, %lt3A_64 : i1
      %and3A_66 = arith.andi %ne3A_65, %ne3A_61 : i1
      %add3A_67 = arith.addi %rem3A_59, %select_n3A_58 : i32
      %select_n3A_68 = arith.select %and3A_66, %add3A_67, %rem3A_59 : i32
      %jit3A_69 = arith.constant 2 : i32
      %eq3A_70 = arith.constant 0 : i32
      %eq3A_71 = arith.cmpi eq, %jit3A_69, %eq3A_70 : i32
      %jit3A_72 = arith.constant 1 : i32
      %select_n3A_73 = arith.select %eq3A_71, %jit3A_72, %jit3A_69 : i32
      %rem3A_74 = arith.remsi %select_n3A, %select_n3A_73 : i32
      %ne3A_75 = arith.constant 0 : i32
      %ne3A_76 = arith.cmpi ne, %rem3A_74, %ne3A_75 : i32
      %lt3A_77 = arith.constant 0 : i32
      %lt3A_78 = arith.cmpi slt, %rem3A_74, %lt3A_77 : i32
      %lt3A_79 = arith.constant 0 : i32
      %lt3A_80 = arith.cmpi slt, %select_n3A_73, %lt3A_79 : i32
      %ne3A_81 = arith.xori %lt3A_78, %lt3A_80 : i1
      %and3A_82 = arith.andi %ne3A_81, %ne3A_76 : i1
      %add3A_83 = arith.addi %rem3A_74, %select_n3A_73 : i32
      %select_n3A_84 = arith.select %and3A_82, %add3A_83, %rem3A_74 : i32
      %jit3A_85 = arith.constant 2 : i32
      %eq3A_86 = arith.constant 0 : i32
      %eq3A_87 = arith.cmpi eq, %jit3A_85, %eq3A_86 : i32
      %jit3A_88 = arith.constant 1 : i32
      %select_n3A_89 = arith.select %eq3A_87, %jit3A_88, %jit3A_85 : i32
      %rem3A_90 = arith.remsi %add3A_37, %select_n3A_89 : i32
      %ne3A_91 = arith.constant 0 : i32
      %ne3A_92 = arith.cmpi ne, %rem3A_90, %ne3A_91 : i32
      %lt3A_93 = arith.constant 0 : i32
      %lt3A_94 = arith.cmpi slt, %rem3A_90, %lt3A_93 : i32
      %lt3A_95 = arith.constant 0 : i32
      %lt3A_96 = arith.cmpi slt, %select_n3A_89, %lt3A_95 : i32
      %ne3A_97 = arith.xori %lt3A_94, %lt3A_96 : i1
      %and3A_98 = arith.andi %ne3A_97, %ne3A_92 : i1
      %add3A_99 = arith.addi %rem3A_90, %select_n3A_89 : i32
      %select_n3A_100 = arith.select %and3A_98, %add3A_99, %rem3A_90 : i32
      %dma_wait3A = arith.constant 0 : i32
      %dma_wait3A_101 = arith.constant 0 : i32
      %dma_wait3A_102 = arith.constant 0 : i32
      %dma_wait3A_103 = tpu.memref_slice %arg7[%select_n3A_100, %dma_wait3A_101, %dma_wait3A_102] : memref<2x128x128xf32, #tpu.memory_space<vmem>> -> memref<1x128x128xf32, #tpu.memory_space<vmem>>
      %dma_wait3A_104 = tpu.memref_squeeze %dma_wait3A_103 : memref<1x128x128xf32, #tpu.memory_space<vmem>> -> memref<128x128xf32, #tpu.memory_space<vmem>>
      %dma_wait3A_105 = arith.constant 0 : i32
      %dma_wait3A_106 = tpu.memref_slice %arg6[%select_n3A_84, %dma_wait3A, %select_n3A_68, %dma_wait3A_105] : memref<2x2x16x128xi32, #tpu.memory_space<vmem>> -> memref<1x1x1x128xi32, #tpu.memory_space<vmem>>
      %dma_wait3A_107 = tpu.memref_squeeze %dma_wait3A_106 : memref<1x1x1x128xi32, #tpu.memory_space<vmem>> -> memref<128xi32, #tpu.memory_space<vmem>>
      %dma_wait3A_108 = arith.constant 0 : i32
      %dma_wait3A_109 = arith.constant 0 : i32
      %dma_wait3A_110 = tpu.memref_slice %arg2[%dma_wait3A_108, %dma_wait3A_109] : memref<10240x128xf32, #tpu.memory_space<hbm>> -> memref<10240x128xf32, #tpu.memory_space<hbm>>
      %dma_wait3A_111 = tpu.memref_slice %arg9[%select_n3A_100] : memref<2x!tpu.dma_semaphore, #tpu.memory_space<semaphore_mem>> -> memref<1x!tpu.dma_semaphore, #tpu.memory_space<semaphore_mem>>
      %dma_wait3A_112 = tpu.memref_squeeze %dma_wait3A_111 : memref<1x!tpu.dma_semaphore, #tpu.memory_space<semaphore_mem>> -> memref<!tpu.dma_semaphore, #tpu.memory_space<semaphore_mem>>
      tpu.wait_indirect_dma semaphore(%dma_wait3A_112 : memref<!tpu.dma_semaphore, #tpu.memory_space<semaphore_mem>>) src(%dma_wait3A_110 : memref<10240x128xf32, #tpu.memory_space<hbm>>) dst(%dma_wait3A_104 : memref<128x128xf32, #tpu.memory_space<vmem>>)
      %eq3A_113 = arith.constant 0 : i32
      %eq3A_114 = arith.cmpi eq, %select_n3A_68, %eq3A_113 : i32
      %add3A_115 = arith.constant 1 : i32
      %add3A_116 = arith.addi %select_n3A, %add3A_115 : i32
      %lt3A_117 = arith.constant 5 : i32
      %lt3A_118 = arith.cmpi slt, %add3A_116, %lt3A_117 : i32
      %and3A_119 = arith.andi %eq3A_114, %lt3A_118 : i1
      %convert_element_type3A_120 = arith.extui %and3A_119 : i1 to i32
      %cond3A_121 = arith.constant 0 : i32
      %cond3A_122 = arith.cmpi ne, %convert_element_type3A_120, %cond3A_121 : i32
      scf.if %cond3A_122 {
        %add3A_141 = arith.addi %mul3A_2, %select_n3A : i32
        %add3A_142 = arith.constant 1 : i32
        %add3A_143 = arith.addi %add3A_141, %add3A_142 : i32
        %sub3A_144 = arith.constant 1 : i32
        %sub3A_145 = arith.subi %sub3A_144, %select_n3A_84 : i32
        %dma_start3A_146 = arith.constant 0 : i32
        %dma_start3A_147 = arith.constant 0 : i32
        %dma_start3A_148 = arith.constant 0 : i32
        %dma_start3A_149 = tpu.memref_slice %arg6[%sub3A_145, %dma_start3A_146, %dma_start3A_147, %dma_start3A_148] : memref<2x2x16x128xi32, #tpu.memory_space<vmem>> -> memref<1x2x16x128xi32, #tpu.memory_space<vmem>>
        %dma_start3A_150 = tpu.memref_squeeze %dma_start3A_149 : memref<1x2x16x128xi32, #tpu.memory_space<vmem>> -> memref<2x16x128xi32, #tpu.memory_space<vmem>>
        %dma_start3A_151 = arith.constant 0 : i32
        %dma_start3A_152 = arith.constant 0 : i32
        %dma_start3A_153 = arith.constant 0 : i32
        %dma_start3A_154 = tpu.memref_slice %arg3[%add3A_143, %dma_start3A_151, %dma_start3A_152, %dma_start3A_153] : memref<160x2x16x128xi32, #tpu.memory_space<hbm>> -> memref<1x2x16x128xi32, #tpu.memory_space<hbm>>
        %dma_start3A_155 = tpu.memref_squeeze %dma_start3A_154 : memref<1x2x16x128xi32, #tpu.memory_space<hbm>> -> memref<2x16x128xi32, #tpu.memory_space<hbm>>
        %dma_start3A_156 = arith.constant 0 : i32
        %dma_start3A_157 = arith.constant 0 : i32
        %dma_start3A_158 = arith.constant 0 : i32
        %dma_start3A_159 = tpu.memref_slice %arg6[%sub3A_145, %dma_start3A_156, %dma_start3A_157, %dma_start3A_158] : memref<2x2x16x128xi32, #tpu.memory_space<vmem>> -> memref<1x2x16x128xi32, #tpu.memory_space<vmem>>
        %dma_start3A_160 = tpu.memref_squeeze %dma_start3A_159 : memref<1x2x16x128xi32, #tpu.memory_space<vmem>> -> memref<2x16x128xi32, #tpu.memory_space<vmem>>
        %dma_start3A_161 = arith.constant 0 : i32
        %dma_start3A_162 = arith.constant 0 : i32
        %dma_start3A_163 = arith.constant 0 : i32
        %dma_start3A_164 = tpu.memref_slice %arg3[%add3A_143, %dma_start3A_161, %dma_start3A_162, %dma_start3A_163] : memref<160x2x16x128xi32, #tpu.memory_space<hbm>> -> memref<1x2x16x128xi32, #tpu.memory_space<hbm>>
        %dma_start3A_165 = tpu.memref_squeeze %dma_start3A_164 : memref<1x2x16x128xi32, #tpu.memory_space<hbm>> -> memref<2x16x128xi32, #tpu.memory_space<hbm>>
        tpu.enqueue_dma source(%dma_start3A_165 : memref<2x16x128xi32, #tpu.memory_space<hbm>>) target(%dma_start3A_160 : memref<2x16x128xi32, #tpu.memory_space<vmem>>) target_semaphore(%arg10 : memref<!tpu.dma_semaphore, #tpu.memory_space<semaphore_mem>>)
      } else {
      }
      %eq3A_123 = arith.constant 15 : i32
      %eq3A_124 = arith.cmpi eq, %select_n3A_68, %eq3A_123 : i32
      %add3A_125 = arith.constant 1 : i32
      %add3A_126 = arith.addi %select_n3A, %add3A_125 : i32
      %lt3A_127 = arith.constant 5 : i32
      %lt3A_128 = arith.cmpi slt, %add3A_126, %lt3A_127 : i32
      %and3A_129 = arith.andi %eq3A_124, %lt3A_128 : i1
      %convert_element_type3A_130 = arith.extui %and3A_129 : i1 to i32
      %cond3A_131 = arith.constant 0 : i32
      %cond3A_132 = arith.cmpi ne, %convert_element_type3A_130, %cond3A_131 : i32
      scf.if %cond3A_132 {
        %add3A_141 = arith.addi %mul3A_2, %select_n3A : i32
        %add3A_142 = arith.constant 1 : i32
        %add3A_143 = arith.addi %add3A_141, %add3A_142 : i32
        %sub3A_144 = arith.constant 1 : i32
        %sub3A_145 = arith.subi %sub3A_144, %select_n3A_84 : i32
        %dma_wait3A_146 = arith.constant 0 : i32
        %dma_wait3A_147 = arith.constant 0 : i32
        %dma_wait3A_148 = arith.constant 0 : i32
        %dma_wait3A_149 = tpu.memref_slice %arg6[%sub3A_145, %dma_wait3A_146, %dma_wait3A_147, %dma_wait3A_148] : memref<2x2x16x128xi32, #tpu.memory_space<vmem>> -> memref<1x2x16x128xi32, #tpu.memory_space<vmem>>
        %dma_wait3A_150 = tpu.memref_squeeze %dma_wait3A_149 : memref<1x2x16x128xi32, #tpu.memory_space<vmem>> -> memref<2x16x128xi32, #tpu.memory_space<vmem>>
        %dma_wait3A_151 = arith.constant 0 : i32
        %dma_wait3A_152 = arith.constant 0 : i32
        %dma_wait3A_153 = arith.constant 0 : i32
        %dma_wait3A_154 = tpu.memref_slice %arg3[%add3A_143, %dma_wait3A_151, %dma_wait3A_152, %dma_wait3A_153] : memref<160x2x16x128xi32, #tpu.memory_space<hbm>> -> memref<1x2x16x128xi32, #tpu.memory_space<hbm>>
        %dma_wait3A_155 = tpu.memref_squeeze %dma_wait3A_154 : memref<1x2x16x128xi32, #tpu.memory_space<hbm>> -> memref<2x16x128xi32, #tpu.memory_space<hbm>>
        %dma_wait3A_156 = arith.constant 0 : i32
        %dma_wait3A_157 = arith.constant 0 : i32
        %dma_wait3A_158 = arith.constant 0 : i32
        %dma_wait3A_159 = tpu.memref_slice %arg6[%sub3A_145, %dma_wait3A_156, %dma_wait3A_157, %dma_wait3A_158] : memref<2x2x16x128xi32, #tpu.memory_space<vmem>> -> memref<1x2x16x128xi32, #tpu.memory_space<vmem>>
        %dma_wait3A_160 = tpu.memref_squeeze %dma_wait3A_159 : memref<1x2x16x128xi32, #tpu.memory_space<vmem>> -> memref<2x16x128xi32, #tpu.memory_space<vmem>>
        %dma_wait3A_161 = arith.constant 0 : i32
        %dma_wait3A_162 = arith.constant 0 : i32
        %dma_wait3A_163 = arith.constant 0 : i32
        %dma_wait3A_164 = tpu.memref_slice %arg3[%add3A_143, %dma_wait3A_161, %dma_wait3A_162, %dma_wait3A_163] : memref<160x2x16x128xi32, #tpu.memory_space<hbm>> -> memref<1x2x16x128xi32, #tpu.memory_space<hbm>>
        %dma_wait3A_165 = tpu.memref_squeeze %dma_wait3A_164 : memref<1x2x16x128xi32, #tpu.memory_space<hbm>> -> memref<2x16x128xi32, #tpu.memory_space<hbm>>
        tpu.wait_dma2 semaphore(%arg10 : memref<!tpu.dma_semaphore, #tpu.memory_space<semaphore_mem>>) src(%dma_wait3A_165 : memref<2x16x128xi32, #tpu.memory_space<hbm>>) dst(%dma_wait3A_160 : memref<2x16x128xi32, #tpu.memory_space<vmem>>)
      } else {
      }
      %add3A_133 = arith.constant 1 : i32
      %add3A_134 = arith.addi %add3A_37, %add3A_133 : i32
      %lt3A_135 = arith.constant 80 : i32
      %lt3A_136 = arith.cmpi slt, %add3A_134, %lt3A_135 : i32
      %convert_element_type3A_137 = arith.extui %lt3A_136 : i1 to i32
      %cond3A_138 = arith.constant 0 : i32
      %cond3A_139 = arith.cmpi ne, %convert_element_type3A_137, %cond3A_138 : i32
      scf.if %cond3A_139 {
        %add3A_141 = arith.constant 1 : i32
        %add3A_142 = arith.addi %add3A_37, %add3A_141 : i32
        %jit3A_143 = arith.constant 16 : i32
        %div3A_144 = arith.divsi %add3A_142, %jit3A_143 : i32
        %sign3A_145 = arith.constant 0 : i32
        %sign3A_146 = arith.cmpi sgt, %add3A_142, %sign3A_145 : i32
        %sign3A_147 = arith.extui %sign3A_146 : i1 to i32
        %sign3A_148 = arith.constant 0 : i32
        %sign3A_149 = arith.cmpi slt, %add3A_142, %sign3A_148 : i32
        %sign3A_150 = arith.extui %sign3A_149 : i1 to i32
        %sign3A_151 = arith.subi %sign3A_147, %sign3A_150 : i32
        %sign3A_152 = arith.constant 0 : i32
        %sign3A_153 = arith.cmpi sgt, %jit3A_143, %sign3A_152 : i32
        %sign3A_154 = arith.extui %sign3A_153 : i1 to i32
        %sign3A_155 = arith.constant 0 : i32
        %sign3A_156 = arith.cmpi slt, %jit3A_143, %sign3A_155 : i32
        %sign3A_157 = arith.extui %sign3A_156 : i1 to i32
        %sign3A_158 = arith.subi %sign3A_154, %sign3A_157 : i32
        %ne3A_159 = arith.cmpi ne, %sign3A_151, %sign3A_158 : i32
        %rem3A_160 = arith.remsi %add3A_142, %jit3A_143 : i32
        %ne3A_161 = arith.constant 0 : i32
        %ne3A_162 = arith.cmpi ne, %rem3A_160, %ne3A_161 : i32
        %and3A_163 = arith.andi %ne3A_159, %ne3A_162 : i1
        %sub3A_164 = arith.constant 1 : i32
        %sub3A_165 = arith.subi %div3A_144, %sub3A_164 : i32
        %select_n3A_166 = arith.select %and3A_163, %sub3A_165, %div3A_144 : i32
        %jit3A_167 = arith.constant 2 : i32
        %eq3A_168 = arith.constant 0 : i32
        %eq3A_169 = arith.cmpi eq, %jit3A_167, %eq3A_168 : i32
        %jit3A_170 = arith.constant 1 : i32
        %select_n3A_171 = arith.select %eq3A_169, %jit3A_170, %jit3A_167 : i32
        %rem3A_172 = arith.remsi %select_n3A_166, %select_n3A_171 : i32
        %ne3A_173 = arith.constant 0 : i32
        %ne3A_174 = arith.cmpi ne, %rem3A_172, %ne3A_173 : i32
        %lt3A_175 = arith.constant 0 : i32
        %lt3A_176 = arith.cmpi slt, %rem3A_172, %lt3A_175 : i32
        %lt3A_177 = arith.constant 0 : i32
        %lt3A_178 = arith.cmpi slt, %select_n3A_171, %lt3A_177 : i32
        %ne3A_179 = arith.xori %lt3A_176, %lt3A_178 : i1
        %and3A_180 = arith.andi %ne3A_179, %ne3A_174 : i1
        %add3A_181 = arith.addi %rem3A_172, %select_n3A_171 : i32
        %select_n3A_182 = arith.select %and3A_180, %add3A_181, %rem3A_172 : i32
        %jit3A_183 = arith.constant 16 : i32
        %eq3A_184 = arith.constant 0 : i32
        %eq3A_185 = arith.cmpi eq, %jit3A_183, %eq3A_184 : i32
        %jit3A_186 = arith.constant 1 : i32
        %select_n3A_187 = arith.select %eq3A_185, %jit3A_186, %jit3A_183 : i32
        %rem3A_188 = arith.remsi %add3A_142, %select_n3A_187 : i32
        %ne3A_189 = arith.constant 0 : i32
        %ne3A_190 = arith.cmpi ne, %rem3A_188, %ne3A_189 : i32
        %lt3A_191 = arith.constant 0 : i32
        %lt3A_192 = arith.cmpi slt, %rem3A_188, %lt3A_191 : i32
        %lt3A_193 = arith.constant 0 : i32
        %lt3A_194 = arith.cmpi slt, %select_n3A_187, %lt3A_193 : i32
        %ne3A_195 = arith.xori %lt3A_192, %lt3A_194 : i1
        %and3A_196 = arith.andi %ne3A_195, %ne3A_190 : i1
        %add3A_197 = arith.addi %rem3A_188, %select_n3A_187 : i32
        %select_n3A_198 = arith.select %and3A_196, %add3A_197, %rem3A_188 : i32
        %sub3A_199 = arith.constant 1 : i32
        %sub3A_200 = arith.subi %sub3A_199, %select_n3A_100 : i32
        %sub3A_201 = arith.constant 1 : i32
        %sub3A_202 = arith.subi %sub3A_201, %select_n3A_100 : i32
        %dma_start3A_203 = arith.constant 0 : i32
        %dma_start3A_204 = arith.constant 0 : i32
        %dma_start3A_205 = arith.constant 0 : i32
        %dma_start3A_206 = tpu.memref_slice %arg7[%sub3A_200, %dma_start3A_204, %dma_start3A_205] : memref<2x128x128xf32, #tpu.memory_space<vmem>> -> memref<1x128x128xf32, #tpu.memory_space<vmem>>
        %dma_start3A_207 = tpu.memref_squeeze %dma_start3A_206 : memref<1x128x128xf32, #tpu.memory_space<vmem>> -> memref<128x128xf32, #tpu.memory_space<vmem>>
        %dma_start3A_208 = arith.constant 0 : i32
        %dma_start3A_209 = tpu.memref_slice %arg6[%select_n3A_182, %dma_start3A_203, %select_n3A_198, %dma_start3A_208] : memref<2x2x16x128xi32, #tpu.memory_space<vmem>> -> memref<1x1x1x128xi32, #tpu.memory_space<vmem>>
        %dma_start3A_210 = tpu.memref_squeeze %dma_start3A_209 : memref<1x1x1x128xi32, #tpu.memory_space<vmem>> -> memref<128xi32, #tpu.memory_space<vmem>>
        %dma_start3A_211 = arith.constant 0 : i32
        %dma_start3A_212 = arith.constant 0 : i32
        %dma_start3A_213 = tpu.memref_slice %arg2[%dma_start3A_211, %dma_start3A_212] : memref<10240x128xf32, #tpu.memory_space<hbm>> -> memref<10240x128xf32, #tpu.memory_space<hbm>>
        %dma_start3A_214 = tpu.memref_slice %arg9[%sub3A_202] : memref<2x!tpu.dma_semaphore, #tpu.memory_space<semaphore_mem>> -> memref<1x!tpu.dma_semaphore, #tpu.memory_space<semaphore_mem>>
        %dma_start3A_215 = tpu.memref_squeeze %dma_start3A_214 : memref<1x!tpu.dma_semaphore, #tpu.memory_space<semaphore_mem>> -> memref<!tpu.dma_semaphore, #tpu.memory_space<semaphore_mem>>
        tpu.enqueue_indirect_dma source(%dma_start3A_213 : memref<10240x128xf32, #tpu.memory_space<hbm>>) target(%dma_start3A_207 : memref<128x128xf32, #tpu.memory_space<vmem>>) offsets(%dma_start3A_210 : memref<128xi32, #tpu.memory_space<vmem>>) semaphore(%dma_start3A_215 : memref<!tpu.dma_semaphore, #tpu.memory_space<semaphore_mem>>)
      } else {
      }
      %run_scoped3A_140 = arith.constant 1 : i32
      "tpu.region"() ({
        %run_scoped3A_141 = tpu.sem_alloc : memref<!tpu.dma_semaphore, #tpu.memory_space<semaphore_mem>>
        %dma_start3A_142 = arith.constant 0 : i32
        %dma_start3A_143 = arith.constant 0 : i32
        %dma_start3A_144 = tpu.memref_slice %arg7[%select_n3A_100, %dma_start3A_142, %dma_start3A_143] : memref<2x128x128xf32, #tpu.memory_space<vmem>> -> memref<1x128x128xf32, #tpu.memory_space<vmem>>
        %dma_start3A_145 = tpu.memref_squeeze %dma_start3A_144 : memref<1x128x128xf32, #tpu.memory_space<vmem>> -> memref<128x128xf32, #tpu.memory_space<vmem>>
        %dma_start3A_146 = arith.constant 0 : i32
        %dma_start3A_147 = tpu.memref_slice %arg6[%select_n3A_84, %run_scoped3A_140, %select_n3A_68, %dma_start3A_146] : memref<2x2x16x128xi32, #tpu.memory_space<vmem>> -> memref<1x1x1x128xi32, #tpu.memory_space<vmem>>
        %dma_start3A_148 = tpu.memref_squeeze %dma_start3A_147 : memref<1x1x1x128xi32, #tpu.memory_space<vmem>> -> memref<128xi32, #tpu.memory_space<vmem>>
        %dma_start3A_149 = arith.constant 0 : i32
        %dma_start3A_150 = arith.constant 0 : i32
        %dma_start3A_151 = tpu.memref_slice %arg8[%dma_start3A_149, %dma_start3A_150] : memref<10240x128xf32, #tpu.memory_space<vmem_shared>> -> memref<10240x128xf32, #tpu.memory_space<vmem_shared>>
        tpu.enqueue_indirect_dma source(%dma_start3A_145 : memref<128x128xf32, #tpu.memory_space<vmem>>) target(%dma_start3A_151 : memref<10240x128xf32, #tpu.memory_space<vmem_shared>>) offsets(%dma_start3A_148 : memref<128xi32, #tpu.memory_space<vmem>>) semaphore(%run_scoped3A_141 : memref<!tpu.dma_semaphore, #tpu.memory_space<semaphore_mem>>) {add = true}
        %dma_wait3A_152 = arith.constant 0 : i32
        %dma_wait3A_153 = arith.constant 0 : i32
        %dma_wait3A_154 = tpu.memref_slice %arg7[%select_n3A_100, %dma_wait3A_152, %dma_wait3A_153] : memref<2x128x128xf32, #tpu.memory_space<vmem>> -> memref<1x128x128xf32, #tpu.memory_space<vmem>>
        %dma_wait3A_155 = tpu.memref_squeeze %dma_wait3A_154 : memref<1x128x128xf32, #tpu.memory_space<vmem>> -> memref<128x128xf32, #tpu.memory_space<vmem>>
        %dma_wait3A_156 = arith.constant 0 : i32
        %dma_wait3A_157 = tpu.memref_slice %arg6[%select_n3A_84, %run_scoped3A_140, %select_n3A_68, %dma_wait3A_156] : memref<2x2x16x128xi32, #tpu.memory_space<vmem>> -> memref<1x1x1x128xi32, #tpu.memory_space<vmem>>
        %dma_wait3A_158 = tpu.memref_squeeze %dma_wait3A_157 : memref<1x1x1x128xi32, #tpu.memory_space<vmem>> -> memref<128xi32, #tpu.memory_space<vmem>>
        %dma_wait3A_159 = arith.constant 0 : i32
        %dma_wait3A_160 = arith.constant 0 : i32
        %dma_wait3A_161 = tpu.memref_slice %arg8[%dma_wait3A_159, %dma_wait3A_160] : memref<10240x128xf32, #tpu.memory_space<vmem_shared>> -> memref<10240x128xf32, #tpu.memory_space<vmem_shared>>
        tpu.wait_indirect_dma semaphore(%run_scoped3A_141 : memref<!tpu.dma_semaphore, #tpu.memory_space<semaphore_mem>>) src(%dma_wait3A_155 : memref<128x128xf32, #tpu.memory_space<vmem>>) dst(%dma_wait3A_161 : memref<10240x128xf32, #tpu.memory_space<vmem_shared>>)
        tpu.yield
      }) : () -> ()
    }
    %scan3A_31 = arith.constant 80 : i32
    %barrier3A_32 = arith.constant 0 : index
    tpu.barrier barrier_id(%barrier3A_32)
    "tpu.region"() ({
      %run_scoped3A_33 = tpu.sem_alloc : memref<!tpu.dma_semaphore, #tpu.memory_space<semaphore_mem>>
      %dma_start3A_34 = arith.constant 0 : i32
      %dma_start3A_35 = tpu.memref_slice %arg5[%arg0, %mul3A_4, %dma_start3A_34] : memref<2x10240x128xf32, #tpu.memory_space<hbm>> -> memref<1x640x128xf32, #tpu.memory_space<hbm>>
      %dma_start3A_36 = tpu.memref_squeeze %dma_start3A_35 : memref<1x640x128xf32, #tpu.memory_space<hbm>> -> memref<640x128xf32, #tpu.memory_space<hbm>>
      %dma_start3A_37 = arith.constant 0 : i32
      %dma_start3A_38 = tpu.memref_slice %arg8[%mul3A_4, %dma_start3A_37] : memref<10240x128xf32, #tpu.memory_space<vmem_shared>> -> memref<640x128xf32, #tpu.memory_space<vmem_shared>>
      tpu.enqueue_dma source(%dma_start3A_38 : memref<640x128xf32, #tpu.memory_space<vmem_shared>>) target(%dma_start3A_36 : memref<640x128xf32, #tpu.memory_space<hbm>>) target_semaphore(%run_scoped3A_33 : memref<!tpu.dma_semaphore, #tpu.memory_space<semaphore_mem>>)
      %dma_wait3A = arith.constant 0 : i32
      %dma_wait3A_39 = tpu.memref_slice %arg5[%arg0, %mul3A_4, %dma_wait3A] : memref<2x10240x128xf32, #tpu.memory_space<hbm>> -> memref<1x640x128xf32, #tpu.memory_space<hbm>>
      %dma_wait3A_40 = tpu.memref_squeeze %dma_wait3A_39 : memref<1x640x128xf32, #tpu.memory_space<hbm>> -> memref<640x128xf32, #tpu.memory_space<hbm>>
      %dma_wait3A_41 = arith.constant 0 : i32
      %dma_wait3A_42 = tpu.memref_slice %arg8[%mul3A_4, %dma_wait3A_41] : memref<10240x128xf32, #tpu.memory_space<vmem_shared>> -> memref<640x128xf32, #tpu.memory_space<vmem_shared>>
      tpu.wait_dma2 semaphore(%run_scoped3A_33 : memref<!tpu.dma_semaphore, #tpu.memory_space<semaphore_mem>>) src(%dma_wait3A_42 : memref<640x128xf32, #tpu.memory_space<vmem_shared>>) dst(%dma_wait3A_40 : memref<640x128xf32, #tpu.memory_space<hbm>>)
      tpu.yield
    }) : () -> ()
    return
  }
}

#map = affine_map<(d0, d1) -> (0, 0, 0)>
#map1 = affine_map<(d0, d1) -> (0, 0)>
module attributes {stable_mosaic.version = 14 : i64} {
  func.func @k(%arg0: i32, %arg1: i32, %arg2: memref<32x80x128xi32, #tpu.memory_space<hbm>>, %arg3: memref<2x10240xf32, #tpu.memory_space<hbm>>, %arg4: memref<80x128xi32, #tpu.memory_space<vmem>>, %arg5: memref<128xf32, #tpu.memory_space<vmem>>, %arg6: memref<640xf32, #tpu.memory_space<vmem>>, %arg7: memref<10240xf32, #tpu.memory_space<vmem_shared>>) attributes {dimension_semantics = [#tpu.dimension_semantics<core_parallel>, #tpu.dimension_semantics<subcore_parallel>], iteration_bounds = array<i64: 2, 16>, scalar_prefetch = 0 : i64, scratch_operands = 4 : i64, tpu.core_type = #tpu.core_type<sc_vector_subcore>, window_params = [{transform_indices = #map}, {transform_indices = #map1}]} {
    %mul3A = arith.constant 16 : i32
    %mul3A_0 = arith.muli %arg0, %mul3A : i32
    %add3A = arith.addi %mul3A_0, %arg1 : i32
    %mul3A_1 = arith.constant 640 : i32
    %mul3A_2 = arith.muli %arg1, %mul3A_1 : i32
    %eq3A = arith.constant 0 : i32
    %eq3A_3 = arith.cmpi eq, %arg0, %eq3A : i32
    %jit3A = arith.constant 1.000000e+00 : f32
    %jit3A_4 = arith.constant 0.000000e+00 : f32
    %select_n3A = arith.select %eq3A_3, %jit3A, %jit3A_4 : f32
    %broadcast_in_dim3A = arith.constant 1.000000e+00 : f32
    %broadcast_in_dim3A_5 = vector.broadcast %broadcast_in_dim3A : f32 to vector<16xf32>
    %swap3A = arith.constant 0 : index
    %swap3A_6 = tpu.vector_load %arg5[%swap3A] {strides = array<i32>} : memref<128xf32, #tpu.memory_space<vmem>>, vector<16xf32>,
    %swap3A_7 = vector.shape_cast %swap3A_6 : vector<16xf32> to vector<16xf32>
    %swap3A_8 = vector.shape_cast %broadcast_in_dim3A_5 : vector<16xf32> to vector<16xf32>
    tpu.vector_store %arg5[%swap3A], %swap3A_8 {strides = array<i32>} : memref<128xf32, #tpu.memory_space<vmem>>, vector<16xf32>,
    %broadcast_in_dim3A_9 = arith.constant 1.000000e+00 : f32
    %broadcast_in_dim3A_10 = vector.broadcast %broadcast_in_dim3A_9 : f32 to vector<16xf32>
    %swap3A_11 = arith.constant 16 : index
    %swap3A_12 = tpu.vector_load %arg5[%swap3A_11] {strides = array<i32>} : memref<128xf32, #tpu.memory_space<vmem>>, vector<16xf32>,
    %swap3A_13 = vector.shape_cast %swap3A_12 : vector<16xf32> to vector<16xf32>
    %swap3A_14 = vector.shape_cast %broadcast_in_dim3A_10 : vector<16xf32> to vector<16xf32>
    tpu.vector_store %arg5[%swap3A_11], %swap3A_14 {strides = array<i32>} : memref<128xf32, #tpu.memory_space<vmem>>, vector<16xf32>,
    %broadcast_in_dim3A_15 = arith.constant 1.000000e+00 : f32
    %broadcast_in_dim3A_16 = vector.broadcast %broadcast_in_dim3A_15 : f32 to vector<16xf32>
    %swap3A_17 = arith.constant 32 : index
    %swap3A_18 = tpu.vector_load %arg5[%swap3A_17] {strides = array<i32>} : memref<128xf32, #tpu.memory_space<vmem>>, vector<16xf32>,
    %swap3A_19 = vector.shape_cast %swap3A_18 : vector<16xf32> to vector<16xf32>
    %swap3A_20 = vector.shape_cast %broadcast_in_dim3A_16 : vector<16xf32> to vector<16xf32>
    tpu.vector_store %arg5[%swap3A_17], %swap3A_20 {strides = array<i32>} : memref<128xf32, #tpu.memory_space<vmem>>, vector<16xf32>,
    %broadcast_in_dim3A_21 = arith.constant 1.000000e+00 : f32
    %broadcast_in_dim3A_22 = vector.broadcast %broadcast_in_dim3A_21 : f32 to vector<16xf32>
    %swap3A_23 = arith.constant 48 : index
    %swap3A_24 = tpu.vector_load %arg5[%swap3A_23] {strides = array<i32>} : memref<128xf32, #tpu.memory_space<vmem>>, vector<16xf32>,
    %swap3A_25 = vector.shape_cast %swap3A_24 : vector<16xf32> to vector<16xf32>
    %swap3A_26 = vector.shape_cast %broadcast_in_dim3A_22 : vector<16xf32> to vector<16xf32>
    tpu.vector_store %arg5[%swap3A_23], %swap3A_26 {strides = array<i32>} : memref<128xf32, #tpu.memory_space<vmem>>, vector<16xf32>,
    %broadcast_in_dim3A_27 = arith.constant 1.000000e+00 : f32
    %broadcast_in_dim3A_28 = vector.broadcast %broadcast_in_dim3A_27 : f32 to vector<16xf32>
    %swap3A_29 = arith.constant 64 : index
    %swap3A_30 = tpu.vector_load %arg5[%swap3A_29] {strides = array<i32>} : memref<128xf32, #tpu.memory_space<vmem>>, vector<16xf32>,
    %swap3A_31 = vector.shape_cast %swap3A_30 : vector<16xf32> to vector<16xf32>
    %swap3A_32 = vector.shape_cast %broadcast_in_dim3A_28 : vector<16xf32> to vector<16xf32>
    tpu.vector_store %arg5[%swap3A_29], %swap3A_32 {strides = array<i32>} : memref<128xf32, #tpu.memory_space<vmem>>, vector<16xf32>,
    %broadcast_in_dim3A_33 = arith.constant 1.000000e+00 : f32
    %broadcast_in_dim3A_34 = vector.broadcast %broadcast_in_dim3A_33 : f32 to vector<16xf32>
    %swap3A_35 = arith.constant 80 : index
    %swap3A_36 = tpu.vector_load %arg5[%swap3A_35] {strides = array<i32>} : memref<128xf32, #tpu.memory_space<vmem>>, vector<16xf32>,
    %swap3A_37 = vector.shape_cast %swap3A_36 : vector<16xf32> to vector<16xf32>
    %swap3A_38 = vector.shape_cast %broadcast_in_dim3A_34 : vector<16xf32> to vector<16xf32>
    tpu.vector_store %arg5[%swap3A_35], %swap3A_38 {strides = array<i32>} : memref<128xf32, #tpu.memory_space<vmem>>, vector<16xf32>,
    %broadcast_in_dim3A_39 = arith.constant 1.000000e+00 : f32
    %broadcast_in_dim3A_40 = vector.broadcast %broadcast_in_dim3A_39 : f32 to vector<16xf32>
    %swap3A_41 = arith.constant 96 : index
    %swap3A_42 = tpu.vector_load %arg5[%swap3A_41] {strides = array<i32>} : memref<128xf32, #tpu.memory_space<vmem>>, vector<16xf32>,
    %swap3A_43 = vector.shape_cast %swap3A_42 : vector<16xf32> to vector<16xf32>
    %swap3A_44 = vector.shape_cast %broadcast_in_dim3A_40 : vector<16xf32> to vector<16xf32>
    tpu.vector_store %arg5[%swap3A_41], %swap3A_44 {strides = array<i32>} : memref<128xf32, #tpu.memory_space<vmem>>, vector<16xf32>,
    %broadcast_in_dim3A_45 = arith.constant 1.000000e+00 : f32
    %broadcast_in_dim3A_46 = vector.broadcast %broadcast_in_dim3A_45 : f32 to vector<16xf32>
    %swap3A_47 = arith.constant 112 : index
    %swap3A_48 = tpu.vector_load %arg5[%swap3A_47] {strides = array<i32>} : memref<128xf32, #tpu.memory_space<vmem>>, vector<16xf32>,
    %swap3A_49 = vector.shape_cast %swap3A_48 : vector<16xf32> to vector<16xf32>
    %swap3A_50 = vector.shape_cast %broadcast_in_dim3A_46 : vector<16xf32> to vector<16xf32>
    tpu.vector_store %arg5[%swap3A_47], %swap3A_50 {strides = array<i32>} : memref<128xf32, #tpu.memory_space<vmem>>, vector<16xf32>,
    %scan3A = arith.constant 0 : i32
    %scan3A_51 = arith.constant 40 : i32
    %scan3A_52 = arith.addi %scan3A, %scan3A_51 : i32
    %scan3A_53 = arith.constant 1 : i32
    scf.for %scan3A_61 = %scan3A to %scan3A_52 step %scan3A_53  : i32 {
      %mul3A_62 = arith.constant 1 : i32
      %mul3A_63 = arith.muli %scan3A_61, %mul3A_62 : i32
      %add3A_64 = arith.constant 0 : i32
      %add3A_65 = arith.addi %add3A_64, %mul3A_63 : i32
      %broadcast_in_dim3A_66 = arith.constant 0.000000e+00 : f32
      %broadcast_in_dim3A_67 = vector.broadcast %broadcast_in_dim3A_66 : f32 to vector<16xf32>
      %add3A_68 = vector.broadcast %select_n3A : f32 to vector<16xf32>
      %add3A_69 = arith.addf %broadcast_in_dim3A_67, %add3A_68 : vector<16xf32>
      %mul3A_70 = arith.constant 16 : i32
      %mul3A_71 = arith.muli %add3A_65, %mul3A_70 : i32
      %swap3A_72 = arith.index_cast %mul3A_71 : i32 to index
      %swap3A_73 = tpu.vector_load %arg6[%swap3A_72] {strides = array<i32>} : memref<640xf32, #tpu.memory_space<vmem>>, vector<16xf32>,
      %swap3A_74 = vector.shape_cast %swap3A_73 : vector<16xf32> to vector<16xf32>
      %swap3A_75 = vector.shape_cast %add3A_69 : vector<16xf32> to vector<16xf32>
      tpu.vector_store %arg6[%swap3A_72], %swap3A_75 {strides = array<i32>} : memref<640xf32, #tpu.memory_space<vmem>>, vector<16xf32>,
    }
    %scan3A_54 = arith.constant 40 : i32
    "tpu.region"() ({
      %run_scoped3A = tpu.sem_alloc : memref<!tpu.dma_semaphore, #tpu.memory_space<semaphore_mem>>
      %dma_start3A = tpu.memref_slice %arg7[%mul3A_2] : memref<10240xf32, #tpu.memory_space<vmem_shared>> -> memref<640xf32, #tpu.memory_space<vmem_shared>>
      %dma_start3A_61 = tpu.memref_slice %arg7[%mul3A_2] : memref<10240xf32, #tpu.memory_space<vmem_shared>> -> memref<640xf32, #tpu.memory_space<vmem_shared>>
      tpu.enqueue_dma source(%arg6 : memref<640xf32, #tpu.memory_space<vmem>>) target(%dma_start3A_61 : memref<640xf32, #tpu.memory_space<vmem_shared>>) target_semaphore(%run_scoped3A : memref<!tpu.dma_semaphore, #tpu.memory_space<semaphore_mem>>)
      %dma_wait3A = tpu.memref_slice %arg7[%mul3A_2] : memref<10240xf32, #tpu.memory_space<vmem_shared>> -> memref<640xf32, #tpu.memory_space<vmem_shared>>
      %dma_wait3A_62 = tpu.memref_slice %arg7[%mul3A_2] : memref<10240xf32, #tpu.memory_space<vmem_shared>> -> memref<640xf32, #tpu.memory_space<vmem_shared>>
      tpu.wait_dma2 semaphore(%run_scoped3A : memref<!tpu.dma_semaphore, #tpu.memory_space<semaphore_mem>>) src(%arg6 : memref<640xf32, #tpu.memory_space<vmem>>) dst(%dma_wait3A_62 : memref<640xf32, #tpu.memory_space<vmem_shared>>)
      tpu.yield
    }) : () -> ()
    "tpu.region"() ({
      %run_scoped3A = tpu.sem_alloc : memref<!tpu.dma_semaphore, #tpu.memory_space<semaphore_mem>>
      %dma_start3A = arith.constant 0 : i32
      %dma_start3A_61 = arith.constant 0 : i32
      %dma_start3A_62 = tpu.memref_slice %arg2[%add3A, %dma_start3A, %dma_start3A_61] : memref<32x80x128xi32, #tpu.memory_space<hbm>> -> memref<1x80x128xi32, #tpu.memory_space<hbm>>
      %dma_start3A_63 = tpu.memref_squeeze %dma_start3A_62 : memref<1x80x128xi32, #tpu.memory_space<hbm>> -> memref<80x128xi32, #tpu.memory_space<hbm>>
      %dma_start3A_64 = arith.constant 0 : i32
      %dma_start3A_65 = arith.constant 0 : i32
      %dma_start3A_66 = tpu.memref_slice %arg2[%add3A, %dma_start3A_64, %dma_start3A_65] : memref<32x80x128xi32, #tpu.memory_space<hbm>> -> memref<1x80x128xi32, #tpu.memory_space<hbm>>
      %dma_start3A_67 = tpu.memref_squeeze %dma_start3A_66 : memref<1x80x128xi32, #tpu.memory_space<hbm>> -> memref<80x128xi32, #tpu.memory_space<hbm>>
      tpu.enqueue_dma source(%dma_start3A_67 : memref<80x128xi32, #tpu.memory_space<hbm>>) target(%arg4 : memref<80x128xi32, #tpu.memory_space<vmem>>) target_semaphore(%run_scoped3A : memref<!tpu.dma_semaphore, #tpu.memory_space<semaphore_mem>>)
      %dma_wait3A = arith.constant 0 : i32
      %dma_wait3A_68 = arith.constant 0 : i32
      %dma_wait3A_69 = tpu.memref_slice %arg2[%add3A, %dma_wait3A, %dma_wait3A_68] : memref<32x80x128xi32, #tpu.memory_space<hbm>> -> memref<1x80x128xi32, #tpu.memory_space<hbm>>
      %dma_wait3A_70 = tpu.memref_squeeze %dma_wait3A_69 : memref<1x80x128xi32, #tpu.memory_space<hbm>> -> memref<80x128xi32, #tpu.memory_space<hbm>>
      %dma_wait3A_71 = arith.constant 0 : i32
      %dma_wait3A_72 = arith.constant 0 : i32
      %dma_wait3A_73 = tpu.memref_slice %arg2[%add3A, %dma_wait3A_71, %dma_wait3A_72] : memref<32x80x128xi32, #tpu.memory_space<hbm>> -> memref<1x80x128xi32, #tpu.memory_space<hbm>>
      %dma_wait3A_74 = tpu.memref_squeeze %dma_wait3A_73 : memref<1x80x128xi32, #tpu.memory_space<hbm>> -> memref<80x128xi32, #tpu.memory_space<hbm>>
      tpu.wait_dma2 semaphore(%run_scoped3A : memref<!tpu.dma_semaphore, #tpu.memory_space<semaphore_mem>>) src(%dma_wait3A_74 : memref<80x128xi32, #tpu.memory_space<hbm>>) dst(%arg4 : memref<80x128xi32, #tpu.memory_space<vmem>>)
      tpu.yield
    }) : () -> ()
    %barrier3A = arith.constant 0 : index
    tpu.barrier barrier_id(%barrier3A)
    %scan3A_55 = arith.constant 0 : i32
    %scan3A_56 = arith.constant 80 : i32
    %scan3A_57 = arith.addi %scan3A_55, %scan3A_56 : i32
    %scan3A_58 = arith.constant 1 : i32
    scf.for %scan3A_61 = %scan3A_55 to %scan3A_57 step %scan3A_58  : i32 {
      %mul3A_62 = arith.constant 1 : i32
      %mul3A_63 = arith.muli %scan3A_61, %mul3A_62 : i32
      %add3A_64 = arith.constant 0 : i32
      %add3A_65 = arith.addi %add3A_64, %mul3A_63 : i32
      "tpu.region"() ({
        %run_scoped3A = tpu.sem_alloc : memref<!tpu.dma_semaphore, #tpu.memory_space<semaphore_mem>>
        %dma_start3A = arith.constant 0 : i32
        %dma_start3A_66 = tpu.memref_slice %arg4[%add3A_65, %dma_start3A] : memref<80x128xi32, #tpu.memory_space<vmem>> -> memref<1x128xi32, #tpu.memory_space<vmem>>
        %dma_start3A_67 = tpu.memref_squeeze %dma_start3A_66 : memref<1x128xi32, #tpu.memory_space<vmem>> -> memref<128xi32, #tpu.memory_space<vmem>>
        %dma_start3A_68 = arith.constant 0 : i32
        %dma_start3A_69 = tpu.memref_slice %arg7[%dma_start3A_68] : memref<10240xf32, #tpu.memory_space<vmem_shared>> -> memref<10240xf32, #tpu.memory_space<vmem_shared>>
        tpu.enqueue_indirect_dma source(%arg5 : memref<128xf32, #tpu.memory_space<vmem>>) target(%dma_start3A_69 : memref<10240xf32, #tpu.memory_space<vmem_shared>>) offsets(%dma_start3A_67 : memref<128xi32, #tpu.memory_space<vmem>>) semaphore(%run_scoped3A : memref<!tpu.dma_semaphore, #tpu.memory_space<semaphore_mem>>) {add = true}
        %dma_wait3A = arith.constant 0 : i32
        %dma_wait3A_70 = tpu.memref_slice %arg4[%add3A_65, %dma_wait3A] : memref<80x128xi32, #tpu.memory_space<vmem>> -> memref<1x128xi32, #tpu.memory_space<vmem>>
        %dma_wait3A_71 = tpu.memref_squeeze %dma_wait3A_70 : memref<1x128xi32, #tpu.memory_space<vmem>> -> memref<128xi32, #tpu.memory_space<vmem>>
        %dma_wait3A_72 = arith.constant 0 : i32
        %dma_wait3A_73 = tpu.memref_slice %arg7[%dma_wait3A_72] : memref<10240xf32, #tpu.memory_space<vmem_shared>> -> memref<10240xf32, #tpu.memory_space<vmem_shared>>
        tpu.wait_indirect_dma semaphore(%run_scoped3A : memref<!tpu.dma_semaphore, #tpu.memory_space<semaphore_mem>>) src(%arg5 : memref<128xf32, #tpu.memory_space<vmem>>) dst(%dma_wait3A_73 : memref<10240xf32, #tpu.memory_space<vmem_shared>>)
        tpu.yield
      }) : () -> ()
    }
    %scan3A_59 = arith.constant 80 : i32
    %barrier3A_60 = arith.constant 0 : index
    tpu.barrier barrier_id(%barrier3A_60)
    "tpu.region"() ({
      %run_scoped3A = tpu.sem_alloc : memref<!tpu.dma_semaphore, #tpu.memory_space<semaphore_mem>>
      %dma_start3A = tpu.memref_slice %arg3[%arg0, %mul3A_2] : memref<2x10240xf32, #tpu.memory_space<hbm>> -> memref<1x640xf32, #tpu.memory_space<hbm>>
      %dma_start3A_61 = tpu.memref_squeeze %dma_start3A : memref<1x640xf32, #tpu.memory_space<hbm>> -> memref<640xf32, #tpu.memory_space<hbm>>
      %dma_start3A_62 = tpu.memref_slice %arg7[%mul3A_2] : memref<10240xf32, #tpu.memory_space<vmem_shared>> -> memref<640xf32, #tpu.memory_space<vmem_shared>>
      tpu.enqueue_dma source(%dma_start3A_62 : memref<640xf32, #tpu.memory_space<vmem_shared>>) target(%dma_start3A_61 : memref<640xf32, #tpu.memory_space<hbm>>) target_semaphore(%run_scoped3A : memref<!tpu.dma_semaphore, #tpu.memory_space<semaphore_mem>>)
      %dma_wait3A = tpu.memref_slice %arg3[%arg0, %mul3A_2] : memref<2x10240xf32, #tpu.memory_space<hbm>> -> memref<1x640xf32, #tpu.memory_space<hbm>>
      %dma_wait3A_63 = tpu.memref_squeeze %dma_wait3A : memref<1x640xf32, #tpu.memory_space<hbm>> -> memref<640xf32, #tpu.memory_space<hbm>>
      %dma_wait3A_64 = tpu.memref_slice %arg7[%mul3A_2] : memref<10240xf32, #tpu.memory_space<vmem_shared>> -> memref<640xf32, #tpu.memory_space<vmem_shared>>
      tpu.wait_dma2 semaphore(%run_scoped3A : memref<!tpu.dma_semaphore, #tpu.memory_space<semaphore_mem>>) src(%dma_wait3A_64 : memref<640xf32, #tpu.memory_space<vmem_shared>>) dst(%dma_wait3A_63 : memref<640xf32, #tpu.memory_space<hbm>>)
      tpu.yield
    }) : () -> ()
    return
  }
}

#map = affine_map<(d0, d1) -> (0, 0)>
#map1 = affine_map<(d0, d1) -> (0, 0, 0, 0)>
#map2 = affine_map<(d0, d1) -> (0, 0, 0)>
module attributes {stable_mosaic.version = 14 : i64} {
  func.func @k(%arg0: i32, %arg1: i32, %arg2: memref<10240x128xf32, #tpu.memory_space<hbm>>, %arg3: memref<160x2x16x128xi32, #tpu.memory_space<hbm>>, %arg4: memref<10240x128xf32, #tpu.memory_space<hbm>>, %arg5: memref<2x10240x128xf32, #tpu.memory_space<hbm>>, %arg6: memref<2x2x16x128xi32, #tpu.memory_space<vmem>>, %arg7: memref<2x128x128xf32, #tpu.memory_space<vmem>>, %arg8: memref<10240x128xf32, #tpu.memory_space<vmem_shared>>, %arg9: memref<2x!tpu.dma_semaphore, #tpu.memory_space<semaphore_mem>>, %arg10: memref<!tpu.dma_semaphore, #tpu.memory_space<semaphore_mem>>) attributes {dimension_semantics = [#tpu.dimension_semantics<core_parallel>, #tpu.dimension_semantics<subcore_parallel>], iteration_bounds = array<i64: 2, 16>, scalar_prefetch = 0 : i64, scratch_operands = 5 : i64, tpu.core_type = #tpu.core_type<sc_vector_subcore>, window_params = [{transform_indices = #map}, {transform_indices = #map1}, {transform_indices = #map}, {transform_indices = #map2}]} {
    %mul3A = arith.constant 16 : i32
    %mul3A_0 = arith.muli %arg0, %mul3A : i32
    %add3A = arith.addi %mul3A_0, %arg1 : i32
    %mul3A_1 = arith.constant 5 : i32
    %mul3A_2 = arith.muli %add3A, %mul3A_1 : i32
    %mul3A_3 = arith.constant 640 : i32
    %mul3A_4 = arith.muli %arg1, %mul3A_3 : i32
    %eq3A = arith.constant 0 : i32
    %eq3A_5 = arith.cmpi eq, %arg0, %eq3A : i32
    %convert_element_type3A = arith.extui %eq3A_5 : i1 to i32
    %cond3A = arith.constant 0 : i32
    %cond3A_6 = arith.cmpi ne, %convert_element_type3A, %cond3A : i32
    scf.if %cond3A_6 {
      "tpu.region"() ({
        %run_scoped3A_33 = tpu.sem_alloc : memref<!tpu.dma_semaphore, #tpu.memory_space<semaphore_mem>>
        %dma_start3A_34 = arith.constant 0 : i32
        %dma_start3A_35 = tpu.memref_slice %arg8[%mul3A_4, %dma_start3A_34] : memref<10240x128xf32, #tpu.memory_space<vmem_shared>> -> memref<640x128xf32, #tpu.memory_space<vmem_shared>>
        %dma_start3A_36 = arith.constant 0 : i32
        %dma_start3A_37 = tpu.memref_slice %arg2[%mul3A_4, %dma_start3A_36] : memref<10240x128xf32, #tpu.memory_space<hbm>> -> memref<640x128xf32, #tpu.memory_space<hbm>>
        tpu.enqueue_dma source(%dma_start3A_37 : memref<640x128xf32, #tpu.memory_space<hbm>>) target(%dma_start3A_35 : memref<640x128xf32, #tpu.memory_space<vmem_shared>>) target_semaphore(%run_scoped3A_33 : memref<!tpu.dma_semaphore, #tpu.memory_space<semaphore_mem>>)
        %dma_wait3A = arith.constant 0 : i32
        %dma_wait3A_38 = tpu.memref_slice %arg8[%mul3A_4, %dma_wait3A] : memref<10240x128xf32, #tpu.memory_space<vmem_shared>> -> memref<640x128xf32, #tpu.memory_space<vmem_shared>>
        %dma_wait3A_39 = arith.constant 0 : i32
        %dma_wait3A_40 = tpu.memref_slice %arg2[%mul3A_4, %dma_wait3A_39] : memref<10240x128xf32, #tpu.memory_space<hbm>> -> memref<640x128xf32, #tpu.memory_space<hbm>>
        tpu.wait_dma2 semaphore(%run_scoped3A_33 : memref<!tpu.dma_semaphore, #tpu.memory_space<semaphore_mem>>) src(%dma_wait3A_40 : memref<640x128xf32, #tpu.memory_space<hbm>>) dst(%dma_wait3A_38 : memref<640x128xf32, #tpu.memory_space<vmem_shared>>)
        tpu.yield
      }) : () -> ()
    } else {
    }
    %eq3A_7 = arith.constant 1 : i32
    %eq3A_8 = arith.cmpi eq, %arg0, %eq3A_7 : i32
    %convert_element_type3A_9 = arith.extui %eq3A_8 : i1 to i32
    %cond3A_10 = arith.constant 0 : i32
    %cond3A_11 = arith.cmpi ne, %convert_element_type3A_9, %cond3A_10 : i32
    scf.if %cond3A_11 {
      "tpu.region"() ({
        %run_scoped3A_33 = tpu.sem_alloc : memref<!tpu.dma_semaphore, #tpu.memory_space<semaphore_mem>>
        %dma_start3A_34 = arith.constant 0 : i32
        %dma_start3A_35 = tpu.memref_slice %arg8[%mul3A_4, %dma_start3A_34] : memref<10240x128xf32, #tpu.memory_space<vmem_shared>> -> memref<640x128xf32, #tpu.memory_space<vmem_shared>>
        %dma_start3A_36 = arith.constant 0 : i32
        %dma_start3A_37 = tpu.memref_slice %arg4[%mul3A_4, %dma_start3A_36] : memref<10240x128xf32, #tpu.memory_space<hbm>> -> memref<640x128xf32, #tpu.memory_space<hbm>>
        tpu.enqueue_dma source(%dma_start3A_37 : memref<640x128xf32, #tpu.memory_space<hbm>>) target(%dma_start3A_35 : memref<640x128xf32, #tpu.memory_space<vmem_shared>>) target_semaphore(%run_scoped3A_33 : memref<!tpu.dma_semaphore, #tpu.memory_space<semaphore_mem>>)
        %dma_wait3A = arith.constant 0 : i32
        %dma_wait3A_38 = tpu.memref_slice %arg8[%mul3A_4, %dma_wait3A] : memref<10240x128xf32, #tpu.memory_space<vmem_shared>> -> memref<640x128xf32, #tpu.memory_space<vmem_shared>>
        %dma_wait3A_39 = arith.constant 0 : i32
        %dma_wait3A_40 = tpu.memref_slice %arg4[%mul3A_4, %dma_wait3A_39] : memref<10240x128xf32, #tpu.memory_space<hbm>> -> memref<640x128xf32, #tpu.memory_space<hbm>>
        tpu.wait_dma2 semaphore(%run_scoped3A_33 : memref<!tpu.dma_semaphore, #tpu.memory_space<semaphore_mem>>) src(%dma_wait3A_40 : memref<640x128xf32, #tpu.memory_space<hbm>>) dst(%dma_wait3A_38 : memref<640x128xf32, #tpu.memory_space<vmem_shared>>)
        tpu.yield
      }) : () -> ()
    } else {
    }
    %run_scoped3A = arith.constant 0 : i32
    "tpu.region"() ({
      %run_scoped3A_33 = tpu.sem_alloc : memref<!tpu.dma_semaphore, #tpu.memory_space<semaphore_mem>>
      %dma_start3A_34 = arith.constant 0 : i32
      %dma_start3A_35 = arith.constant 0 : i32
      %dma_start3A_36 = arith.constant 0 : i32
      %dma_start3A_37 = tpu.memref_slice %arg6[%run_scoped3A, %dma_start3A_34, %dma_start3A_35, %dma_start3A_36] : memref<2x2x16x128xi32, #tpu.memory_space<vmem>> -> memref<1x2x16x128xi32, #tpu.memory_space<vmem>>
      %dma_start3A_38 = tpu.memref_squeeze %dma_start3A_37 : memref<1x2x16x128xi32, #tpu.memory_space<vmem>> -> memref<2x16x128xi32, #tpu.memory_space<vmem>>
      %dma_start3A_39 = arith.constant 0 : i32
      %dma_start3A_40 = arith.constant 0 : i32
      %dma_start3A_41 = arith.constant 0 : i32
      %dma_start3A_42 = tpu.memref_slice %arg3[%mul3A_2, %dma_start3A_39, %dma_start3A_40, %dma_start3A_41] : memref<160x2x16x128xi32, #tpu.memory_space<hbm>> -> memref<1x2x16x128xi32, #tpu.memory_space<hbm>>
      %dma_start3A_43 = tpu.memref_squeeze %dma_start3A_42 : memref<1x2x16x128xi32, #tpu.memory_space<hbm>> -> memref<2x16x128xi32, #tpu.memory_space<hbm>>
      %dma_start3A_44 = arith.constant 0 : i32
      %dma_start3A_45 = arith.constant 0 : i32
      %dma_start3A_46 = arith.constant 0 : i32
      %dma_start3A_47 = tpu.memref_slice %arg6[%run_scoped3A, %dma_start3A_44, %dma_start3A_45, %dma_start3A_46] : memref<2x2x16x128xi32, #tpu.memory_space<vmem>> -> memref<1x2x16x128xi32, #tpu.memory_space<vmem>>
      %dma_start3A_48 = tpu.memref_squeeze %dma_start3A_47 : memref<1x2x16x128xi32, #tpu.memory_space<vmem>> -> memref<2x16x128xi32, #tpu.memory_space<vmem>>
      %dma_start3A_49 = arith.constant 0 : i32
      %dma_start3A_50 = arith.constant 0 : i32
      %dma_start3A_51 = arith.constant 0 : i32
      %dma_start3A_52 = tpu.memref_slice %arg3[%mul3A_2, %dma_start3A_49, %dma_start3A_50, %dma_start3A_51] : memref<160x2x16x128xi32, #tpu.memory_space<hbm>> -> memref<1x2x16x128xi32, #tpu.memory_space<hbm>>
      %dma_start3A_53 = tpu.memref_squeeze %dma_start3A_52 : memref<1x2x16x128xi32, #tpu.memory_space<hbm>> -> memref<2x16x128xi32, #tpu.memory_space<hbm>>
      tpu.enqueue_dma source(%dma_start3A_53 : memref<2x16x128xi32, #tpu.memory_space<hbm>>) target(%dma_start3A_48 : memref<2x16x128xi32, #tpu.memory_space<vmem>>) target_semaphore(%run_scoped3A_33 : memref<!tpu.dma_semaphore, #tpu.memory_space<semaphore_mem>>)
      %dma_wait3A = arith.constant 0 : i32
      %dma_wait3A_54 = arith.constant 0 : i32
      %dma_wait3A_55 = arith.constant 0 : i32
      %dma_wait3A_56 = tpu.memref_slice %arg6[%run_scoped3A, %dma_wait3A, %dma_wait3A_54, %dma_wait3A_55] : memref<2x2x16x128xi32, #tpu.memory_space<vmem>> -> memref<1x2x16x128xi32, #tpu.memory_space<vmem>>
      %dma_wait3A_57 = tpu.memref_squeeze %dma_wait3A_56 : memref<1x2x16x128xi32, #tpu.memory_space<vmem>> -> memref<2x16x128xi32, #tpu.memory_space<vmem>>
      %dma_wait3A_58 = arith.constant 0 : i32
      %dma_wait3A_59 = arith.constant 0 : i32
      %dma_wait3A_60 = arith.constant 0 : i32
      %dma_wait3A_61 = tpu.memref_slice %arg3[%mul3A_2, %dma_wait3A_58, %dma_wait3A_59, %dma_wait3A_60] : memref<160x2x16x128xi32, #tpu.memory_space<hbm>> -> memref<1x2x16x128xi32, #tpu.memory_space<hbm>>
      %dma_wait3A_62 = tpu.memref_squeeze %dma_wait3A_61 : memref<1x2x16x128xi32, #tpu.memory_space<hbm>> -> memref<2x16x128xi32, #tpu.memory_space<hbm>>
      %dma_wait3A_63 = arith.constant 0 : i32
      %dma_wait3A_64 = arith.constant 0 : i32
      %dma_wait3A_65 = arith.constant 0 : i32
      %dma_wait3A_66 = tpu.memref_slice %arg6[%run_scoped3A, %dma_wait3A_63, %dma_wait3A_64, %dma_wait3A_65] : memref<2x2x16x128xi32, #tpu.memory_space<vmem>> -> memref<1x2x16x128xi32, #tpu.memory_space<vmem>>
      %dma_wait3A_67 = tpu.memref_squeeze %dma_wait3A_66 : memref<1x2x16x128xi32, #tpu.memory_space<vmem>> -> memref<2x16x128xi32, #tpu.memory_space<vmem>>
      %dma_wait3A_68 = arith.constant 0 : i32
      %dma_wait3A_69 = arith.constant 0 : i32
      %dma_wait3A_70 = arith.constant 0 : i32
      %dma_wait3A_71 = tpu.memref_slice %arg3[%mul3A_2, %dma_wait3A_68, %dma_wait3A_69, %dma_wait3A_70] : memref<160x2x16x128xi32, #tpu.memory_space<hbm>> -> memref<1x2x16x128xi32, #tpu.memory_space<hbm>>
      %dma_wait3A_72 = tpu.memref_squeeze %dma_wait3A_71 : memref<1x2x16x128xi32, #tpu.memory_space<hbm>> -> memref<2x16x128xi32, #tpu.memory_space<hbm>>
      tpu.wait_dma2 semaphore(%run_scoped3A_33 : memref<!tpu.dma_semaphore, #tpu.memory_space<semaphore_mem>>) src(%dma_wait3A_72 : memref<2x16x128xi32, #tpu.memory_space<hbm>>) dst(%dma_wait3A_67 : memref<2x16x128xi32, #tpu.memory_space<vmem>>)
      tpu.yield
    }) : () -> ()
    %barrier3A = arith.constant 0 : index
    tpu.barrier barrier_id(%barrier3A)
    %dma_start3A = arith.constant 0 : i32
    %dma_start3A_12 = arith.constant 0 : i32
    %dma_start3A_13 = arith.constant 0 : i32
    %dma_start3A_14 = arith.constant 0 : i32
    %dma_start3A_15 = arith.constant 0 : i32
    %dma_start3A_16 = arith.constant 0 : i32
    %dma_start3A_17 = arith.constant 0 : i32
    %dma_start3A_18 = tpu.memref_slice %arg7[%dma_start3A_14, %dma_start3A_16, %dma_start3A_17] : memref<2x128x128xf32, #tpu.memory_space<vmem>> -> memref<1x128x128xf32, #tpu.memory_space<vmem>>
    %dma_start3A_19 = tpu.memref_squeeze %dma_start3A_18 : memref<1x128x128xf32, #tpu.memory_space<vmem>> -> memref<128x128xf32, #tpu.memory_space<vmem>>
    %dma_start3A_20 = arith.constant 0 : i32
    %dma_start3A_21 = tpu.memref_slice %arg6[%dma_start3A, %dma_start3A_12, %dma_start3A_13, %dma_start3A_20] : memref<2x2x16x128xi32, #tpu.memory_space<vmem>> -> memref<1x1x1x128xi32, #tpu.memory_space<vmem>>
    %dma_start3A_22 = tpu.memref_squeeze %dma_start3A_21 : memref<1x1x1x128xi32, #tpu.memory_space<vmem>> -> memref<128xi32, #tpu.memory_space<vmem>>
    %dma_start3A_23 = arith.constant 0 : i32
    %dma_start3A_24 = arith.constant 0 : i32
    %dma_start3A_25 = tpu.memref_slice %arg2[%dma_start3A_23, %dma_start3A_24] : memref<10240x128xf32, #tpu.memory_space<hbm>> -> memref<10240x128xf32, #tpu.memory_space<hbm>>
    %dma_start3A_26 = tpu.memref_slice %arg9[%dma_start3A_15] : memref<2x!tpu.dma_semaphore, #tpu.memory_space<semaphore_mem>> -> memref<1x!tpu.dma_semaphore, #tpu.memory_space<semaphore_mem>>
    %dma_start3A_27 = tpu.memref_squeeze %dma_start3A_26 : memref<1x!tpu.dma_semaphore, #tpu.memory_space<semaphore_mem>> -> memref<!tpu.dma_semaphore, #tpu.memory_space<semaphore_mem>>
    tpu.enqueue_indirect_dma source(%dma_start3A_25 : memref<10240x128xf32, #tpu.memory_space<hbm>>) target(%dma_start3A_19 : memref<128x128xf32, #tpu.memory_space<vmem>>) offsets(%dma_start3A_22 : memref<128xi32, #tpu.memory_space<vmem>>) semaphore(%dma_start3A_27 : memref<!tpu.dma_semaphore, #tpu.memory_space<semaphore_mem>>)
    %scan3A = arith.constant 0 : i32
    %scan3A_28 = arith.constant 80 : i32
    %scan3A_29 = arith.addi %scan3A, %scan3A_28 : i32
    %scan3A_30 = arith.constant 1 : i32
    scf.for %scan3A_33 = %scan3A to %scan3A_29 step %scan3A_30  : i32 {
      %mul3A_34 = arith.constant 1 : i32
      %mul3A_35 = arith.muli %scan3A_33, %mul3A_34 : i32
      %add3A_36 = arith.constant 0 : i32
      %add3A_37 = arith.addi %add3A_36, %mul3A_35 : i32
      %jit3A = arith.constant 16 : i32
      %div3A = arith.divsi %add3A_37, %jit3A : i32
      %sign3A = arith.constant 0 : i32
      %sign3A_38 = arith.cmpi sgt, %add3A_37, %sign3A : i32
      %sign3A_39 = arith.extui %sign3A_38 : i1 to i32
      %sign3A_40 = arith.constant 0 : i32
      %sign3A_41 = arith.cmpi slt, %add3A_37, %sign3A_40 : i32
      %sign3A_42 = arith.extui %sign3A_41 : i1 to i32
      %sign3A_43 = arith.subi %sign3A_39, %sign3A_42 : i32
      %sign3A_44 = arith.constant 0 : i32
      %sign3A_45 = arith.cmpi sgt, %jit3A, %sign3A_44 : i32
      %sign3A_46 = arith.extui %sign3A_45 : i1 to i32
      %sign3A_47 = arith.constant 0 : i32
      %sign3A_48 = arith.cmpi slt, %jit3A, %sign3A_47 : i32
      %sign3A_49 = arith.extui %sign3A_48 : i1 to i32
      %sign3A_50 = arith.subi %sign3A_46, %sign3A_49 : i32
      %ne3A = arith.cmpi ne, %sign3A_43, %sign3A_50 : i32
      %rem3A = arith.remsi %add3A_37, %jit3A : i32
      %ne3A_51 = arith.constant 0 : i32
      %ne3A_52 = arith.cmpi ne, %rem3A, %ne3A_51 : i32
      %and3A = arith.andi %ne3A, %ne3A_52 : i1
      %sub3A = arith.constant 1 : i32
      %sub3A_53 = arith.subi %div3A, %sub3A : i32
      %select_n3A = arith.select %and3A, %sub3A_53, %div3A : i32
      %jit3A_54 = arith.constant 16 : i32
      %eq3A_55 = arith.constant 0 : i32
      %eq3A_56 = arith.cmpi eq, %jit3A_54, %eq3A_55 : i32
      %jit3A_57 = arith.constant 1 : i32
      %select_n3A_58 = arith.select %eq3A_56, %jit3A_57, %jit3A_54 : i32
      %rem3A_59 = arith.remsi %add3A_37, %select_n3A_58 : i32
      %ne3A_60 = arith.constant 0 : i32
      %ne3A_61 = arith.cmpi ne, %rem3A_59, %ne3A_60 : i32
      %lt3A = arith.constant 0 : i32
      %lt3A_62 = arith.cmpi slt, %rem3A_59, %lt3A : i32
      %lt3A_63 = arith.constant 0 : i32
      %lt3A_64 = arith.cmpi slt, %select_n3A_58, %lt3A_63 : i32
      %ne3A_65 = arith.xori %lt3A_62, %lt3A_64 : i1
      %and3A_66 = arith.andi %ne3A_65, %ne3A_61 : i1
      %add3A_67 = arith.addi %rem3A_59, %select_n3A_58 : i32
      %select_n3A_68 = arith.select %and3A_66, %add3A_67, %rem3A_59 : i32
      %jit3A_69 = arith.constant 2 : i32
      %eq3A_70 = arith.constant 0 : i32
      %eq3A_71 = arith.cmpi eq, %jit3A_69, %eq3A_70 : i32
      %jit3A_72 = arith.constant 1 : i32
      %select_n3A_73 = arith.select %eq3A_71, %jit3A_72, %jit3A_69 : i32
      %rem3A_74 = arith.remsi %select_n3A, %select_n3A_73 : i32
      %ne3A_75 = arith.constant 0 : i32
      %ne3A_76 = arith.cmpi ne, %rem3A_74, %ne3A_75 : i32
      %lt3A_77 = arith.constant 0 : i32
      %lt3A_78 = arith.cmpi slt, %rem3A_74, %lt3A_77 : i32
      %lt3A_79 = arith.constant 0 : i32
      %lt3A_80 = arith.cmpi slt, %select_n3A_73, %lt3A_79 : i32
      %ne3A_81 = arith.xori %lt3A_78, %lt3A_80 : i1
      %and3A_82 = arith.andi %ne3A_81, %ne3A_76 : i1
      %add3A_83 = arith.addi %rem3A_74, %select_n3A_73 : i32
      %select_n3A_84 = arith.select %and3A_82, %add3A_83, %rem3A_74 : i32
      %jit3A_85 = arith.constant 2 : i32
      %eq3A_86 = arith.constant 0 : i32
      %eq3A_87 = arith.cmpi eq, %jit3A_85, %eq3A_86 : i32
      %jit3A_88 = arith.constant 1 : i32
      %select_n3A_89 = arith.select %eq3A_87, %jit3A_88, %jit3A_85 : i32
      %rem3A_90 = arith.remsi %add3A_37, %select_n3A_89 : i32
      %ne3A_91 = arith.constant 0 : i32
      %ne3A_92 = arith.cmpi ne, %rem3A_90, %ne3A_91 : i32
      %lt3A_93 = arith.constant 0 : i32
      %lt3A_94 = arith.cmpi slt, %rem3A_90, %lt3A_93 : i32
      %lt3A_95 = arith.constant 0 : i32
      %lt3A_96 = arith.cmpi slt, %select_n3A_89, %lt3A_95 : i32
      %ne3A_97 = arith.xori %lt3A_94, %lt3A_96 : i1
      %and3A_98 = arith.andi %ne3A_97, %ne3A_92 : i1
      %add3A_99 = arith.addi %rem3A_90, %select_n3A_89 : i32
      %select_n3A_100 = arith.select %and3A_98, %add3A_99, %rem3A_90 : i32
      %dma_wait3A = arith.constant 0 : i32
      %dma_wait3A_101 = arith.constant 0 : i32
      %dma_wait3A_102 = arith.constant 0 : i32
      %dma_wait3A_103 = tpu.memref_slice %arg7[%select_n3A_100, %dma_wait3A_101, %dma_wait3A_102] : memref<2x128x128xf32, #tpu.memory_space<vmem>> -> memref<1x128x128xf32, #tpu.memory_space<vmem>>
      %dma_wait3A_104 = tpu.memref_squeeze %dma_wait3A_103 : memref<1x128x128xf32, #tpu.memory_space<vmem>> -> memref<128x128xf32, #tpu.memory_space<vmem>>
      %dma_wait3A_105 = arith.constant 0 : i32
      %dma_wait3A_106 = tpu.memref_slice %arg6[%select_n3A_84, %dma_wait3A, %select_n3A_68, %dma_wait3A_105] : memref<2x2x16x128xi32, #tpu.memory_space<vmem>> -> memref<1x1x1x128xi32, #tpu.memory_space<vmem>>
      %dma_wait3A_107 = tpu.memref_squeeze %dma_wait3A_106 : memref<1x1x1x128xi32, #tpu.memory_space<vmem>> -> memref<128xi32, #tpu.memory_space<vmem>>
      %dma_wait3A_108 = arith.constant 0 : i32
      %dma_wait3A_109 = arith.constant 0 : i32
      %dma_wait3A_110 = tpu.memref_slice %arg2[%dma_wait3A_108, %dma_wait3A_109] : memref<10240x128xf32, #tpu.memory_space<hbm>> -> memref<10240x128xf32, #tpu.memory_space<hbm>>
      %dma_wait3A_111 = tpu.memref_slice %arg9[%select_n3A_100] : memref<2x!tpu.dma_semaphore, #tpu.memory_space<semaphore_mem>> -> memref<1x!tpu.dma_semaphore, #tpu.memory_space<semaphore_mem>>
      %dma_wait3A_112 = tpu.memref_squeeze %dma_wait3A_111 : memref<1x!tpu.dma_semaphore, #tpu.memory_space<semaphore_mem>> -> memref<!tpu.dma_semaphore, #tpu.memory_space<semaphore_mem>>
      tpu.wait_indirect_dma semaphore(%dma_wait3A_112 : memref<!tpu.dma_semaphore, #tpu.memory_space<semaphore_mem>>) src(%dma_wait3A_110 : memref<10240x128xf32, #tpu.memory_space<hbm>>) dst(%dma_wait3A_104 : memref<128x128xf32, #tpu.memory_space<vmem>>)
      %eq3A_113 = arith.constant 0 : i32
      %eq3A_114 = arith.cmpi eq, %select_n3A_68, %eq3A_113 : i32
      %add3A_115 = arith.constant 1 : i32
      %add3A_116 = arith.addi %select_n3A, %add3A_115 : i32
      %lt3A_117 = arith.constant 5 : i32
      %lt3A_118 = arith.cmpi slt, %add3A_116, %lt3A_117 : i32
      %and3A_119 = arith.andi %eq3A_114, %lt3A_118 : i1
      %convert_element_type3A_120 = arith.extui %and3A_119 : i1 to i32
      %cond3A_121 = arith.constant 0 : i32
      %cond3A_122 = arith.cmpi ne, %convert_element_type3A_120, %cond3A_121 : i32
      scf.if %cond3A_122 {
        %add3A_141 = arith.addi %mul3A_2, %select_n3A : i32
        %add3A_142 = arith.constant 1 : i32
        %add3A_143 = arith.addi %add3A_141, %add3A_142 : i32
        %sub3A_144 = arith.constant 1 : i32
        %sub3A_145 = arith.subi %sub3A_144, %select_n3A_84 : i32
        %dma_start3A_146 = arith.constant 0 : i32
        %dma_start3A_147 = arith.constant 0 : i32
        %dma_start3A_148 = arith.constant 0 : i32
        %dma_start3A_149 = tpu.memref_slice %arg6[%sub3A_145, %dma_start3A_146, %dma_start3A_147, %dma_start3A_148] : memref<2x2x16x128xi32, #tpu.memory_space<vmem>> -> memref<1x2x16x128xi32, #tpu.memory_space<vmem>>
        %dma_start3A_150 = tpu.memref_squeeze %dma_start3A_149 : memref<1x2x16x128xi32, #tpu.memory_space<vmem>> -> memref<2x16x128xi32, #tpu.memory_space<vmem>>
        %dma_start3A_151 = arith.constant 0 : i32
        %dma_start3A_152 = arith.constant 0 : i32
        %dma_start3A_153 = arith.constant 0 : i32
        %dma_start3A_154 = tpu.memref_slice %arg3[%add3A_143, %dma_start3A_151, %dma_start3A_152, %dma_start3A_153] : memref<160x2x16x128xi32, #tpu.memory_space<hbm>> -> memref<1x2x16x128xi32, #tpu.memory_space<hbm>>
        %dma_start3A_155 = tpu.memref_squeeze %dma_start3A_154 : memref<1x2x16x128xi32, #tpu.memory_space<hbm>> -> memref<2x16x128xi32, #tpu.memory_space<hbm>>
        %dma_start3A_156 = arith.constant 0 : i32
        %dma_start3A_157 = arith.constant 0 : i32
        %dma_start3A_158 = arith.constant 0 : i32
        %dma_start3A_159 = tpu.memref_slice %arg6[%sub3A_145, %dma_start3A_156, %dma_start3A_157, %dma_start3A_158] : memref<2x2x16x128xi32, #tpu.memory_space<vmem>> -> memref<1x2x16x128xi32, #tpu.memory_space<vmem>>
        %dma_start3A_160 = tpu.memref_squeeze %dma_start3A_159 : memref<1x2x16x128xi32, #tpu.memory_space<vmem>> -> memref<2x16x128xi32, #tpu.memory_space<vmem>>
        %dma_start3A_161 = arith.constant 0 : i32
        %dma_start3A_162 = arith.constant 0 : i32
        %dma_start3A_163 = arith.constant 0 : i32
        %dma_start3A_164 = tpu.memref_slice %arg3[%add3A_143, %dma_start3A_161, %dma_start3A_162, %dma_start3A_163] : memref<160x2x16x128xi32, #tpu.memory_space<hbm>> -> memref<1x2x16x128xi32, #tpu.memory_space<hbm>>
        %dma_start3A_165 = tpu.memref_squeeze %dma_start3A_164 : memref<1x2x16x128xi32, #tpu.memory_space<hbm>> -> memref<2x16x128xi32, #tpu.memory_space<hbm>>
        tpu.enqueue_dma source(%dma_start3A_165 : memref<2x16x128xi32, #tpu.memory_space<hbm>>) target(%dma_start3A_160 : memref<2x16x128xi32, #tpu.memory_space<vmem>>) target_semaphore(%arg10 : memref<!tpu.dma_semaphore, #tpu.memory_space<semaphore_mem>>)
      } else {
      }
      %eq3A_123 = arith.constant 15 : i32
      %eq3A_124 = arith.cmpi eq, %select_n3A_68, %eq3A_123 : i32
      %add3A_125 = arith.constant 1 : i32
      %add3A_126 = arith.addi %select_n3A, %add3A_125 : i32
      %lt3A_127 = arith.constant 5 : i32
      %lt3A_128 = arith.cmpi slt, %add3A_126, %lt3A_127 : i32
      %and3A_129 = arith.andi %eq3A_124, %lt3A_128 : i1
      %convert_element_type3A_130 = arith.extui %and3A_129 : i1 to i32
      %cond3A_131 = arith.constant 0 : i32
      %cond3A_132 = arith.cmpi ne, %convert_element_type3A_130, %cond3A_131 : i32
      scf.if %cond3A_132 {
        %add3A_141 = arith.addi %mul3A_2, %select_n3A : i32
        %add3A_142 = arith.constant 1 : i32
        %add3A_143 = arith.addi %add3A_141, %add3A_142 : i32
        %sub3A_144 = arith.constant 1 : i32
        %sub3A_145 = arith.subi %sub3A_144, %select_n3A_84 : i32
        %dma_wait3A_146 = arith.constant 0 : i32
        %dma_wait3A_147 = arith.constant 0 : i32
        %dma_wait3A_148 = arith.constant 0 : i32
        %dma_wait3A_149 = tpu.memref_slice %arg6[%sub3A_145, %dma_wait3A_146, %dma_wait3A_147, %dma_wait3A_148] : memref<2x2x16x128xi32, #tpu.memory_space<vmem>> -> memref<1x2x16x128xi32, #tpu.memory_space<vmem>>
        %dma_wait3A_150 = tpu.memref_squeeze %dma_wait3A_149 : memref<1x2x16x128xi32, #tpu.memory_space<vmem>> -> memref<2x16x128xi32, #tpu.memory_space<vmem>>
        %dma_wait3A_151 = arith.constant 0 : i32
        %dma_wait3A_152 = arith.constant 0 : i32
        %dma_wait3A_153 = arith.constant 0 : i32
        %dma_wait3A_154 = tpu.memref_slice %arg3[%add3A_143, %dma_wait3A_151, %dma_wait3A_152, %dma_wait3A_153] : memref<160x2x16x128xi32, #tpu.memory_space<hbm>> -> memref<1x2x16x128xi32, #tpu.memory_space<hbm>>
        %dma_wait3A_155 = tpu.memref_squeeze %dma_wait3A_154 : memref<1x2x16x128xi32, #tpu.memory_space<hbm>> -> memref<2x16x128xi32, #tpu.memory_space<hbm>>
        %dma_wait3A_156 = arith.constant 0 : i32
        %dma_wait3A_157 = arith.constant 0 : i32
        %dma_wait3A_158 = arith.constant 0 : i32
        %dma_wait3A_159 = tpu.memref_slice %arg6[%sub3A_145, %dma_wait3A_156, %dma_wait3A_157, %dma_wait3A_158] : memref<2x2x16x128xi32, #tpu.memory_space<vmem>> -> memref<1x2x16x128xi32, #tpu.memory_space<vmem>>
        %dma_wait3A_160 = tpu.memref_squeeze %dma_wait3A_159 : memref<1x2x16x128xi32, #tpu.memory_space<vmem>> -> memref<2x16x128xi32, #tpu.memory_space<vmem>>
        %dma_wait3A_161 = arith.constant 0 : i32
        %dma_wait3A_162 = arith.constant 0 : i32
        %dma_wait3A_163 = arith.constant 0 : i32
        %dma_wait3A_164 = tpu.memref_slice %arg3[%add3A_143, %dma_wait3A_161, %dma_wait3A_162, %dma_wait3A_163] : memref<160x2x16x128xi32, #tpu.memory_space<hbm>> -> memref<1x2x16x128xi32, #tpu.memory_space<hbm>>
        %dma_wait3A_165 = tpu.memref_squeeze %dma_wait3A_164 : memref<1x2x16x128xi32, #tpu.memory_space<hbm>> -> memref<2x16x128xi32, #tpu.memory_space<hbm>>
        tpu.wait_dma2 semaphore(%arg10 : memref<!tpu.dma_semaphore, #tpu.memory_space<semaphore_mem>>) src(%dma_wait3A_165 : memref<2x16x128xi32, #tpu.memory_space<hbm>>) dst(%dma_wait3A_160 : memref<2x16x128xi32, #tpu.memory_space<vmem>>)
      } else {
      }
      %add3A_133 = arith.constant 1 : i32
      %add3A_134 = arith.addi %add3A_37, %add3A_133 : i32
      %lt3A_135 = arith.constant 80 : i32
      %lt3A_136 = arith.cmpi slt, %add3A_134, %lt3A_135 : i32
      %convert_element_type3A_137 = arith.extui %lt3A_136 : i1 to i32
      %cond3A_138 = arith.constant 0 : i32
      %cond3A_139 = arith.cmpi ne, %convert_element_type3A_137, %cond3A_138 : i32
      scf.if %cond3A_139 {
        %add3A_141 = arith.constant 1 : i32
        %add3A_142 = arith.addi %add3A_37, %add3A_141 : i32
        %jit3A_143 = arith.constant 16 : i32
        %div3A_144 = arith.divsi %add3A_142, %jit3A_143 : i32
        %sign3A_145 = arith.constant 0 : i32
        %sign3A_146 = arith.cmpi sgt, %add3A_142, %sign3A_145 : i32
        %sign3A_147 = arith.extui %sign3A_146 : i1 to i32
        %sign3A_148 = arith.constant 0 : i32
        %sign3A_149 = arith.cmpi slt, %add3A_142, %sign3A_148 : i32
        %sign3A_150 = arith.extui %sign3A_149 : i1 to i32
        %sign3A_151 = arith.subi %sign3A_147, %sign3A_150 : i32
        %sign3A_152 = arith.constant 0 : i32
        %sign3A_153 = arith.cmpi sgt, %jit3A_143, %sign3A_152 : i32
        %sign3A_154 = arith.extui %sign3A_153 : i1 to i32
        %sign3A_155 = arith.constant 0 : i32
        %sign3A_156 = arith.cmpi slt, %jit3A_143, %sign3A_155 : i32
        %sign3A_157 = arith.extui %sign3A_156 : i1 to i32
        %sign3A_158 = arith.subi %sign3A_154, %sign3A_157 : i32
        %ne3A_159 = arith.cmpi ne, %sign3A_151, %sign3A_158 : i32
        %rem3A_160 = arith.remsi %add3A_142, %jit3A_143 : i32
        %ne3A_161 = arith.constant 0 : i32
        %ne3A_162 = arith.cmpi ne, %rem3A_160, %ne3A_161 : i32
        %and3A_163 = arith.andi %ne3A_159, %ne3A_162 : i1
        %sub3A_164 = arith.constant 1 : i32
        %sub3A_165 = arith.subi %div3A_144, %sub3A_164 : i32
        %select_n3A_166 = arith.select %and3A_163, %sub3A_165, %div3A_144 : i32
        %jit3A_167 = arith.constant 2 : i32
        %eq3A_168 = arith.constant 0 : i32
        %eq3A_169 = arith.cmpi eq, %jit3A_167, %eq3A_168 : i32
        %jit3A_170 = arith.constant 1 : i32
        %select_n3A_171 = arith.select %eq3A_169, %jit3A_170, %jit3A_167 : i32
        %rem3A_172 = arith.remsi %select_n3A_166, %select_n3A_171 : i32
        %ne3A_173 = arith.constant 0 : i32
        %ne3A_174 = arith.cmpi ne, %rem3A_172, %ne3A_173 : i32
        %lt3A_175 = arith.constant 0 : i32
        %lt3A_176 = arith.cmpi slt, %rem3A_172, %lt3A_175 : i32
        %lt3A_177 = arith.constant 0 : i32
        %lt3A_178 = arith.cmpi slt, %select_n3A_171, %lt3A_177 : i32
        %ne3A_179 = arith.xori %lt3A_176, %lt3A_178 : i1
        %and3A_180 = arith.andi %ne3A_179, %ne3A_174 : i1
        %add3A_181 = arith.addi %rem3A_172, %select_n3A_171 : i32
        %select_n3A_182 = arith.select %and3A_180, %add3A_181, %rem3A_172 : i32
        %jit3A_183 = arith.constant 16 : i32
        %eq3A_184 = arith.constant 0 : i32
        %eq3A_185 = arith.cmpi eq, %jit3A_183, %eq3A_184 : i32
        %jit3A_186 = arith.constant 1 : i32
        %select_n3A_187 = arith.select %eq3A_185, %jit3A_186, %jit3A_183 : i32
        %rem3A_188 = arith.remsi %add3A_142, %select_n3A_187 : i32
        %ne3A_189 = arith.constant 0 : i32
        %ne3A_190 = arith.cmpi ne, %rem3A_188, %ne3A_189 : i32
        %lt3A_191 = arith.constant 0 : i32
        %lt3A_192 = arith.cmpi slt, %rem3A_188, %lt3A_191 : i32
        %lt3A_193 = arith.constant 0 : i32
        %lt3A_194 = arith.cmpi slt, %select_n3A_187, %lt3A_193 : i32
        %ne3A_195 = arith.xori %lt3A_192, %lt3A_194 : i1
        %and3A_196 = arith.andi %ne3A_195, %ne3A_190 : i1
        %add3A_197 = arith.addi %rem3A_188, %select_n3A_187 : i32
        %select_n3A_198 = arith.select %and3A_196, %add3A_197, %rem3A_188 : i32
        %sub3A_199 = arith.constant 1 : i32
        %sub3A_200 = arith.subi %sub3A_199, %select_n3A_100 : i32
        %sub3A_201 = arith.constant 1 : i32
        %sub3A_202 = arith.subi %sub3A_201, %select_n3A_100 : i32
        %dma_start3A_203 = arith.constant 0 : i32
        %dma_start3A_204 = arith.constant 0 : i32
        %dma_start3A_205 = arith.constant 0 : i32
        %dma_start3A_206 = tpu.memref_slice %arg7[%sub3A_200, %dma_start3A_204, %dma_start3A_205] : memref<2x128x128xf32, #tpu.memory_space<vmem>> -> memref<1x128x128xf32, #tpu.memory_space<vmem>>
        %dma_start3A_207 = tpu.memref_squeeze %dma_start3A_206 : memref<1x128x128xf32, #tpu.memory_space<vmem>> -> memref<128x128xf32, #tpu.memory_space<vmem>>
        %dma_start3A_208 = arith.constant 0 : i32
        %dma_start3A_209 = tpu.memref_slice %arg6[%select_n3A_182, %dma_start3A_203, %select_n3A_198, %dma_start3A_208] : memref<2x2x16x128xi32, #tpu.memory_space<vmem>> -> memref<1x1x1x128xi32, #tpu.memory_space<vmem>>
        %dma_start3A_210 = tpu.memref_squeeze %dma_start3A_209 : memref<1x1x1x128xi32, #tpu.memory_space<vmem>> -> memref<128xi32, #tpu.memory_space<vmem>>
        %dma_start3A_211 = arith.constant 0 : i32
        %dma_start3A_212 = arith.constant 0 : i32
        %dma_start3A_213 = tpu.memref_slice %arg2[%dma_start3A_211, %dma_start3A_212] : memref<10240x128xf32, #tpu.memory_space<hbm>> -> memref<10240x128xf32, #tpu.memory_space<hbm>>
        %dma_start3A_214 = tpu.memref_slice %arg9[%sub3A_202] : memref<2x!tpu.dma_semaphore, #tpu.memory_space<semaphore_mem>> -> memref<1x!tpu.dma_semaphore, #tpu.memory_space<semaphore_mem>>
        %dma_start3A_215 = tpu.memref_squeeze %dma_start3A_214 : memref<1x!tpu.dma_semaphore, #tpu.memory_space<semaphore_mem>> -> memref<!tpu.dma_semaphore, #tpu.memory_space<semaphore_mem>>
        tpu.enqueue_indirect_dma source(%dma_start3A_213 : memref<10240x128xf32, #tpu.memory_space<hbm>>) target(%dma_start3A_207 : memref<128x128xf32, #tpu.memory_space<vmem>>) offsets(%dma_start3A_210 : memref<128xi32, #tpu.memory_space<vmem>>) semaphore(%dma_start3A_215 : memref<!tpu.dma_semaphore, #tpu.memory_space<semaphore_mem>>)
      } else {
      }
      %run_scoped3A_140 = arith.constant 1 : i32
      "tpu.region"() ({
        %run_scoped3A_141 = tpu.sem_alloc : memref<!tpu.dma_semaphore, #tpu.memory_space<semaphore_mem>>
        %dma_start3A_142 = arith.constant 0 : i32
        %dma_start3A_143 = arith.constant 0 : i32
        %dma_start3A_144 = tpu.memref_slice %arg7[%select_n3A_100, %dma_start3A_142, %dma_start3A_143] : memref<2x128x128xf32, #tpu.memory_space<vmem>> -> memref<1x128x128xf32, #tpu.memory_space<vmem>>
        %dma_start3A_145 = tpu.memref_squeeze %dma_start3A_144 : memref<1x128x128xf32, #tpu.memory_space<vmem>> -> memref<128x128xf32, #tpu.memory_space<vmem>>
        %dma_start3A_146 = arith.constant 0 : i32
        %dma_start3A_147 = tpu.memref_slice %arg6[%select_n3A_84, %run_scoped3A_140, %select_n3A_68, %dma_start3A_146] : memref<2x2x16x128xi32, #tpu.memory_space<vmem>> -> memref<1x1x1x128xi32, #tpu.memory_space<vmem>>
        %dma_start3A_148 = tpu.memref_squeeze %dma_start3A_147 : memref<1x1x1x128xi32, #tpu.memory_space<vmem>> -> memref<128xi32, #tpu.memory_space<vmem>>
        %dma_start3A_149 = arith.constant 0 : i32
        %dma_start3A_150 = arith.constant 0 : i32
        %dma_start3A_151 = tpu.memref_slice %arg8[%dma_start3A_149, %dma_start3A_150] : memref<10240x128xf32, #tpu.memory_space<vmem_shared>> -> memref<10240x128xf32, #tpu.memory_space<vmem_shared>>
        tpu.enqueue_indirect_dma source(%dma_start3A_145 : memref<128x128xf32, #tpu.memory_space<vmem>>) target(%dma_start3A_151 : memref<10240x128xf32, #tpu.memory_space<vmem_shared>>) offsets(%dma_start3A_148 : memref<128xi32, #tpu.memory_space<vmem>>) semaphore(%run_scoped3A_141 : memref<!tpu.dma_semaphore, #tpu.memory_space<semaphore_mem>>) {add = true}
        %dma_wait3A_152 = arith.constant 0 : i32
        %dma_wait3A_153 = arith.constant 0 : i32
        %dma_wait3A_154 = tpu.memref_slice %arg7[%select_n3A_100, %dma_wait3A_152, %dma_wait3A_153] : memref<2x128x128xf32, #tpu.memory_space<vmem>> -> memref<1x128x128xf32, #tpu.memory_space<vmem>>
        %dma_wait3A_155 = tpu.memref_squeeze %dma_wait3A_154 : memref<1x128x128xf32, #tpu.memory_space<vmem>> -> memref<128x128xf32, #tpu.memory_space<vmem>>
        %dma_wait3A_156 = arith.constant 0 : i32
        %dma_wait3A_157 = tpu.memref_slice %arg6[%select_n3A_84, %run_scoped3A_140, %select_n3A_68, %dma_wait3A_156] : memref<2x2x16x128xi32, #tpu.memory_space<vmem>> -> memref<1x1x1x128xi32, #tpu.memory_space<vmem>>
        %dma_wait3A_158 = tpu.memref_squeeze %dma_wait3A_157 : memref<1x1x1x128xi32, #tpu.memory_space<vmem>> -> memref<128xi32, #tpu.memory_space<vmem>>
        %dma_wait3A_159 = arith.constant 0 : i32
        %dma_wait3A_160 = arith.constant 0 : i32
        %dma_wait3A_161 = tpu.memref_slice %arg8[%dma_wait3A_159, %dma_wait3A_160] : memref<10240x128xf32, #tpu.memory_space<vmem_shared>> -> memref<10240x128xf32, #tpu.memory_space<vmem_shared>>
        tpu.wait_indirect_dma semaphore(%run_scoped3A_141 : memref<!tpu.dma_semaphore, #tpu.memory_space<semaphore_mem>>) src(%dma_wait3A_155 : memref<128x128xf32, #tpu.memory_space<vmem>>) dst(%dma_wait3A_161 : memref<10240x128xf32, #tpu.memory_space<vmem_shared>>)
        tpu.yield
      }) : () -> ()
    }
    %scan3A_31 = arith.constant 80 : i32
    %barrier3A_32 = arith.constant 0 : index
    tpu.barrier barrier_id(%barrier3A_32)
    "tpu.region"() ({
      %run_scoped3A_33 = tpu.sem_alloc : memref<!tpu.dma_semaphore, #tpu.memory_space<semaphore_mem>>
      %dma_start3A_34 = arith.constant 0 : i32
      %dma_start3A_35 = tpu.memref_slice %arg5[%arg0, %mul3A_4, %dma_start3A_34] : memref<2x10240x128xf32, #tpu.memory_space<hbm>> -> memref<1x640x128xf32, #tpu.memory_space<hbm>>
      %dma_start3A_36 = tpu.memref_squeeze %dma_start3A_35 : memref<1x640x128xf32, #tpu.memory_space<hbm>> -> memref<640x128xf32, #tpu.memory_space<hbm>>
      %dma_start3A_37 = arith.constant 0 : i32
      %dma_start3A_38 = tpu.memref_slice %arg8[%mul3A_4, %dma_start3A_37] : memref<10240x128xf32, #tpu.memory_space<vmem_shared>> -> memref<640x128xf32, #tpu.memory_space<vmem_shared>>
      tpu.enqueue_dma source(%dma_start3A_38 : memref<640x128xf32, #tpu.memory_space<vmem_shared>>) target(%dma_start3A_36 : memref<640x128xf32, #tpu.memory_space<hbm>>) target_semaphore(%run_scoped3A_33 : memref<!tpu.dma_semaphore, #tpu.memory_space<semaphore_mem>>)
      %dma_wait3A = arith.constant 0 : i32
      %dma_wait3A_39 = tpu.memref_slice %arg5[%arg0, %mul3A_4, %dma_wait3A] : memref<2x10240x128xf32, #tpu.memory_space<hbm>> -> memref<1x640x128xf32, #tpu.memory_space<hbm>>
      %dma_wait3A_40 = tpu.memref_squeeze %dma_wait3A_39 : memref<1x640x128xf32, #tpu.memory_space<hbm>> -> memref<640x128xf32, #tpu.memory_space<hbm>>
      %dma_wait3A_41 = arith.constant 0 : i32
      %dma_wait3A_42 = tpu.memref_slice %arg8[%mul3A_4, %dma_wait3A_41] : memref<10240x128xf32, #tpu.memory_space<vmem_shared>> -> memref<640x128xf32, #tpu.memory_space<vmem_shared>>
      tpu.wait_dma2 semaphore(%run_scoped3A_33 : memref<!tpu.dma_semaphore, #tpu.memory_space<semaphore_mem>>) src(%dma_wait3A_42 : memref<640x128xf32, #tpu.memory_space<vmem_shared>>) dst(%dma_wait3A_40 : memref<640x128xf32, #tpu.memory_space<hbm>>)
      tpu.yield
    }) : () -> ()
    return
  }
}

#map = affine_map<(d0, d1) -> (0, 0)>
#map1 = affine_map<(d0, d1) -> (0, 0, 0)>
module attributes {stable_mosaic.version = 14 : i64} {
  func.func @k(%arg0: i32, %arg1: i32, %arg2: memref<10000x128xf32, #tpu.memory_space<hbm>>, %arg3: memref<32x13x128xi32, #tpu.memory_space<hbm>>, %arg4: memref<32x13x128xi32, #tpu.memory_space<hbm>>, %arg5: memref<10240x128xf32, #tpu.memory_space<hbm>>, %arg6: memref<2x10240x128xf32, #tpu.memory_space<hbm>>, %arg7: memref<2x10240xf32, #tpu.memory_space<hbm>>, %arg8: memref<13x128xi32, #tpu.memory_space<vmem>>, %arg9: memref<13x128xi32, #tpu.memory_space<vmem>>, %arg10: memref<2x128x128xf32, #tpu.memory_space<vmem>>, %arg11: memref<128xf32, #tpu.memory_space<vmem>>, %arg12: memref<640xf32, #tpu.memory_space<vmem>>, %arg13: memref<10240x128xf32, #tpu.memory_space<vmem_shared>>, %arg14: memref<10240xf32, #tpu.memory_space<vmem_shared>>, %arg15: memref<2x!tpu.dma_semaphore, #tpu.memory_space<semaphore_mem>>, %arg16: memref<!tpu.dma_semaphore, #tpu.memory_space<semaphore_mem>>) attributes {dimension_semantics = [#tpu.dimension_semantics<core_parallel>, #tpu.dimension_semantics<subcore_parallel>], iteration_bounds = array<i64: 2, 16>, scalar_prefetch = 0 : i64, scratch_operands = 9 : i64, tpu.core_type = #tpu.core_type<sc_vector_subcore>, window_params = [{transform_indices = #map}, {transform_indices = #map1}, {transform_indices = #map1}, {transform_indices = #map}, {transform_indices = #map1}, {transform_indices = #map}]} {
    %mul3A = arith.constant 16 : i32
    %mul3A_0 = arith.muli %arg0, %mul3A : i32
    %add3A = arith.addi %mul3A_0, %arg1 : i32
    %mul3A_1 = arith.constant 640 : i32
    %mul3A_2 = arith.muli %arg1, %mul3A_1 : i32
    %broadcast_in_dim3A = arith.constant 1.000000e+00 : f32
    %broadcast_in_dim3A_3 = vector.broadcast %broadcast_in_dim3A : f32 to vector<16xf32>
    %swap3A = arith.constant 0 : index
    %swap3A_4 = tpu.vector_load %arg11[%swap3A] {strides = array<i32>} : memref<128xf32, #tpu.memory_space<vmem>>, vector<16xf32>,
    %swap3A_5 = vector.shape_cast %swap3A_4 : vector<16xf32> to vector<16xf32>
    %swap3A_6 = vector.shape_cast %broadcast_in_dim3A_3 : vector<16xf32> to vector<16xf32>
    tpu.vector_store %arg11[%swap3A], %swap3A_6 {strides = array<i32>} : memref<128xf32, #tpu.memory_space<vmem>>, vector<16xf32>,
    %broadcast_in_dim3A_7 = arith.constant 1.000000e+00 : f32
    %broadcast_in_dim3A_8 = vector.broadcast %broadcast_in_dim3A_7 : f32 to vector<16xf32>
    %swap3A_9 = arith.constant 16 : index
    %swap3A_10 = tpu.vector_load %arg11[%swap3A_9] {strides = array<i32>} : memref<128xf32, #tpu.memory_space<vmem>>, vector<16xf32>,
    %swap3A_11 = vector.shape_cast %swap3A_10 : vector<16xf32> to vector<16xf32>
    %swap3A_12 = vector.shape_cast %broadcast_in_dim3A_8 : vector<16xf32> to vector<16xf32>
    tpu.vector_store %arg11[%swap3A_9], %swap3A_12 {strides = array<i32>} : memref<128xf32, #tpu.memory_space<vmem>>, vector<16xf32>,
    %broadcast_in_dim3A_13 = arith.constant 1.000000e+00 : f32
    %broadcast_in_dim3A_14 = vector.broadcast %broadcast_in_dim3A_13 : f32 to vector<16xf32>
    %swap3A_15 = arith.constant 32 : index
    %swap3A_16 = tpu.vector_load %arg11[%swap3A_15] {strides = array<i32>} : memref<128xf32, #tpu.memory_space<vmem>>, vector<16xf32>,
    %swap3A_17 = vector.shape_cast %swap3A_16 : vector<16xf32> to vector<16xf32>
    %swap3A_18 = vector.shape_cast %broadcast_in_dim3A_14 : vector<16xf32> to vector<16xf32>
    tpu.vector_store %arg11[%swap3A_15], %swap3A_18 {strides = array<i32>} : memref<128xf32, #tpu.memory_space<vmem>>, vector<16xf32>,
    %broadcast_in_dim3A_19 = arith.constant 1.000000e+00 : f32
    %broadcast_in_dim3A_20 = vector.broadcast %broadcast_in_dim3A_19 : f32 to vector<16xf32>
    %swap3A_21 = arith.constant 48 : index
    %swap3A_22 = tpu.vector_load %arg11[%swap3A_21] {strides = array<i32>} : memref<128xf32, #tpu.memory_space<vmem>>, vector<16xf32>,
    %swap3A_23 = vector.shape_cast %swap3A_22 : vector<16xf32> to vector<16xf32>
    %swap3A_24 = vector.shape_cast %broadcast_in_dim3A_20 : vector<16xf32> to vector<16xf32>
    tpu.vector_store %arg11[%swap3A_21], %swap3A_24 {strides = array<i32>} : memref<128xf32, #tpu.memory_space<vmem>>, vector<16xf32>,
    %broadcast_in_dim3A_25 = arith.constant 1.000000e+00 : f32
    %broadcast_in_dim3A_26 = vector.broadcast %broadcast_in_dim3A_25 : f32 to vector<16xf32>
    %swap3A_27 = arith.constant 64 : index
    %swap3A_28 = tpu.vector_load %arg11[%swap3A_27] {strides = array<i32>} : memref<128xf32, #tpu.memory_space<vmem>>, vector<16xf32>,
    %swap3A_29 = vector.shape_cast %swap3A_28 : vector<16xf32> to vector<16xf32>
    %swap3A_30 = vector.shape_cast %broadcast_in_dim3A_26 : vector<16xf32> to vector<16xf32>
    tpu.vector_store %arg11[%swap3A_27], %swap3A_30 {strides = array<i32>} : memref<128xf32, #tpu.memory_space<vmem>>, vector<16xf32>,
    %broadcast_in_dim3A_31 = arith.constant 1.000000e+00 : f32
    %broadcast_in_dim3A_32 = vector.broadcast %broadcast_in_dim3A_31 : f32 to vector<16xf32>
    %swap3A_33 = arith.constant 80 : index
    %swap3A_34 = tpu.vector_load %arg11[%swap3A_33] {strides = array<i32>} : memref<128xf32, #tpu.memory_space<vmem>>, vector<16xf32>,
    %swap3A_35 = vector.shape_cast %swap3A_34 : vector<16xf32> to vector<16xf32>
    %swap3A_36 = vector.shape_cast %broadcast_in_dim3A_32 : vector<16xf32> to vector<16xf32>
    tpu.vector_store %arg11[%swap3A_33], %swap3A_36 {strides = array<i32>} : memref<128xf32, #tpu.memory_space<vmem>>, vector<16xf32>,
    %broadcast_in_dim3A_37 = arith.constant 1.000000e+00 : f32
    %broadcast_in_dim3A_38 = vector.broadcast %broadcast_in_dim3A_37 : f32 to vector<16xf32>
    %swap3A_39 = arith.constant 96 : index
    %swap3A_40 = tpu.vector_load %arg11[%swap3A_39] {strides = array<i32>} : memref<128xf32, #tpu.memory_space<vmem>>, vector<16xf32>,
    %swap3A_41 = vector.shape_cast %swap3A_40 : vector<16xf32> to vector<16xf32>
    %swap3A_42 = vector.shape_cast %broadcast_in_dim3A_38 : vector<16xf32> to vector<16xf32>
    tpu.vector_store %arg11[%swap3A_39], %swap3A_42 {strides = array<i32>} : memref<128xf32, #tpu.memory_space<vmem>>, vector<16xf32>,
    %broadcast_in_dim3A_43 = arith.constant 1.000000e+00 : f32
    %broadcast_in_dim3A_44 = vector.broadcast %broadcast_in_dim3A_43 : f32 to vector<16xf32>
    %swap3A_45 = arith.constant 112 : index
    %swap3A_46 = tpu.vector_load %arg11[%swap3A_45] {strides = array<i32>} : memref<128xf32, #tpu.memory_space<vmem>>, vector<16xf32>,
    %swap3A_47 = vector.shape_cast %swap3A_46 : vector<16xf32> to vector<16xf32>
    %swap3A_48 = vector.shape_cast %broadcast_in_dim3A_44 : vector<16xf32> to vector<16xf32>
    tpu.vector_store %arg11[%swap3A_45], %swap3A_48 {strides = array<i32>} : memref<128xf32, #tpu.memory_space<vmem>>, vector<16xf32>,
    %scan3A = arith.constant 0 : i32
    %scan3A_49 = arith.constant 40 : i32
    %scan3A_50 = arith.addi %scan3A, %scan3A_49 : i32
    %scan3A_51 = arith.constant 1 : i32
    scf.for %scan3A_78 = %scan3A to %scan3A_50 step %scan3A_51  : i32 {
      %mul3A_79 = arith.constant 1 : i32
      %mul3A_80 = arith.muli %scan3A_78, %mul3A_79 : i32
      %add3A_81 = arith.constant 0 : i32
      %add3A_82 = arith.addi %add3A_81, %mul3A_80 : i32
      %broadcast_in_dim3A_83 = arith.constant 0.000000e+00 : f32
      %broadcast_in_dim3A_84 = vector.broadcast %broadcast_in_dim3A_83 : f32 to vector<16xf32>
      %mul3A_85 = arith.constant 16 : i32
      %mul3A_86 = arith.muli %add3A_82, %mul3A_85 : i32
      %swap3A_87 = arith.index_cast %mul3A_86 : i32 to index
      %swap3A_88 = tpu.vector_load %arg12[%swap3A_87] {strides = array<i32>} : memref<640xf32, #tpu.memory_space<vmem>>, vector<16xf32>,
      %swap3A_89 = vector.shape_cast %swap3A_88 : vector<16xf32> to vector<16xf32>
      %swap3A_90 = vector.shape_cast %broadcast_in_dim3A_84 : vector<16xf32> to vector<16xf32>
      tpu.vector_store %arg12[%swap3A_87], %swap3A_90 {strides = array<i32>} : memref<640xf32, #tpu.memory_space<vmem>>, vector<16xf32>,
    }
    %scan3A_52 = arith.constant 40 : i32
    "tpu.region"() ({
      %run_scoped3A = tpu.sem_alloc : memref<!tpu.dma_semaphore, #tpu.memory_space<semaphore_mem>>
      %dma_start3A_78 = arith.constant 0 : i32
      %dma_start3A_79 = tpu.memref_slice %arg13[%mul3A_2, %dma_start3A_78] : memref<10240x128xf32, #tpu.memory_space<vmem_shared>> -> memref<640x128xf32, #tpu.memory_space<vmem_shared>>
      %dma_start3A_80 = arith.constant 0 : i32
      %dma_start3A_81 = tpu.memref_slice %arg5[%mul3A_2, %dma_start3A_80] : memref<10240x128xf32, #tpu.memory_space<hbm>> -> memref<640x128xf32, #tpu.memory_space<hbm>>
      tpu.enqueue_dma source(%dma_start3A_81 : memref<640x128xf32, #tpu.memory_space<hbm>>) target(%dma_start3A_79 : memref<640x128xf32, #tpu.memory_space<vmem_shared>>) target_semaphore(%run_scoped3A : memref<!tpu.dma_semaphore, #tpu.memory_space<semaphore_mem>>)
      %dma_wait3A = arith.constant 0 : i32
      %dma_wait3A_82 = tpu.memref_slice %arg13[%mul3A_2, %dma_wait3A] : memref<10240x128xf32, #tpu.memory_space<vmem_shared>> -> memref<640x128xf32, #tpu.memory_space<vmem_shared>>
      %dma_wait3A_83 = arith.constant 0 : i32
      %dma_wait3A_84 = tpu.memref_slice %arg5[%mul3A_2, %dma_wait3A_83] : memref<10240x128xf32, #tpu.memory_space<hbm>> -> memref<640x128xf32, #tpu.memory_space<hbm>>
      tpu.wait_dma2 semaphore(%run_scoped3A : memref<!tpu.dma_semaphore, #tpu.memory_space<semaphore_mem>>) src(%dma_wait3A_84 : memref<640x128xf32, #tpu.memory_space<hbm>>) dst(%dma_wait3A_82 : memref<640x128xf32, #tpu.memory_space<vmem_shared>>)
      tpu.yield
    }) : () -> ()
    "tpu.region"() ({
      %run_scoped3A = tpu.sem_alloc : memref<!tpu.dma_semaphore, #tpu.memory_space<semaphore_mem>>
      %dma_start3A_78 = tpu.memref_slice %arg14[%mul3A_2] : memref<10240xf32, #tpu.memory_space<vmem_shared>> -> memref<640xf32, #tpu.memory_space<vmem_shared>>
      %dma_start3A_79 = tpu.memref_slice %arg14[%mul3A_2] : memref<10240xf32, #tpu.memory_space<vmem_shared>> -> memref<640xf32, #tpu.memory_space<vmem_shared>>
      tpu.enqueue_dma source(%arg12 : memref<640xf32, #tpu.memory_space<vmem>>) target(%dma_start3A_79 : memref<640xf32, #tpu.memory_space<vmem_shared>>) target_semaphore(%run_scoped3A : memref<!tpu.dma_semaphore, #tpu.memory_space<semaphore_mem>>)
      %dma_wait3A = tpu.memref_slice %arg14[%mul3A_2] : memref<10240xf32, #tpu.memory_space<vmem_shared>> -> memref<640xf32, #tpu.memory_space<vmem_shared>>
      %dma_wait3A_80 = tpu.memref_slice %arg14[%mul3A_2] : memref<10240xf32, #tpu.memory_space<vmem_shared>> -> memref<640xf32, #tpu.memory_space<vmem_shared>>
      tpu.wait_dma2 semaphore(%run_scoped3A : memref<!tpu.dma_semaphore, #tpu.memory_space<semaphore_mem>>) src(%arg12 : memref<640xf32, #tpu.memory_space<vmem>>) dst(%dma_wait3A_80 : memref<640xf32, #tpu.memory_space<vmem_shared>>)
      tpu.yield
    }) : () -> ()
    "tpu.region"() ({
      %run_scoped3A = tpu.sem_alloc : memref<!tpu.dma_semaphore, #tpu.memory_space<semaphore_mem>>
      %dma_start3A_78 = arith.constant 0 : i32
      %dma_start3A_79 = arith.constant 0 : i32
      %dma_start3A_80 = tpu.memref_slice %arg3[%add3A, %dma_start3A_78, %dma_start3A_79] : memref<32x13x128xi32, #tpu.memory_space<hbm>> -> memref<1x13x128xi32, #tpu.memory_space<hbm>>
      %dma_start3A_81 = tpu.memref_squeeze %dma_start3A_80 : memref<1x13x128xi32, #tpu.memory_space<hbm>> -> memref<13x128xi32, #tpu.memory_space<hbm>>
      %dma_start3A_82 = arith.constant 0 : i32
      %dma_start3A_83 = arith.constant 0 : i32
      %dma_start3A_84 = tpu.memref_slice %arg3[%add3A, %dma_start3A_82, %dma_start3A_83] : memref<32x13x128xi32, #tpu.memory_space<hbm>> -> memref<1x13x128xi32, #tpu.memory_space<hbm>>
      %dma_start3A_85 = tpu.memref_squeeze %dma_start3A_84 : memref<1x13x128xi32, #tpu.memory_space<hbm>> -> memref<13x128xi32, #tpu.memory_space<hbm>>
      tpu.enqueue_dma source(%dma_start3A_85 : memref<13x128xi32, #tpu.memory_space<hbm>>) target(%arg8 : memref<13x128xi32, #tpu.memory_space<vmem>>) target_semaphore(%run_scoped3A : memref<!tpu.dma_semaphore, #tpu.memory_space<semaphore_mem>>)
      %dma_wait3A = arith.constant 0 : i32
      %dma_wait3A_86 = arith.constant 0 : i32
      %dma_wait3A_87 = tpu.memref_slice %arg3[%add3A, %dma_wait3A, %dma_wait3A_86] : memref<32x13x128xi32, #tpu.memory_space<hbm>> -> memref<1x13x128xi32, #tpu.memory_space<hbm>>
      %dma_wait3A_88 = tpu.memref_squeeze %dma_wait3A_87 : memref<1x13x128xi32, #tpu.memory_space<hbm>> -> memref<13x128xi32, #tpu.memory_space<hbm>>
      %dma_wait3A_89 = arith.constant 0 : i32
      %dma_wait3A_90 = arith.constant 0 : i32
      %dma_wait3A_91 = tpu.memref_slice %arg3[%add3A, %dma_wait3A_89, %dma_wait3A_90] : memref<32x13x128xi32, #tpu.memory_space<hbm>> -> memref<1x13x128xi32, #tpu.memory_space<hbm>>
      %dma_wait3A_92 = tpu.memref_squeeze %dma_wait3A_91 : memref<1x13x128xi32, #tpu.memory_space<hbm>> -> memref<13x128xi32, #tpu.memory_space<hbm>>
      tpu.wait_dma2 semaphore(%run_scoped3A : memref<!tpu.dma_semaphore, #tpu.memory_space<semaphore_mem>>) src(%dma_wait3A_92 : memref<13x128xi32, #tpu.memory_space<hbm>>) dst(%arg8 : memref<13x128xi32, #tpu.memory_space<vmem>>)
      tpu.yield
    }) : () -> ()
    "tpu.region"() ({
      %run_scoped3A = tpu.sem_alloc : memref<!tpu.dma_semaphore, #tpu.memory_space<semaphore_mem>>
      %dma_start3A_78 = arith.constant 0 : i32
      %dma_start3A_79 = arith.constant 0 : i32
      %dma_start3A_80 = tpu.memref_slice %arg4[%add3A, %dma_start3A_78, %dma_start3A_79] : memref<32x13x128xi32, #tpu.memory_space<hbm>> -> memref<1x13x128xi32, #tpu.memory_space<hbm>>
      %dma_start3A_81 = tpu.memref_squeeze %dma_start3A_80 : memref<1x13x128xi32, #tpu.memory_space<hbm>> -> memref<13x128xi32, #tpu.memory_space<hbm>>
      %dma_start3A_82 = arith.constant 0 : i32
      %dma_start3A_83 = arith.constant 0 : i32
      %dma_start3A_84 = tpu.memref_slice %arg4[%add3A, %dma_start3A_82, %dma_start3A_83] : memref<32x13x128xi32, #tpu.memory_space<hbm>> -> memref<1x13x128xi32, #tpu.memory_space<hbm>>
      %dma_start3A_85 = tpu.memref_squeeze %dma_start3A_84 : memref<1x13x128xi32, #tpu.memory_space<hbm>> -> memref<13x128xi32, #tpu.memory_space<hbm>>
      tpu.enqueue_dma source(%dma_start3A_85 : memref<13x128xi32, #tpu.memory_space<hbm>>) target(%arg9 : memref<13x128xi32, #tpu.memory_space<vmem>>) target_semaphore(%run_scoped3A : memref<!tpu.dma_semaphore, #tpu.memory_space<semaphore_mem>>)
      %dma_wait3A = arith.constant 0 : i32
      %dma_wait3A_86 = arith.constant 0 : i32
      %dma_wait3A_87 = tpu.memref_slice %arg4[%add3A, %dma_wait3A, %dma_wait3A_86] : memref<32x13x128xi32, #tpu.memory_space<hbm>> -> memref<1x13x128xi32, #tpu.memory_space<hbm>>
      %dma_wait3A_88 = tpu.memref_squeeze %dma_wait3A_87 : memref<1x13x128xi32, #tpu.memory_space<hbm>> -> memref<13x128xi32, #tpu.memory_space<hbm>>
      %dma_wait3A_89 = arith.constant 0 : i32
      %dma_wait3A_90 = arith.constant 0 : i32
      %dma_wait3A_91 = tpu.memref_slice %arg4[%add3A, %dma_wait3A_89, %dma_wait3A_90] : memref<32x13x128xi32, #tpu.memory_space<hbm>> -> memref<1x13x128xi32, #tpu.memory_space<hbm>>
      %dma_wait3A_92 = tpu.memref_squeeze %dma_wait3A_91 : memref<1x13x128xi32, #tpu.memory_space<hbm>> -> memref<13x128xi32, #tpu.memory_space<hbm>>
      tpu.wait_dma2 semaphore(%run_scoped3A : memref<!tpu.dma_semaphore, #tpu.memory_space<semaphore_mem>>) src(%dma_wait3A_92 : memref<13x128xi32, #tpu.memory_space<hbm>>) dst(%arg9 : memref<13x128xi32, #tpu.memory_space<vmem>>)
      tpu.yield
    }) : () -> ()
    %barrier3A = arith.constant 0 : index
    tpu.barrier barrier_id(%barrier3A)
    %dma_start3A = arith.constant 0 : i32
    %dma_start3A_53 = arith.constant 0 : i32
    %dma_start3A_54 = arith.constant 0 : i32
    %dma_start3A_55 = arith.constant 0 : i32
    %dma_start3A_56 = arith.constant 0 : i32
    %dma_start3A_57 = tpu.memref_slice %arg10[%dma_start3A_53, %dma_start3A_55, %dma_start3A_56] : memref<2x128x128xf32, #tpu.memory_space<vmem>> -> memref<1x128x128xf32, #tpu.memory_space<vmem>>
    %dma_start3A_58 = tpu.memref_squeeze %dma_start3A_57 : memref<1x128x128xf32, #tpu.memory_space<vmem>> -> memref<128x128xf32, #tpu.memory_space<vmem>>
    %dma_start3A_59 = arith.constant 0 : i32
    %dma_start3A_60 = tpu.memref_slice %arg8[%dma_start3A, %dma_start3A_59] : memref<13x128xi32, #tpu.memory_space<vmem>> -> memref<1x128xi32, #tpu.memory_space<vmem>>
    %dma_start3A_61 = tpu.memref_squeeze %dma_start3A_60 : memref<1x128xi32, #tpu.memory_space<vmem>> -> memref<128xi32, #tpu.memory_space<vmem>>
    %dma_start3A_62 = arith.constant 0 : i32
    %dma_start3A_63 = arith.constant 0 : i32
    %dma_start3A_64 = tpu.memref_slice %arg2[%dma_start3A_62, %dma_start3A_63] : memref<10000x128xf32, #tpu.memory_space<hbm>> -> memref<10000x128xf32, #tpu.memory_space<hbm>>
    %dma_start3A_65 = tpu.memref_slice %arg15[%dma_start3A_54] : memref<2x!tpu.dma_semaphore, #tpu.memory_space<semaphore_mem>> -> memref<1x!tpu.dma_semaphore, #tpu.memory_space<semaphore_mem>>
    %dma_start3A_66 = tpu.memref_squeeze %dma_start3A_65 : memref<1x!tpu.dma_semaphore, #tpu.memory_space<semaphore_mem>> -> memref<!tpu.dma_semaphore, #tpu.memory_space<semaphore_mem>>
    tpu.enqueue_indirect_dma source(%dma_start3A_64 : memref<10000x128xf32, #tpu.memory_space<hbm>>) target(%dma_start3A_58 : memref<128x128xf32, #tpu.memory_space<vmem>>) offsets(%dma_start3A_61 : memref<128xi32, #tpu.memory_space<vmem>>) semaphore(%dma_start3A_66 : memref<!tpu.dma_semaphore, #tpu.memory_space<semaphore_mem>>)
    %scan3A_67 = arith.constant 0 : i32
    %scan3A_68 = arith.constant 13 : i32
    %scan3A_69 = arith.addi %scan3A_67, %scan3A_68 : i32
    %scan3A_70 = arith.constant 1 : i32
    scf.for %scan3A_78 = %scan3A_67 to %scan3A_69 step %scan3A_70  : i32 {
      %mul3A_79 = arith.constant 1 : i32
      %mul3A_80 = arith.muli %scan3A_78, %mul3A_79 : i32
      %add3A_81 = arith.constant 0 : i32
      %add3A_82 = arith.addi %add3A_81, %mul3A_80 : i32
      %jit3A = arith.constant 2 : i32
      %eq3A = arith.constant 0 : i32
      %eq3A_83 = arith.cmpi eq, %jit3A, %eq3A : i32
      %jit3A_84 = arith.constant 1 : i32
      %select_n3A = arith.select %eq3A_83, %jit3A_84, %jit3A : i32
      %rem3A = arith.remsi %add3A_82, %select_n3A : i32
      %ne3A = arith.constant 0 : i32
      %ne3A_85 = arith.cmpi ne, %rem3A, %ne3A : i32
      %lt3A = arith.constant 0 : i32
      %lt3A_86 = arith.cmpi slt, %rem3A, %lt3A : i32
      %lt3A_87 = arith.constant 0 : i32
      %lt3A_88 = arith.cmpi slt, %select_n3A, %lt3A_87 : i32
      %ne3A_89 = arith.xori %lt3A_86, %lt3A_88 : i1
      %and3A = arith.andi %ne3A_89, %ne3A_85 : i1
      %add3A_90 = arith.addi %rem3A, %select_n3A : i32
      %select_n3A_91 = arith.select %and3A, %add3A_90, %rem3A : i32
      %dma_wait3A = arith.constant 0 : i32
      %dma_wait3A_92 = arith.constant 0 : i32
      %dma_wait3A_93 = tpu.memref_slice %arg10[%select_n3A_91, %dma_wait3A, %dma_wait3A_92] : memref<2x128x128xf32, #tpu.memory_space<vmem>> -> memref<1x128x128xf32, #tpu.memory_space<vmem>>
      %dma_wait3A_94 = tpu.memref_squeeze %dma_wait3A_93 : memref<1x128x128xf32, #tpu.memory_space<vmem>> -> memref<128x128xf32, #tpu.memory_space<vmem>>
      %dma_wait3A_95 = arith.constant 0 : i32
      %dma_wait3A_96 = tpu.memref_slice %arg8[%add3A_82, %dma_wait3A_95] : memref<13x128xi32, #tpu.memory_space<vmem>> -> memref<1x128xi32, #tpu.memory_space<vmem>>
      %dma_wait3A_97 = tpu.memref_squeeze %dma_wait3A_96 : memref<1x128xi32, #tpu.memory_space<vmem>> -> memref<128xi32, #tpu.memory_space<vmem>>
      %dma_wait3A_98 = arith.constant 0 : i32
      %dma_wait3A_99 = arith.constant 0 : i32
      %dma_wait3A_100 = tpu.memref_slice %arg2[%dma_wait3A_98, %dma_wait3A_99] : memref<10000x128xf32, #tpu.memory_space<hbm>> -> memref<10000x128xf32, #tpu.memory_space<hbm>>
      %dma_wait3A_101 = tpu.memref_slice %arg15[%select_n3A_91] : memref<2x!tpu.dma_semaphore, #tpu.memory_space<semaphore_mem>> -> memref<1x!tpu.dma_semaphore, #tpu.memory_space<semaphore_mem>>
      %dma_wait3A_102 = tpu.memref_squeeze %dma_wait3A_101 : memref<1x!tpu.dma_semaphore, #tpu.memory_space<semaphore_mem>> -> memref<!tpu.dma_semaphore, #tpu.memory_space<semaphore_mem>>
      tpu.wait_indirect_dma semaphore(%dma_wait3A_102 : memref<!tpu.dma_semaphore, #tpu.memory_space<semaphore_mem>>) src(%dma_wait3A_100 : memref<10000x128xf32, #tpu.memory_space<hbm>>) dst(%dma_wait3A_94 : memref<128x128xf32, #tpu.memory_space<vmem>>)
      %add3A_103 = arith.constant 1 : i32
      %add3A_104 = arith.addi %add3A_82, %add3A_103 : i32
      %lt3A_105 = arith.constant 13 : i32
      %lt3A_106 = arith.cmpi slt, %add3A_104, %lt3A_105 : i32
      %convert_element_type3A = arith.extui %lt3A_106 : i1 to i32
      %cond3A = arith.constant 0 : i32
      %cond3A_107 = arith.cmpi ne, %convert_element_type3A, %cond3A : i32
      scf.if %cond3A_107 {
        %add3A_113 = arith.constant 1 : i32
        %add3A_114 = arith.addi %add3A_82, %add3A_113 : i32
        %sub3A = arith.constant 1 : i32
        %sub3A_115 = arith.subi %sub3A, %select_n3A_91 : i32
        %sub3A_116 = arith.constant 1 : i32
        %sub3A_117 = arith.subi %sub3A_116, %select_n3A_91 : i32
        %dma_start3A_118 = arith.constant 0 : i32
        %dma_start3A_119 = arith.constant 0 : i32
        %dma_start3A_120 = tpu.memref_slice %arg10[%sub3A_115, %dma_start3A_118, %dma_start3A_119] : memref<2x128x128xf32, #tpu.memory_space<vmem>> -> memref<1x128x128xf32, #tpu.memory_space<vmem>>
        %dma_start3A_121 = tpu.memref_squeeze %dma_start3A_120 : memref<1x128x128xf32, #tpu.memory_space<vmem>> -> memref<128x128xf32, #tpu.memory_space<vmem>>
        %dma_start3A_122 = arith.constant 0 : i32
        %dma_start3A_123 = tpu.memref_slice %arg8[%add3A_114, %dma_start3A_122] : memref<13x128xi32, #tpu.memory_space<vmem>> -> memref<1x128xi32, #tpu.memory_space<vmem>>
        %dma_start3A_124 = tpu.memref_squeeze %dma_start3A_123 : memref<1x128xi32, #tpu.memory_space<vmem>> -> memref<128xi32, #tpu.memory_space<vmem>>
        %dma_start3A_125 = arith.constant 0 : i32
        %dma_start3A_126 = arith.constant 0 : i32
        %dma_start3A_127 = tpu.memref_slice %arg2[%dma_start3A_125, %dma_start3A_126] : memref<10000x128xf32, #tpu.memory_space<hbm>> -> memref<10000x128xf32, #tpu.memory_space<hbm>>
        %dma_start3A_128 = tpu.memref_slice %arg15[%sub3A_117] : memref<2x!tpu.dma_semaphore, #tpu.memory_space<semaphore_mem>> -> memref<1x!tpu.dma_semaphore, #tpu.memory_space<semaphore_mem>>
        %dma_start3A_129 = tpu.memref_squeeze %dma_start3A_128 : memref<1x!tpu.dma_semaphore, #tpu.memory_space<semaphore_mem>> -> memref<!tpu.dma_semaphore, #tpu.memory_space<semaphore_mem>>
        tpu.enqueue_indirect_dma source(%dma_start3A_127 : memref<10000x128xf32, #tpu.memory_space<hbm>>) target(%dma_start3A_121 : memref<128x128xf32, #tpu.memory_space<vmem>>) offsets(%dma_start3A_124 : memref<128xi32, #tpu.memory_space<vmem>>) semaphore(%dma_start3A_129 : memref<!tpu.dma_semaphore, #tpu.memory_space<semaphore_mem>>)
      } else {
      }
      %dma_start3A_108 = arith.constant 0 : i32
      %dma_start3A_109 = tpu.memref_slice %arg9[%add3A_82, %dma_start3A_108] : memref<13x128xi32, #tpu.memory_space<vmem>> -> memref<1x128xi32, #tpu.memory_space<vmem>>
      %dma_start3A_110 = tpu.memref_squeeze %dma_start3A_109 : memref<1x128xi32, #tpu.memory_space<vmem>> -> memref<128xi32, #tpu.memory_space<vmem>>
      %dma_start3A_111 = arith.constant 0 : i32
      %dma_start3A_112 = tpu.memref_slice %arg14[%dma_start3A_111] : memref<10240xf32, #tpu.memory_space<vmem_shared>> -> memref<10240xf32, #tpu.memory_space<vmem_shared>>
      tpu.enqueue_indirect_dma source(%arg11 : memref<128xf32, #tpu.memory_space<vmem>>) target(%dma_start3A_112 : memref<10240xf32, #tpu.memory_space<vmem_shared>>) offsets(%dma_start3A_110 : memref<128xi32, #tpu.memory_space<vmem>>) semaphore(%arg16 : memref<!tpu.dma_semaphore, #tpu.memory_space<semaphore_mem>>) {add = true}
      "tpu.region"() ({
        %run_scoped3A = tpu.sem_alloc : memref<!tpu.dma_semaphore, #tpu.memory_space<semaphore_mem>>
        %dma_start3A_113 = arith.constant 0 : i32
        %dma_start3A_114 = arith.constant 0 : i32
        %dma_start3A_115 = tpu.memref_slice %arg10[%select_n3A_91, %dma_start3A_113, %dma_start3A_114] : memref<2x128x128xf32, #tpu.memory_space<vmem>> -> memref<1x128x128xf32, #tpu.memory_space<vmem>>
        %dma_start3A_116 = tpu.memref_squeeze %dma_start3A_115 : memref<1x128x128xf32, #tpu.memory_space<vmem>> -> memref<128x128xf32, #tpu.memory_space<vmem>>
        %dma_start3A_117 = arith.constant 0 : i32
        %dma_start3A_118 = tpu.memref_slice %arg9[%add3A_82, %dma_start3A_117] : memref<13x128xi32, #tpu.memory_space<vmem>> -> memref<1x128xi32, #tpu.memory_space<vmem>>
        %dma_start3A_119 = tpu.memref_squeeze %dma_start3A_118 : memref<1x128xi32, #tpu.memory_space<vmem>> -> memref<128xi32, #tpu.memory_space<vmem>>
        %dma_start3A_120 = arith.constant 0 : i32
        %dma_start3A_121 = arith.constant 0 : i32
        %dma_start3A_122 = tpu.memref_slice %arg13[%dma_start3A_120, %dma_start3A_121] : memref<10240x128xf32, #tpu.memory_space<vmem_shared>> -> memref<10240x128xf32, #tpu.memory_space<vmem_shared>>
        tpu.enqueue_indirect_dma source(%dma_start3A_116 : memref<128x128xf32, #tpu.memory_space<vmem>>) target(%dma_start3A_122 : memref<10240x128xf32, #tpu.memory_space<vmem_shared>>) offsets(%dma_start3A_119 : memref<128xi32, #tpu.memory_space<vmem>>) semaphore(%run_scoped3A : memref<!tpu.dma_semaphore, #tpu.memory_space<semaphore_mem>>) {add = true}
        %dma_wait3A_123 = arith.constant 0 : i32
        %dma_wait3A_124 = arith.constant 0 : i32
        %dma_wait3A_125 = tpu.memref_slice %arg10[%select_n3A_91, %dma_wait3A_123, %dma_wait3A_124] : memref<2x128x128xf32, #tpu.memory_space<vmem>> -> memref<1x128x128xf32, #tpu.memory_space<vmem>>
        %dma_wait3A_126 = tpu.memref_squeeze %dma_wait3A_125 : memref<1x128x128xf32, #tpu.memory_space<vmem>> -> memref<128x128xf32, #tpu.memory_space<vmem>>
        %dma_wait3A_127 = arith.constant 0 : i32
        %dma_wait3A_128 = tpu.memref_slice %arg9[%add3A_82, %dma_wait3A_127] : memref<13x128xi32, #tpu.memory_space<vmem>> -> memref<1x128xi32, #tpu.memory_space<vmem>>
        %dma_wait3A_129 = tpu.memref_squeeze %dma_wait3A_128 : memref<1x128xi32, #tpu.memory_space<vmem>> -> memref<128xi32, #tpu.memory_space<vmem>>
        %dma_wait3A_130 = arith.constant 0 : i32
        %dma_wait3A_131 = arith.constant 0 : i32
        %dma_wait3A_132 = tpu.memref_slice %arg13[%dma_wait3A_130, %dma_wait3A_131] : memref<10240x128xf32, #tpu.memory_space<vmem_shared>> -> memref<10240x128xf32, #tpu.memory_space<vmem_shared>>
        tpu.wait_indirect_dma semaphore(%run_scoped3A : memref<!tpu.dma_semaphore, #tpu.memory_space<semaphore_mem>>) src(%dma_wait3A_126 : memref<128x128xf32, #tpu.memory_space<vmem>>) dst(%dma_wait3A_132 : memref<10240x128xf32, #tpu.memory_space<vmem_shared>>)
        tpu.yield
      }) : () -> ()
    }
    %scan3A_71 = arith.constant 13 : i32
    %scan3A_72 = arith.constant 0 : i32
    %scan3A_73 = arith.constant 13 : i32
    %scan3A_74 = arith.addi %scan3A_72, %scan3A_73 : i32
    %scan3A_75 = arith.constant 1 : i32
    scf.for %scan3A_78 = %scan3A_72 to %scan3A_74 step %scan3A_75  : i32 {
      %mul3A_79 = arith.constant 1 : i32
      %mul3A_80 = arith.muli %scan3A_78, %mul3A_79 : i32
      %add3A_81 = arith.constant 0 : i32
      %add3A_82 = arith.addi %add3A_81, %mul3A_80 : i32
      %dma_wait3A = arith.constant 0 : i32
      %dma_wait3A_83 = tpu.memref_slice %arg9[%add3A_82, %dma_wait3A] : memref<13x128xi32, #tpu.memory_space<vmem>> -> memref<1x128xi32, #tpu.memory_space<vmem>>
      %dma_wait3A_84 = tpu.memref_squeeze %dma_wait3A_83 : memref<1x128xi32, #tpu.memory_space<vmem>> -> memref<128xi32, #tpu.memory_space<vmem>>
      %dma_wait3A_85 = arith.constant 0 : i32
      %dma_wait3A_86 = tpu.memref_slice %arg14[%dma_wait3A_85] : memref<10240xf32, #tpu.memory_space<vmem_shared>> -> memref<10240xf32, #tpu.memory_space<vmem_shared>>
      tpu.wait_indirect_dma semaphore(%arg16 : memref<!tpu.dma_semaphore, #tpu.memory_space<semaphore_mem>>) src(%arg11 : memref<128xf32, #tpu.memory_space<vmem>>) dst(%dma_wait3A_86 : memref<10240xf32, #tpu.memory_space<vmem_shared>>)
    }
    %scan3A_76 = arith.constant 13 : i32
    %barrier3A_77 = arith.constant 0 : index
    tpu.barrier barrier_id(%barrier3A_77)
    "tpu.region"() ({
      %run_scoped3A = tpu.sem_alloc : memref<!tpu.dma_semaphore, #tpu.memory_space<semaphore_mem>>
      %dma_start3A_78 = arith.constant 0 : i32
      %dma_start3A_79 = tpu.memref_slice %arg6[%arg0, %mul3A_2, %dma_start3A_78] : memref<2x10240x128xf32, #tpu.memory_space<hbm>> -> memref<1x640x128xf32, #tpu.memory_space<hbm>>
      %dma_start3A_80 = tpu.memref_squeeze %dma_start3A_79 : memref<1x640x128xf32, #tpu.memory_space<hbm>> -> memref<640x128xf32, #tpu.memory_space<hbm>>
      %dma_start3A_81 = arith.constant 0 : i32
      %dma_start3A_82 = tpu.memref_slice %arg13[%mul3A_2, %dma_start3A_81] : memref<10240x128xf32, #tpu.memory_space<vmem_shared>> -> memref<640x128xf32, #tpu.memory_space<vmem_shared>>
      tpu.enqueue_dma source(%dma_start3A_82 : memref<640x128xf32, #tpu.memory_space<vmem_shared>>) target(%dma_start3A_80 : memref<640x128xf32, #tpu.memory_space<hbm>>) target_semaphore(%run_scoped3A : memref<!tpu.dma_semaphore, #tpu.memory_space<semaphore_mem>>)
      %dma_wait3A = arith.constant 0 : i32
      %dma_wait3A_83 = tpu.memref_slice %arg6[%arg0, %mul3A_2, %dma_wait3A] : memref<2x10240x128xf32, #tpu.memory_space<hbm>> -> memref<1x640x128xf32, #tpu.memory_space<hbm>>
      %dma_wait3A_84 = tpu.memref_squeeze %dma_wait3A_83 : memref<1x640x128xf32, #tpu.memory_space<hbm>> -> memref<640x128xf32, #tpu.memory_space<hbm>>
      %dma_wait3A_85 = arith.constant 0 : i32
      %dma_wait3A_86 = tpu.memref_slice %arg13[%mul3A_2, %dma_wait3A_85] : memref<10240x128xf32, #tpu.memory_space<vmem_shared>> -> memref<640x128xf32, #tpu.memory_space<vmem_shared>>
      tpu.wait_dma2 semaphore(%run_scoped3A : memref<!tpu.dma_semaphore, #tpu.memory_space<semaphore_mem>>) src(%dma_wait3A_86 : memref<640x128xf32, #tpu.memory_space<vmem_shared>>) dst(%dma_wait3A_84 : memref<640x128xf32, #tpu.memory_space<hbm>>)
      tpu.yield
    }) : () -> ()
    "tpu.region"() ({
      %run_scoped3A = tpu.sem_alloc : memref<!tpu.dma_semaphore, #tpu.memory_space<semaphore_mem>>
      %dma_start3A_78 = tpu.memref_slice %arg7[%arg0, %mul3A_2] : memref<2x10240xf32, #tpu.memory_space<hbm>> -> memref<1x640xf32, #tpu.memory_space<hbm>>
      %dma_start3A_79 = tpu.memref_squeeze %dma_start3A_78 : memref<1x640xf32, #tpu.memory_space<hbm>> -> memref<640xf32, #tpu.memory_space<hbm>>
      %dma_start3A_80 = tpu.memref_slice %arg14[%mul3A_2] : memref<10240xf32, #tpu.memory_space<vmem_shared>> -> memref<640xf32, #tpu.memory_space<vmem_shared>>
      tpu.enqueue_dma source(%dma_start3A_80 : memref<640xf32, #tpu.memory_space<vmem_shared>>) target(%dma_start3A_79 : memref<640xf32, #tpu.memory_space<hbm>>) target_semaphore(%run_scoped3A : memref<!tpu.dma_semaphore, #tpu.memory_space<semaphore_mem>>)
      %dma_wait3A = tpu.memref_slice %arg7[%arg0, %mul3A_2] : memref<2x10240xf32, #tpu.memory_space<hbm>> -> memref<1x640xf32, #tpu.memory_space<hbm>>
      %dma_wait3A_81 = tpu.memref_squeeze %dma_wait3A : memref<1x640xf32, #tpu.memory_space<hbm>> -> memref<640xf32, #tpu.memory_space<hbm>>
      %dma_wait3A_82 = tpu.memref_slice %arg14[%mul3A_2] : memref<10240xf32, #tpu.memory_space<vmem_shared>> -> memref<640xf32, #tpu.memory_space<vmem_shared>>
      tpu.wait_dma2 semaphore(%run_scoped3A : memref<!tpu.dma_semaphore, #tpu.memory_space<semaphore_mem>>) src(%dma_wait3A_82 : memref<640xf32, #tpu.memory_space<vmem_shared>>) dst(%dma_wait3A_81 : memref<640xf32, #tpu.memory_space<hbm>>)
      tpu.yield
    }) : () -> ()
    return
  }
}

module attributes {stable_mosaic.version = 14 : i64} {
  func.func @body(%arg0: i32, %arg1: memref<512x128xf32, #tpu.memory_space<vmem>>, %arg2: memref<128x128xf32, #tpu.memory_space<vmem>>, %arg3: memref<1x128xf32, #tpu.memory_space<vmem>>, %arg4: memref<128x128xf32, #tpu.memory_space<vmem>>, %arg5: memref<2x512x1xf32, #tpu.memory_space<vmem>>, %arg6: memref<512x128xf32, #tpu.memory_space<vmem>>, %arg7: memref<512x1xf32, #tpu.memory_space<vmem>>) attributes {dimension_semantics = [#tpu.dimension_semantics<arbitrary>], iteration_bounds = array<i64: 20>, scalar_prefetch = 0 : i64, scratch_operands = 0 : i64, tpu.core_type = #tpu.core_type<tc>, window_params = [{transform_indices = @transform_0, window_bounds = array<i64: 512, 128>}, {pipeline_mode = #tpu.pipeline_mode<synchronous>, transform_indices = @transform_1, window_bounds = array<i64: 128, 128>}, {pipeline_mode = #tpu.pipeline_mode<synchronous>, transform_indices = @transform_2, window_bounds = array<i64: 1, 128>}, {pipeline_mode = #tpu.pipeline_mode<synchronous>, transform_indices = @transform_3, window_bounds = array<i64: 128, 128>}, {transform_indices = @transform_4, window_bounds = array<i64: 2, 512, 1>}, {transform_indices = @transform_5, window_bounds = array<i64: 512, 128>}, {transform_indices = @transform_6, window_bounds = array<i64: 512, 1>}]} {
    %get3A = arith.constant 0 : index
    %get3A_0 = arith.constant 0 : index
    %get3A_1 = arith.constant 0 : index
    %get3A_2 = vector.load %arg5[%get3A, %get3A_0, %get3A_1] : memref<2x512x1xf32, #tpu.memory_space<vmem>>, vector<1x512x1xf32>
    %get3A_3 = vector.shape_cast %get3A_2 : vector<1x512x1xf32> to vector<512x1xf32>
    %get3A_4 = arith.constant 1 : index
    %get3A_5 = arith.constant 0 : index
    %get3A_6 = arith.constant 0 : index
    %get3A_7 = vector.load %arg5[%get3A_4, %get3A_5, %get3A_6] : memref<2x512x1xf32, #tpu.memory_space<vmem>>, vector<1x512x1xf32>
    %get3A_8 = vector.shape_cast %get3A_7 : vector<1x512x1xf32> to vector<512x1xf32>
    %add3A = arith.addf %get3A_3, %get3A_8 : vector<512x1xf32>
    %rsqrt3A = math.rsqrt %add3A : vector<512x1xf32>
    %get3A_9 = arith.constant 0 : index
    %get3A_10 = arith.constant 0 : index
    %get3A_11 = vector.load %arg1[%get3A_9, %get3A_10] : memref<512x128xf32, #tpu.memory_space<vmem>>, vector<512x128xf32>
    %get3A_12 = arith.constant 0 : index
    %get3A_13 = arith.constant 0 : index
    %get3A_14 = vector.load %arg2[%get3A_12, %get3A_13] : memref<128x128xf32, #tpu.memory_space<vmem>>, vector<128x128xf32>
    %dot_general3A = arith.constant dense<0.000000e+00> : vector<512x128xf32>
    %dot_general3A_15 = tpu.matmul %get3A_11, %get3A_14, %dot_general3A {dimension_numbers = #tpu.dot_dimension_numbers<[1], [0], [0], [1], [0, 0, 1, 1], [], []>, transpose_lhs_hint = false} : vector<512x128xf32>, vector<128x128xf32>, vector<512x128xf32> -> vector<512x128xf32>
    %get3A_16 = arith.constant 0 : index
    %get3A_17 = arith.constant 0 : index
    %get3A_18 = vector.load %arg3[%get3A_16, %get3A_17] : memref<1x128xf32, #tpu.memory_space<vmem>>, vector<1x128xf32>
    %add3A_19 = vector.broadcast %get3A_18 : vector<1x128xf32> to vector<512x128xf32>
    %add3A_20 = arith.addf %dot_general3A_15, %add3A_19 : vector<512x128xf32>
    %get3A_21 = arith.constant 0 : index
    %get3A_22 = arith.constant 0 : index
    %get3A_23 = vector.load %arg4[%get3A_21, %get3A_22] : memref<128x128xf32, #tpu.memory_space<vmem>>, vector<128x128xf32>
    %dot_general3A_24 = arith.constant dense<0.000000e+00> : vector<512x128xf32>
    %dot_general3A_25 = tpu.matmul %add3A_20, %get3A_23, %dot_general3A_24 {dimension_numbers = #tpu.dot_dimension_numbers<[1], [0], [0], [1], [0, 0, 1, 1], [], []>, transpose_lhs_hint = false} : vector<512x128xf32>, vector<128x128xf32>, vector<512x128xf32> -> vector<512x128xf32>
    %mul3A = vector.broadcast %rsqrt3A : vector<512x1xf32> to vector<512x128xf32>
    %mul3A_26 = arith.mulf %dot_general3A_25, %mul3A : vector<512x128xf32>
    %swap3A = arith.constant 0 : index
    %swap3A_27 = arith.constant 0 : index
    %swap3A_28 = vector.load %arg6[%swap3A, %swap3A_27] : memref<512x128xf32, #tpu.memory_space<vmem>>, vector<512x128xf32>
    tpu.vector_store %arg6[%swap3A, %swap3A_27], %mul3A_26 {strides = array<i32>} : memref<512x128xf32, #tpu.memory_space<vmem>>, vector<512x128xf32>,
    %swap3A_29 = arith.constant 0 : index
    %swap3A_30 = arith.constant 0 : index
    %swap3A_31 = vector.load %arg7[%swap3A_29, %swap3A_30] : memref<512x1xf32, #tpu.memory_space<vmem>>, vector<512x1xf32>
    tpu.vector_store %arg7[%swap3A_29, %swap3A_30], %rsqrt3A {strides = array<i32>} : memref<512x1xf32, #tpu.memory_space<vmem>>, vector<512x1xf32>,
    return
  }
  func.func @transform_0(%arg0: i32) -> (i32, i32) {
    %c0_i32 = arith.constant 0 : i32
    %c0_i32_0 = arith.constant 0 : i32
    return %arg0, %c0_i32 : i32, i32
  }
  func.func @transform_1(%arg0: i32) -> (i32, i32) {
    %c0_i32 = arith.constant 0 : i32
    %c0_i32_0 = arith.constant 0 : i32
    %c0_i32_1 = arith.constant 0 : i32
    return %c0_i32, %c0_i32_0 : i32, i32
  }
  func.func @transform_2(%arg0: i32) -> (i32, i32) {
    %c0_i32 = arith.constant 0 : i32
    %c0_i32_0 = arith.constant 0 : i32
    %c0_i32_1 = arith.constant 0 : i32
    return %c0_i32, %c0_i32_0 : i32, i32
  }
  func.func @transform_3(%arg0: i32) -> (i32, i32) {
    %c0_i32 = arith.constant 0 : i32
    %c0_i32_0 = arith.constant 0 : i32
    %c0_i32_1 = arith.constant 0 : i32
    return %c0_i32, %c0_i32_0 : i32, i32
  }
  func.func @transform_4(%arg0: i32) -> (i32, i32, i32) {
    %c0_i32 = arith.constant 0 : i32
    %c0_i32_0 = arith.constant 0 : i32
    %c0_i32_1 = arith.constant 0 : i32
    return %c0_i32, %arg0, %c0_i32_0 : i32, i32, i32
  }
  func.func @transform_5(%arg0: i32) -> (i32, i32) {
    %c0_i32 = arith.constant 0 : i32
    %c0_i32_0 = arith.constant 0 : i32
    return %arg0, %c0_i32 : i32, i32
  }
  func.func @transform_6(%arg0: i32) -> (i32, i32) {
    %c0_i32 = arith.constant 0 : i32
    %c0_i32_0 = arith.constant 0 : i32
    return %arg0, %c0_i32 : i32, i32
  }
}

module attributes {stable_mosaic.version = 14 : i64} {
  func.func @body(%arg0: i32, %arg1: memref<2x512x128xf32, #tpu.memory_space<vmem>>, %arg2: memref<512x1xf32, #tpu.memory_space<vmem>>, %arg3: memref<1x128xf32, #tpu.memory_space<vmem>>, %arg4: memref<128x128xf32, #tpu.memory_space<vmem>>, %arg5: memref<512x128xf32, #tpu.memory_space<vmem>>) attributes {dimension_semantics = [#tpu.dimension_semantics<arbitrary>], iteration_bounds = array<i64: 20>, scalar_prefetch = 0 : i64, scratch_operands = 0 : i64, tpu.core_type = #tpu.core_type<tc>, window_params = [{transform_indices = @transform_0, window_bounds = array<i64: 2, 512, 128>}, {transform_indices = @transform_1, window_bounds = array<i64: 512, 1>}, {pipeline_mode = #tpu.pipeline_mode<synchronous>, transform_indices = @transform_2, window_bounds = array<i64: 1, 128>}, {pipeline_mode = #tpu.pipeline_mode<synchronous>, transform_indices = @transform_3, window_bounds = array<i64: 128, 128>}, {transform_indices = @transform_4, window_bounds = array<i64: 512, 128>}]} {
    %get3A = arith.constant 0 : index
    %get3A_0 = arith.constant 0 : index
    %get3A_1 = arith.constant 0 : index
    %get3A_2 = vector.load %arg1[%get3A, %get3A_0, %get3A_1] : memref<2x512x128xf32, #tpu.memory_space<vmem>>, vector<1x512x128xf32>
    %get3A_3 = vector.shape_cast %get3A_2 : vector<1x512x128xf32> to vector<512x128xf32>
    %get3A_4 = arith.constant 1 : index
    %get3A_5 = arith.constant 0 : index
    %get3A_6 = arith.constant 0 : index
    %get3A_7 = vector.load %arg1[%get3A_4, %get3A_5, %get3A_6] : memref<2x512x128xf32, #tpu.memory_space<vmem>>, vector<1x512x128xf32>
    %get3A_8 = vector.shape_cast %get3A_7 : vector<1x512x128xf32> to vector<512x128xf32>
    %add3A = arith.addf %get3A_3, %get3A_8 : vector<512x128xf32>
    %get3A_9 = arith.constant 0 : index
    %get3A_10 = arith.constant 0 : index
    %get3A_11 = vector.load %arg2[%get3A_9, %get3A_10] : memref<512x1xf32, #tpu.memory_space<vmem>>, vector<512x1xf32>
    %mul3A = vector.broadcast %get3A_11 : vector<512x1xf32> to vector<512x128xf32>
    %mul3A_12 = arith.mulf %add3A, %mul3A : vector<512x128xf32>
    %get3A_13 = arith.constant 0 : index
    %get3A_14 = arith.constant 0 : index
    %get3A_15 = vector.load %arg3[%get3A_13, %get3A_14] : memref<1x128xf32, #tpu.memory_space<vmem>>, vector<1x128xf32>
    %add3A_16 = vector.broadcast %get3A_15 : vector<1x128xf32> to vector<512x128xf32>
    %add3A_17 = arith.addf %mul3A_12, %add3A_16 : vector<512x128xf32>
    %gt3A = arith.constant 0.000000e+00 : f32
    %gt3A_18 = vector.broadcast %gt3A : f32 to vector<512x128xf32>
    %gt3A_19 = arith.cmpf ogt, %add3A_17, %gt3A_18 : vector<512x128xf32>
    %exp3A = math.exp %add3A_17 : vector<512x128xf32>
    %sub3A = arith.constant 1.000000e+00 : f32
    %sub3A_20 = vector.broadcast %sub3A : f32 to vector<512x128xf32>
    %sub3A_21 = arith.subf %exp3A, %sub3A_20 : vector<512x128xf32>
    %select_n3A = arith.select %gt3A_19, %add3A_17, %sub3A_21 : vector<512x128xi1>, vector<512x128xf32>
    %get3A_22 = arith.constant 0 : index
    %get3A_23 = arith.constant 0 : index
    %get3A_24 = vector.load %arg4[%get3A_22, %get3A_23] : memref<128x128xf32, #tpu.memory_space<vmem>>, vector<128x128xf32>
    %dot_general3A = arith.constant dense<0.000000e+00> : vector<512x128xf32>
    %dot_general3A_25 = tpu.matmul %select_n3A, %get3A_24, %dot_general3A {dimension_numbers = #tpu.dot_dimension_numbers<[1], [0], [0], [1], [0, 0, 1, 1], [], []>, transpose_lhs_hint = false} : vector<512x128xf32>, vector<128x128xf32>, vector<512x128xf32> -> vector<512x128xf32>
    %get3A_26 = arith.constant 0 : index
    %get3A_27 = arith.constant 0 : index
    %get3A_28 = vector.load %arg2[%get3A_26, %get3A_27] : memref<512x1xf32, #tpu.memory_space<vmem>>, vector<512x1xf32>
    %mul3A_29 = vector.broadcast %get3A_28 : vector<512x1xf32> to vector<512x128xf32>
    %mul3A_30 = arith.mulf %dot_general3A_25, %mul3A_29 : vector<512x128xf32>
    %swap3A = arith.constant 0 : index
    %swap3A_31 = arith.constant 0 : index
    %swap3A_32 = vector.load %arg5[%swap3A, %swap3A_31] : memref<512x128xf32, #tpu.memory_space<vmem>>, vector<512x128xf32>
    tpu.vector_store %arg5[%swap3A, %swap3A_31], %mul3A_30 {strides = array<i32>} : memref<512x128xf32, #tpu.memory_space<vmem>>, vector<512x128xf32>,
    return
  }
  func.func @transform_0(%arg0: i32) -> (i32, i32, i32) {
    %c0_i32 = arith.constant 0 : i32
    %c0_i32_0 = arith.constant 0 : i32
    %c0_i32_1 = arith.constant 0 : i32
    return %c0_i32, %arg0, %c0_i32_0 : i32, i32, i32
  }
  func.func @transform_1(%arg0: i32) -> (i32, i32) {
    %c0_i32 = arith.constant 0 : i32
    %c0_i32_0 = arith.constant 0 : i32
    return %arg0, %c0_i32 : i32, i32
  }
  func.func @transform_2(%arg0: i32) -> (i32, i32) {
    %c0_i32 = arith.constant 0 : i32
    %c0_i32_0 = arith.constant 0 : i32
    %c0_i32_1 = arith.constant 0 : i32
    return %c0_i32, %c0_i32_0 : i32, i32
  }
  func.func @transform_3(%arg0: i32) -> (i32, i32) {
    %c0_i32 = arith.constant 0 : i32
    %c0_i32_0 = arith.constant 0 : i32
    %c0_i32_1 = arith.constant 0 : i32
    return %c0_i32, %c0_i32_0 : i32, i32
  }
  func.func @transform_4(%arg0: i32) -> (i32, i32) {
    %c0_i32 = arith.constant 0 : i32
    %c0_i32_0 = arith.constant 0 : i32
    return %arg0, %c0_i32 : i32, i32
  }
}

module attributes {stable_mosaic.version = 14 : i64} {
  func.func @body(%arg0: i32, %arg1: memref<2x512x128xf32, #tpu.memory_space<vmem>>, %arg2: memref<512x1xf32, #tpu.memory_space<vmem>>, %arg3: memref<1x128xf32, #tpu.memory_space<vmem>>, %arg4: memref<512x128xf32, #tpu.memory_space<vmem>>) attributes {dimension_semantics = [#tpu.dimension_semantics<arbitrary>], iteration_bounds = array<i64: 20>, scalar_prefetch = 0 : i64, scratch_operands = 0 : i64, tpu.core_type = #tpu.core_type<tc>, window_params = [{transform_indices = @transform_0, window_bounds = array<i64: 2, 512, 128>}, {transform_indices = @transform_1, window_bounds = array<i64: 512, 1>}, {pipeline_mode = #tpu.pipeline_mode<synchronous>, transform_indices = @transform_2, window_bounds = array<i64: 1, 128>}, {transform_indices = @transform_3, window_bounds = array<i64: 512, 128>}]} {
    %get3A = arith.constant 0 : index
    %get3A_0 = arith.constant 0 : index
    %get3A_1 = arith.constant 0 : index
    %get3A_2 = vector.load %arg1[%get3A, %get3A_0, %get3A_1] : memref<2x512x128xf32, #tpu.memory_space<vmem>>, vector<1x512x128xf32>
    %get3A_3 = vector.shape_cast %get3A_2 : vector<1x512x128xf32> to vector<512x128xf32>
    %get3A_4 = arith.constant 1 : index
    %get3A_5 = arith.constant 0 : index
    %get3A_6 = arith.constant 0 : index
    %get3A_7 = vector.load %arg1[%get3A_4, %get3A_5, %get3A_6] : memref<2x512x128xf32, #tpu.memory_space<vmem>>, vector<1x512x128xf32>
    %get3A_8 = vector.shape_cast %get3A_7 : vector<1x512x128xf32> to vector<512x128xf32>
    %add3A = arith.addf %get3A_3, %get3A_8 : vector<512x128xf32>
    %get3A_9 = arith.constant 0 : index
    %get3A_10 = arith.constant 0 : index
    %get3A_11 = vector.load %arg2[%get3A_9, %get3A_10] : memref<512x1xf32, #tpu.memory_space<vmem>>, vector<512x1xf32>
    %mul3A = vector.broadcast %get3A_11 : vector<512x1xf32> to vector<512x128xf32>
    %mul3A_12 = arith.mulf %add3A, %mul3A : vector<512x128xf32>
    %get3A_13 = arith.constant 0 : index
    %get3A_14 = arith.constant 0 : index
    %get3A_15 = vector.load %arg3[%get3A_13, %get3A_14] : memref<1x128xf32, #tpu.memory_space<vmem>>, vector<1x128xf32>
    %add3A_16 = vector.broadcast %get3A_15 : vector<1x128xf32> to vector<512x128xf32>
    %add3A_17 = arith.addf %mul3A_12, %add3A_16 : vector<512x128xf32>
    %gt3A = arith.constant 0.000000e+00 : f32
    %gt3A_18 = vector.broadcast %gt3A : f32 to vector<512x128xf32>
    %gt3A_19 = arith.cmpf ogt, %add3A_17, %gt3A_18 : vector<512x128xf32>
    %exp3A = math.exp %add3A_17 : vector<512x128xf32>
    %sub3A = arith.constant 1.000000e+00 : f32
    %sub3A_20 = vector.broadcast %sub3A : f32 to vector<512x128xf32>
    %sub3A_21 = arith.subf %exp3A, %sub3A_20 : vector<512x128xf32>
    %select_n3A = arith.select %gt3A_19, %add3A_17, %sub3A_21 : vector<512x128xi1>, vector<512x128xf32>
    %swap3A = arith.constant 0 : index
    %swap3A_22 = arith.constant 0 : index
    %swap3A_23 = vector.load %arg4[%swap3A, %swap3A_22] : memref<512x128xf32, #tpu.memory_space<vmem>>, vector<512x128xf32>
    tpu.vector_store %arg4[%swap3A, %swap3A_22], %select_n3A {strides = array<i32>} : memref<512x128xf32, #tpu.memory_space<vmem>>, vector<512x128xf32>,
    return
  }
  func.func @transform_0(%arg0: i32) -> (i32, i32, i32) {
    %c0_i32 = arith.constant 0 : i32
    %c0_i32_0 = arith.constant 0 : i32
    %c0_i32_1 = arith.constant 0 : i32
    return %c0_i32, %arg0, %c0_i32_0 : i32, i32, i32
  }
  func.func @transform_1(%arg0: i32) -> (i32, i32) {
    %c0_i32 = arith.constant 0 : i32
    %c0_i32_0 = arith.constant 0 : i32
    return %arg0, %c0_i32 : i32, i32
  }
  func.func @transform_2(%arg0: i32) -> (i32, i32) {
    %c0_i32 = arith.constant 0 : i32
    %c0_i32_0 = arith.constant 0 : i32
    %c0_i32_1 = arith.constant 0 : i32
    return %c0_i32, %c0_i32_0 : i32, i32
  }
  func.func @transform_3(%arg0: i32) -> (i32, i32) {
    %c0_i32 = arith.constant 0 : i32
    %c0_i32_0 = arith.constant 0 : i32
    return %arg0, %c0_i32 : i32, i32
  }
}

module attributes {stable_mosaic.version = 14 : i64} {
  func.func @body(%arg0: i32, %arg1: memref<2x512x128xf32, #tpu.memory_space<vmem>>, %arg2: memref<2x512x1xf32, #tpu.memory_space<vmem>>, %arg3: memref<512x128xf32, #tpu.memory_space<vmem>>) attributes {dimension_semantics = [#tpu.dimension_semantics<arbitrary>], iteration_bounds = array<i64: 20>, scalar_prefetch = 0 : i64, scratch_operands = 0 : i64, tpu.core_type = #tpu.core_type<tc>, window_params = [{transform_indices = @transform_0, window_bounds = array<i64: 2, 512, 128>}, {transform_indices = @transform_1, window_bounds = array<i64: 2, 512, 1>}, {transform_indices = @transform_2, window_bounds = array<i64: 512, 128>}]} {
    %get3A = arith.constant 0 : index
    %get3A_0 = arith.constant 0 : index
    %get3A_1 = arith.constant 0 : index
    %get3A_2 = vector.load %arg1[%get3A, %get3A_0, %get3A_1] : memref<2x512x128xf32, #tpu.memory_space<vmem>>, vector<1x512x128xf32>
    %get3A_3 = vector.shape_cast %get3A_2 : vector<1x512x128xf32> to vector<512x128xf32>
    %get3A_4 = arith.constant 1 : index
    %get3A_5 = arith.constant 0 : index
    %get3A_6 = arith.constant 0 : index
    %get3A_7 = vector.load %arg1[%get3A_4, %get3A_5, %get3A_6] : memref<2x512x128xf32, #tpu.memory_space<vmem>>, vector<1x512x128xf32>
    %get3A_8 = vector.shape_cast %get3A_7 : vector<1x512x128xf32> to vector<512x128xf32>
    %add3A = arith.addf %get3A_3, %get3A_8 : vector<512x128xf32>
    %get3A_9 = arith.constant 0 : index
    %get3A_10 = arith.constant 0 : index
    %get3A_11 = arith.constant 0 : index
    %get3A_12 = vector.load %arg2[%get3A_9, %get3A_10, %get3A_11] : memref<2x512x1xf32, #tpu.memory_space<vmem>>, vector<1x512x1xf32>
    %get3A_13 = vector.shape_cast %get3A_12 : vector<1x512x1xf32> to vector<512x1xf32>
    %add3A_14 = arith.constant 1.000000e+00 : f32
    %add3A_15 = vector.broadcast %add3A_14 : f32 to vector<512x1xf32>
    %add3A_16 = arith.addf %add3A_15, %get3A_13 : vector<512x1xf32>
    %get3A_17 = arith.constant 1 : index
    %get3A_18 = arith.constant 0 : index
    %get3A_19 = arith.constant 0 : index
    %get3A_20 = vector.load %arg2[%get3A_17, %get3A_18, %get3A_19] : memref<2x512x1xf32, #tpu.memory_space<vmem>>, vector<1x512x1xf32>
    %get3A_21 = vector.shape_cast %get3A_20 : vector<1x512x1xf32> to vector<512x1xf32>
    %add3A_22 = arith.addf %add3A_16, %get3A_21 : vector<512x1xf32>
    %div3A = vector.broadcast %add3A_22 : vector<512x1xf32> to vector<512x128xf32>
    %div3A_23 = arith.divf %add3A, %div3A : vector<512x128xf32>
    %swap3A = arith.constant 0 : index
    %swap3A_24 = arith.constant 0 : index
    %swap3A_25 = vector.load %arg3[%swap3A, %swap3A_24] : memref<512x128xf32, #tpu.memory_space<vmem>>, vector<512x128xf32>
    tpu.vector_store %arg3[%swap3A, %swap3A_24], %div3A_23 {strides = array<i32>} : memref<512x128xf32, #tpu.memory_space<vmem>>, vector<512x128xf32>,
    return
  }
  func.func @transform_0(%arg0: i32) -> (i32, i32, i32) {
    %c0_i32 = arith.constant 0 : i32
    %c0_i32_0 = arith.constant 0 : i32
    %c0_i32_1 = arith.constant 0 : i32
    return %c0_i32, %arg0, %c0_i32_0 : i32, i32, i32
  }
  func.func @transform_1(%arg0: i32) -> (i32, i32, i32) {
    %c0_i32 = arith.constant 0 : i32
    %c0_i32_0 = arith.constant 0 : i32
    %c0_i32_1 = arith.constant 0 : i32
    return %c0_i32, %arg0, %c0_i32_0 : i32, i32, i32
  }
  func.func @transform_2(%arg0: i32) -> (i32, i32) {
    %c0_i32 = arith.constant 0 : i32
    %c0_i32_0 = arith.constant 0 : i32
    return %arg0, %c0_i32 : i32, i32
  }
}

</mosaic_0001>

<sc_bundles>
// kernel: kernel.10.cloned.1.call-start
scs
__scs_entry_jumppad:
0x0: {  	(pc) =	sbr.rel $0x88, $3  }
0x1: {  	(tag) =	ssettag $0x0;
	lr =	simm.s32 $0x1  }
0x2: {  	[smem:$0x3F97] =	sst lr;
	_ =	strace $0xD0000000  }
0x3: {  	_ = 	snop  }
0x4: {  	_ = 	snop  }
0x5: {  	_ = 	snop  }
0x6: {  	_ = 	snop  }
0x7: {  	_ = 	snop  }
__scs_overlays_trampoline_lowered:
0x8: {  	[smem:$0x3FA6] =	sst s0  }
0x9: {  	[smem:$0x3FA7] =	sst s1  }
0xa: {  	[smem:$0x3FA8] =	sst s2  }
0xb: {  	[smem:$0x3FA9] =	sst s3  }
0xc: {  	[smem:$0x3FAA] =	sst s4  }
0xd: {  	[smem:$0x3FAB] =	sst s5  }
0xe: {  	[smem:$0x3FAC] =	sst s6  }
0xf: {  	[smem:$0x3FAD] =	sst s7  }
0x10: {  	[smem:$0x3FAE] =	sst s8  }
0x11: {  	[smem:$0x3FAF] =	sst s9;
	s0 =	simm.s32 @!p0 $0x0  }
0x12: {  	s1 =	sld [smem:$0x3F95];
	s0 =	simm.s32 @p0 $0x1  }
0x13: {  	[smem:$0x3FB0] =	sst s0;
	s0 =	simm.s32 @!p1 $0x0  }
0x14: {  	s2 =	sld [smem:$0x3F94];
	s0 =	simm.s32 @p1 $0x1  }
0x15: {  	[smem:$0x3FB1] =	sst s0;
	s0 =	simm.s32 @!p2 $0x0  }
0x16: {  	s3 =	sld [smem:$0x3FDB];
	s0 =	simm.s32 @p2 $0x1  }
0x17: {  	s4 =	simm.s32 $0x1BF5;
	[smem:$0x3FB3] =	sst s0  }
0x18: {  	s0 =	sld [smem:$0x3F96];
	_ =	swait.ge [sflag:s4], $0x0  }
0x19: {  	s7 =	sld [smem:$0x3F97]  }
0x1a: {  	s8 =	sadd.s32 $0xFFFFE003, lr  }
0x1b: {  	s9 =	sadd.s32 $0xFFFFFEF7, lr;
	s5 =	simm.s32 $0xFFFFFFFF;
	p2 =	slt.u32 s8, $0xFFFFF086  }
0x1c: {  	p1 =	slt.u32 s9, $0xF7A;
	s5 =	simm.s32 @!p2 $0x0  }
0x1d: {  	s5 =	simm.s32 @p1 $0x1;
	p0 =	seq.s32 s7, s2  }
0x1e: {  	s7 =	smul.u32 @!p0 $0xF7A, s2;
	p2 =	seq.s32 @!p0 s5, $0x0  }
0x1f: {  	s9 =	smul.u32 $0xF7A, s1;
	s8 =	simm.s32 @!p0 $0x1BF5;
	p2 =	por !p2, p0  }
0x20: {  	[sflag:s8] =	ssyncset.s32 @!p0 $0xFFFFF086;
	s6 =	sadd.s32 @!p0 s3, s7;
	s7 =	simm.s32 @!p0 $0x108  }
0x21: {  	s3 =	sadd.s32 s3, s9;
	s6 =	sadd.s32 @!p0 $0x88, s6;
	s7 =	simm.s32 @p2 $0x1082  }
0x22: {  	[simem:s7], [sflag:s8] =	dma.local @!p0 [hbm:s6], $0xF7A  }
0x23: {  	s9 =	sor.u32 $0xD0000000, s2;
	s6 =	simm.s32 $0x108;
	_ =	swait.ge @!p0 [sflag:s8], $0x0  }
0x24: {  	s3 =	sadd.s32 $0x88, s3;
	s6 =	simm.s32 @!p1 $0x1082;
	[sflag:s4] =	ssyncset.s32 $0xFFFFF086  }
0x25: {  	[simem:s6], [sflag:s4] =	dma.local [hbm:s3], $0xF7A  }
0x26: {  	[smem:$0x3F97] =	sst s1;
	(tag) =	ssettag s2;
	_ =	strace s9  }
0x27: {  	s1 =	sld [smem:$0x3FA7]  }
0x28: {  	s2 =	sld [smem:$0x3FA8]  }
0x29: {  	s4 =	sld [smem:$0x3FAA]  }
0x2a: {  	p0 =	seq.s32 s5, $0x0;
	s5 =	sld [smem:$0x3FAB]  }
0x2b: {  	s6 =	sld [smem:$0x3FAC]  }
0x2c: {  	s7 =	sld [smem:$0x3FAD]  }
0x2d: {  	s3 =	simm.s32 $0x108;
	s8 =	sld [smem:$0x3FAE]  }
0x2e: {  	s3 =	simm.s32 @!p0 $0x1082;
	s9 =	sld [smem:$0x3FAF]  }
0x2f: {  	lr =	sadd.s32 s0, s3;
	s0 =	sld [smem:$0x3FA6]  }
0x30: {  	s3 =	sld [smem:$0x3FA9]  }
0x31: {  	[smem:$0x3FB2] =	sst s10  }
0x32: {  	s10 =	sld [smem:$0x3FB0];
	_ =	sdelay $0x3  }
0x33: {  	p0 =	seq.s32 s10, $0x1;
	s10 =	sld [smem:$0x3FB2];
	_ =	sdelay $0x3  }
0x34: {  	[smem:$0x3FB2] =	sst s10  }
0x35: {  	s10 =	sld [smem:$0x3FB1];
	_ =	sdelay $0x3  }
0x36: {  	p1 =	seq.s32 s10, $0x1;
	s10 =	sld [smem:$0x3FB2];
	_ =	sdelay $0x3  }
0x37: {  	[smem:$0x3FB2] =	sst s10  }
0x38: {  	s10 =	sld [smem:$0x3FB3]  }
0x39: {  	_ = 	snop;
	(pc) =	sbr.ind lr, $3  }
0x3a: {  	_ = 	snop  }
0x3b: {  	_ = 	snop  }
0x3c: {  	p2 =	seq.s32 s10, $0x1;
	s10 =	sld [smem:$0x3FB2]  }
0x3d: {  	_ =	shalt  }
0x3e: {  	_ =	shalt  }
0x3f: {  	_ =	shalt  }
0x40: {  	_ =	shalt  }
0x41: {  	_ =	shalt  }
0x42: {  	_ =	shalt  }
0x43: {  	_ =	shalt  }
0x44: {  	_ =	shalt  }
0x45: {  	_ =	shalt  }
0x46: {  	_ =	shalt  }
0x47: {  	_ =	shalt  }
0x48: {  	_ =	shalt  }
0x49: {  	_ =	shalt  }
0x4a: {  	_ =	shalt  }
0x4b: {  	_ =	shalt  }
0x4c: {  	_ =	shalt  }
0x4d: {  	_ =	shalt  }
0x4e: {  	_ =	shalt  }
0x4f: {  	_ =	shalt  }
0x50: {  	_ =	shalt  }
0x51: {  	_ =	shalt  }
0x52: {  	_ =	shalt  }
0x53: {  	_ =	shalt  }
0x54: {  	_ =	shalt  }
0x55: {  	_ =	shalt  }
0x56: {  	_ =	shalt  }
0x57: {  	_ =	shalt  }
0x58: {  	_ =	shalt  }
0x59: {  	_ =	shalt  }
0x5a: {  	_ =	shalt  }
0x5b: {  	_ =	shalt  }
0x5c: {  	_ =	shalt  }
0x5d: {  	_ =	shalt  }
0x5e: {  	_ =	shalt  }
0x5f: {  	_ =	shalt  }
0x60: {  	_ =	shalt  }
0x61: {  	_ =	shalt  }
0x62: {  	_ =	shalt  }
0x63: {  	_ =	shalt  }
0x64: {  	_ =	shalt  }
0x65: {  	_ =	shalt  }
0x66: {  	_ =	shalt  }
0x67: {  	_ =	shalt  }
0x68: {  	_ =	shalt  }
0x69: {  	_ =	shalt  }
0x6a: {  	_ =	shalt  }
0x6b: {  	_ =	shalt  }
0x6c: {  	_ =	shalt  }
0x6d: {  	_ =	shalt  }
0x6e: {  	_ =	shalt  }
0x6f: {  	_ =	shalt  }
0x70: {  	_ =	shalt  }
0x71: {  	_ =	shalt  }
0x72: {  	_ =	shalt  }
0x73: {  	_ =	shalt  }
0x74: {  	_ =	shalt  }
0x75: {  	_ =	shalt  }
0x76: {  	_ =	shalt  }
0x77: {  	_ =	shalt  }
0x78: {  	_ =	shalt  }
0x79: {  	_ =	shalt  }
0x7a: {  	_ =	shalt  }
0x7b: {  	_ =	shalt  }
0x7c: {  	_ =	shalt  }
0x7d: {  	_ =	shalt  }
0x7e: {  	_ =	shalt  }
0x7f: {  	_ =	shalt  }
0x80: {  	_ =	shalt  }
0x81: {  	_ =	shalt  }
0x82: {  	_ =	shalt  }
0x83: {  	_ =	shalt  }
0x84: {  	_ =	shalt  }
0x85: {  	_ =	shalt  }
0x86: {  	_ =	shalt  }
0x87: {  	_ =	shalt  }
.Lfunc_end0:
.L_simem_size_0:
called_computation_lowered:
.L_overlay_start_0:
0x88: {  	s2 =	sld [smem:$0x3FD9]  }
0x89: {  	s3 =	sld [smem:$0x3FFE];
	_ =	sdelay $0x1  }
0x8a: {  	s1 =	srdreg.scid  }
0x8b: {  	s0 =	sand.u32 $0x1, s1  }
0x8c: {  	s14 =	sshll.u32 s0, $0xA;
	s2 =	sadd.s32 s3, s2  }
0x8d: {  	s2 =	sadd.s32 s2, s14  }
0x8e: {  	[smem:$0x3FBE] =	sst s2  }
0x8f: {  	_ = 	snop  }
0x90: {  	s2 =	sld [smem:$0x3FD0];
	_ =	sdelay $0x2  }
0x91: {  	s15 =	simm.s32 $0xA;
	s4 =	simm.s32 $0x10  }
0x92: {  	[smem:s4], [sflag:s15] =	dma.local [hbm:s2], $0x1  }
0x93: {  	_ =	swait.eq [sflag:s15], $0x1  }
0x94: {  	[sflag:s15] =	ssyncset.done $0x0  }
0x95: {  	[sflag:s15] =	ssyncadd.s32 $0xFFFFFFFF  }
0x96: {  	s16 =	sld [smem:$0x10];
	(tm) =	ssettm $0x1  }
0x97: {  	s17 =	sld [smem:$0x3FFB];
	_ =	sdelay $0x3  }
0x98: {  	_ =	strace s17  }
0x99: {  	s3 =	sld [smem:$0x3FFC];
	_ =	sdelay $0x3  }
0x9a: {  	_ =	strace s3  }
0x9b: {  	s3 =	sld [smem:$0x3FFD];
	_ =	sdelay $0x3  }
0x9c: {  	_ =	strace s3  }
0x9d: {  	_ =	strace $0x8FFFFFFF  }
0x9e: {  	s18 =	sld [smem:$0x3FDB];
	_ =	sdelay $0x1  }
0x9f: {  	s19 =	simm.s32 $_scs_section_size  }
0xa0: {  	s5 =	simm.s32 $_size__tile_overlayer_lowered;
	s6 =	simm.s32 $_tile_overlayer_lowered  }
0xa1: {  	s22 =	simm.s32 $0x1BFF;
	s21 =	sshll.u32 s6, $0x1;
	s3 =	sadd.s32 s19, s18  }
0xa2: {  	s7 =	simm.s32 $0x0;
	s20 =	sshll.u32 s5, $0x1;
	s5 =	sadd.s32 s21, s3  }
0xa3: {  	[timem:s7], [sflag:s22] =	dma.local [hbm:s5], s20  }
0xa4: {  	_ =	swait.ge [sflag:s22], s20  }
0xa5: {  	s4 =	ssub.s32 $0x0, s20;
	[sflag:s22] =	ssyncset.done $0x0  }
0xa6: {  	[sflag:s22] =	ssyncadd.s32 s4;
	_ =	sdelay $0x1  }
0xa7: {  	s23 =	simm.s32 $0x1B8B  }
0xa8: {  	_ =	swait.ge [sflag:s23], $0x1  }
0xa9: {  	[sflag:s23] =	ssyncset.done $0x0  }
0xaa: {  	s25 =	simm.s32 $0x1B8E;
	s24 =	sld [smem:$0x3FFE];
	[sflag:s23] =	ssyncadd.s32 $0xFFFFFFFF  }
0xab: {  	s26 =	simm.s32 $execute0_lowered;
	[smem:$0x3FD2] =	sst s25  }
0xac: {  	s5 =	sshll.u32 s26, $0x1;
	_ =	strace $0x80000046;
	[dreg:$0x1] =	wrdreg $0xFFFFFFFF  }
0xad: {  	s28 =	simm.s32 $_size_execute0_lowered;
	s3 =	sadd.s32 s3, s5;
	[dreg:$0x0] =	wrdreg $0x0  }
0xae: {  	s5 =	sshll.u32 s28, $0x1;
	[dreg:$0x2] =	wrdreg s3  }
0xaf: {  	[dreg:$0x3] =	wrdreg s5  }
0xb0: {  	[dreg:$0x4] =	wrdreg $0xC0  }
0xb1: {  	_ =	task [dreg:s7], $0x5FFFF  }
0xb2: {  	[dreg:$0x1] =	wrdreg $0xFFFFFFFF  }
0xb3: {  	[dreg:$0x0] =	wrdreg $0x60  }
0xb4: {  	[dreg:$0x2] =	wrdreg s16  }
0xb5: {  	[dreg:$0x3] =	wrdreg s24  }
0xb6: {  	[dreg:$0x4] =	wrdreg $0x2B000  }
0xb7: {  	[dreg:$0x5] =	wrdreg $0x9  }
0xb8: {  	_ =	task.clear_ibuf [dreg:s7], $0x6FFFF;
	_ =	strace $0x90000046  }
0xb9: {  	s29 =	simm.s32 $0x9;
	_ =	strace $0x80000048  }
0xba: {  	_ =	swait.ge [sflag:s29], $0x1  }
0xbb: {  	[sflag:s29] =	ssyncadd.s32 $0xFFFFFFFF  }
0xbc: {  	_ =	strace $0x90000048  }
0xbd: {  	_ =	sfence  }
0xbe: {  	s30 =	sld [smem:$0x0];
	_ =	sdelay $0x2  }
0xbf: {  	s31 =	sshll.u32 s1, $0xD;
	s1 =	sshrl.u32 s1, $0x2  }
0xc0: {  	s3 =	sand.u32 $0x4000, s31;
	s1 =	sadd.s32 s1, s30  }
0xc1: {  	s0 =	sor.u32 s3, s0;
	s1 =	sshll.u32 s1, $0x11  }
0xc2: {  	s0 =	sor.u32 s1, s0  }
0xc3: {  	s0 =	sadd.s32 $0x8F2B, s0  }
0xc4: {  	[sflag:s0] =	ssyncadd.remote.s32 $0x1  }
0xc5: {  	_ =	sfence.sel $0xFFFF  }
0xc6: {  	[dreg:$0x0] =	wrdreg $0xFFFFFFFF;
	(pc) =	sbr.abs _section_cstart, $3  }
0xc7: {  	[dreg:$0x1] =	wrdreg $0xFFFFFFFF  }
0xc8: {  	_ =	task.clear_ibuf [dreg:s7], $0x2FFFF;
	_ =	strace $0x9FFFFFFF  }
0xc9: {  	(tm) =	ssettm $0x7FFFFFFF  }
tec
execute0_lowered:
.L_overlay_start_1:
0x0: {  	(tag) =	ssettag $0x1  }
0x1: {  	s5 =	rddreg [dreg:$0x0]  }
0x2: {  	s4 =	rddreg [dreg:$0x1]  }
0x3: {  	s2 =	rddreg [dreg:$0x2]  }
0x4: {  	s0 =	rddreg [dreg:$0x3]  }
0x5: {  	s6 =	srdreg.scid;
	s1 =	stileid.u32;
	s3 =	simm.s32 $0x0  }
0x6: {  	s14 =	simm.f32 $1.000000000e+00;
	s15 =	simm.s32 $0x10;
	s16 =	simm.s32 $0x0  }
0x7: {  	s6 =	sand.u32 $0x1, s6;
	s7 =	smul.u32 $0x500, s1;
	[smem:$0x7FF] =	sst s3  }
0x8: {  	s11 =	smul.u32 $0xA00, s1;
	s12 =	sshll.u32 s1, $0x6;
	s8 =	sshll.u32 s6, $0x7  }
0x9: {  	_ =	strace $0x80000047;
	s30 =	ssub.s32 $0x2, s6;
	s9 =	sshll.u32 s6, $0x4  }
0xa: {  	p0 =	seq.s32 s6, $0x0;
	s12 =	sor.u32 $0x1C01, s12;
	s7 =	sor.u32 s8, s7  }
0xb: {  	s10 =	sshrl.u32 s30, $0x1;
	s9 =	sor.u32 s1, s9;
	s31 =	sshrl.u32 s11, $0x2  }
0xc: {  	s14 =	simm.s32 @!p0 $0x0;
	s11 =	simm.s32 $0x2800;
	s7 =	sshrl.u32 s7, $0x3  }
0xd: {  	s8 =	ssub.s32 s30, s10;
	s9 =	smul.u32 $0x500, s9;
	s10 =	simm.s32 $0x80  }
0xe: {  	v0 =	vmov s14;
	s14 =	simm.s32 $0x20;
	s7 =	sadd.s32 s7, s4;
	s4 =	sadd.s32 s31, s2  }
0xf: {  	s5 =	sadd.s32 s5, s9;
	s6 =	sadd.s32 $0x3400, s7;
	s7 =	smax.u32 s8, $0x1  }
0x10: {  	v1 =	vimm.f32 $1.000000000e+00;
	s8 =	simm.s32 $0x2880;
	s9 =	simm.s32 $0x1;
	s13 =	sshrl.u32 s4, $0x3  }
.LBB2_1:
0x11: {  	[tilespmem:$0x2800] =	vst v1  }
0x12: {  	[tilespmem:$0x2810] =	vst v1  }
0x13: {  	[tilespmem:$0x2820] =	vst v1  }
0x14: {  	[tilespmem:$0x2830] =	vst v1  }
0x15: {  	[tilespmem:$0x2840] =	vst v1  }
0x16: {  	[tilespmem:$0x2850] =	vst v1  }
0x17: {  	[tilespmem:$0x2860] =	vst v1  }
0x18: {  	[tilespmem:$0x2870] =	vst v1  }
0x19: {  	[tilespmem:$0x2880] =	vst v0  }
0x1a: {  	[tilespmem:$0x2890] =	vst v0  }
0x1b: {  	[tilespmem:$0x28A0] =	vst v0  }
0x1c: {  	[tilespmem:$0x28B0] =	vst v0  }
0x1d: {  	[tilespmem:$0x28C0] =	vst v0  }
0x1e: {  	[tilespmem:$0x28D0] =	vst v0  }
0x1f: {  	[tilespmem:$0x28E0] =	vst v0  }
0x20: {  	[tilespmem:$0x28F0] =	vst v0  }
0x21: {  	[tilespmem:$0x2900] =	vst v0  }
0x22: {  	[tilespmem:$0x2910] =	vst v0  }
0x23: {  	[tilespmem:$0x2920] =	vst v0  }
0x24: {  	[tilespmem:$0x2930] =	vst v0  }
0x25: {  	[tilespmem:$0x2940] =	vst v0  }
0x26: {  	[tilespmem:$0x2950] =	vst v0  }
0x27: {  	[tilespmem:$0x2960] =	vst v0  }
0x28: {  	[tilespmem:$0x2970] =	vst v0  }
0x29: {  	[tilespmem:$0x2980] =	vst v0  }
0x2a: {  	[tilespmem:$0x2990] =	vst v0  }
0x2b: {  	[tilespmem:$0x29A0] =	vst v0  }
0x2c: {  	[tilespmem:$0x29B0] =	vst v0  }
0x2d: {  	[tilespmem:$0x29C0] =	vst v0  }
0x2e: {  	[tilespmem:$0x29D0] =	vst v0  }
0x2f: {  	[tilespmem:$0x29E0] =	vst v0  }
0x30: {  	[tilespmem:$0x29F0] =	vst v0  }
0x31: {  	[tilespmem:$0x2A00] =	vst v0  }
0x32: {  	[tilespmem:$0x2A10] =	vst v0  }
0x33: {  	[tilespmem:$0x2A20] =	vst v0  }
0x34: {  	[tilespmem:$0x2A30] =	vst v0  }
0x35: {  	[tilespmem:$0x2A40] =	vst v0  }
0x36: {  	[tilespmem:$0x2A50] =	vst v0  }
0x37: {  	[tilespmem:$0x2A60] =	vst v0  }
0x38: {  	[tilespmem:$0x2A70] =	vst v0  }
0x39: {  	[tilespmem:$0x2A80] =	vst v0  }
0x3a: {  	[tilespmem:$0x2A90] =	vst v0  }
0x3b: {  	[tilespmem:$0x2AA0] =	vst v0  }
0x3c: {  	[tilespmem:$0x2AB0] =	vst v0  }
0x3d: {  	[tilespmem:$0x2AC0] =	vst v0  }
0x3e: {  	[tilespmem:$0x2AD0] =	vst v0  }
0x3f: {  	[tilespmem:$0x2AE0] =	vst v0  }
0x40: {  	[tilespmem:$0x2AF0] =	vst v0  }
0x41: {  	[spmem:s4] =	stream.linear.scatter [tilespmem:s8], [sflag:$0x1], $0x280, $0x38;
	[tilespmem:$0x2D80] =	vst v63  }
0x42: {  	_ =	swait.ge [sflag:s9], $0x280  }
0x43: {  	[sflag:s9] =	ssyncset.done $0x0  }
0x44: {  	[sflag:s9] =	ssyncadd.s32 $0xFFFFFD80  }
0x45: {  	[tilespmem:s3], [sflag:$0x1] =	stream.linear.gather [hbm4b:s5+s3], $0x2800, $0x38;
	[tilespmem:$0x2D80] =	vst v63  }
0x46: {  	_ =	swait.ge [sflag:s9], $0x2800  }
0x47: {  	[sflag:s9] =	ssyncset.done $0x0  }
0x48: {  	[sflag:s9] =	ssyncadd.s32 $0xFFFFD800  }
0x49: {  	s17 =	simm.s32 $0x0;
	[bflag:$0x0] =	sbarrier.arrive $0xFFFF  }
0x4a: {  	[spmem:s2] =	stream.indirect.scatter.add.f32 [tilespmem:s11], [sflag:$0x1], $0x1, s17, s10, $0xb8;
	[tilespmem:$0x2D80] =	vst v63  }
0x4b: {  	_ =	swait.ge [sflag:s9], $0x80  }
0x4c: {  	s17 =	simm.s32 $0x200;
	[sflag:s9] =	ssyncset.done $0x0  }
.LBB2_2:
0x4d: {  	s18 =	sshra.s32 s17, $0x2;
	[sflag:s9] =	ssyncadd.s32 $0xFFFFFF80;
	p0 =	sne.s32 s17, $0x9E00  }
0x4e: {  	[spmem:s2] =	stream.indirect.scatter.add.f32 [tilespmem:s11], [sflag:$0x1], $0x1, s18, s10, $0xb8;
	[tilespmem:$0x2D80] =	vst v63  }
.Ltmp0:
0x4f: {  	_ = 	snop;
	(pc) =	sbr.rel @p0 .LBB2_2-.Ltmp0, $4  }
0x50: {  	_ = 	snop  }
0x51: {  	s17 =	sadd.s32 $0x200, s17  }
0x52: {  	_ =	swait.ge [sflag:s9], $0x80  }
0x53: {  	[sflag:s9] =	ssyncset.done $0x0  }
0x54: {  	s16 =	sadd.s32 $0x1, s16  }
0x55: {  	[sflag:s9] =	ssyncadd.s32 $0xFFFFFF80;
	p0 =	sne.s32 s16, s7  }
.Ltmp1:
0x56: {  	[bflag:$0x0] =	sbarrier.arrive $0xFFFF;
	(pc) =	sbr.rel @p0 .LBB2_1-.Ltmp1, $4  }
0x57: {  	[hbm:s6@s14], [sflag:s12] =	dma.strided [spmem:s13@s15], $0x50, s9, $0x10   }
0x58: {  	_ =	swait.ge [sflag:s9], $0x50  }
0x59: {  	[sflag:s9] =	ssyncset.done $0x0  }
0x5a: {  	[sflag:s9] =	ssyncadd.s32 $0xFFFFFFB0  }
0x5b: {  	_ =	sfence.sel $0x180000  }
0x5c: {  	[bflag:$0x0] =	sbarrier.arrive $0xFFFF  }
0x5d: {  	p0 =	sne.s32 s1, $0x0;
	_ =	strace $0x90000047  }
0x5e: {  	s0 =	sadd.s32 @!p0 $0x100000, s0;
	[bflag:$0x2] =	sbarrier.arrive $0xFFFF  }
0x5f: {  	[sflag:s0] =	ssyncadd.tile.s32 @!p0 $0x1;
	_ =	shalt  }
.Lfunc_end2:
_tile_overlayer_lowered:
.L_overlay_start_2:
0x60: {  	(tag) =	ssettag $0x2  }
0x61: {  	s0 =	rddreg [dreg:$0x0];
	s2 =	stileid.u32  }
0x62: {  	s1 =	rddreg [dreg:$0x1];
	p0 =	sne.s32 s2, $0x0  }
0x63: {  	s3 =	rddreg [dreg:$0x2];
	[bflag:$0x3] =	sbarrier.arrive $0xFFFF;
	s2 =	simm.s32 @!p0 $0x1C01  }
0x64: {  	[timem:s3], [sflag:s2] =	dma.local @!p0 [hbm:s0], s1  }
0x65: {  	s0 =	simm.s32 @!p0 $0x1  }
0x66: {  	_ =	swait.ge @!p0 [sflag:s0], s1  }
0x67: {  	s1 =	ssub.s32 @!p0 $0x0, s1;
	[sflag:s0] =	ssyncset.done @!p0 $0x0  }
0x68: {  	[sflag:s0] =	ssyncadd.s32 @!p0 s1  }
0x69: {  	[bflag:$0x3] =	sbarrier.arrive $0xFFFF  }
0x6a: {  	_ =	shalt  }

// kernel: kernel.13.cloned.1.call-start
scs
__scs_entry_jumppad:
0x0: {  	(pc) =	sbr.rel $0x88, $3  }
0x1: {  	(tag) =	ssettag $0x0;
	lr =	simm.s32 $0x1  }
0x2: {  	[smem:$0x3F97] =	sst lr;
	_ =	strace $0xD0000000  }
0x3: {  	_ = 	snop  }
0x4: {  	_ = 	snop  }
0x5: {  	_ = 	snop  }
0x6: {  	_ = 	snop  }
0x7: {  	_ = 	snop  }
__scs_overlays_trampoline_lowered:
0x8: {  	[smem:$0x3FA6] =	sst s0  }
0x9: {  	[smem:$0x3FA7] =	sst s1  }
0xa: {  	[smem:$0x3FA8] =	sst s2  }
0xb: {  	[smem:$0x3FA9] =	sst s3  }
0xc: {  	[smem:$0x3FAA] =	sst s4  }
0xd: {  	[smem:$0x3FAB] =	sst s5  }
0xe: {  	[smem:$0x3FAC] =	sst s6  }
0xf: {  	[smem:$0x3FAD] =	sst s7  }
0x10: {  	[smem:$0x3FAE] =	sst s8  }
0x11: {  	[smem:$0x3FAF] =	sst s9;
	s0 =	simm.s32 @!p0 $0x0  }
0x12: {  	s1 =	sld [smem:$0x3F95];
	s0 =	simm.s32 @p0 $0x1  }
0x13: {  	[smem:$0x3FB0] =	sst s0;
	s0 =	simm.s32 @!p1 $0x0  }
0x14: {  	s2 =	sld [smem:$0x3F94];
	s0 =	simm.s32 @p1 $0x1  }
0x15: {  	[smem:$0x3FB1] =	sst s0;
	s0 =	simm.s32 @!p2 $0x0  }
0x16: {  	s3 =	sld [smem:$0x3FDB];
	s0 =	simm.s32 @p2 $0x1  }
0x17: {  	s4 =	simm.s32 $0x1BF5;
	[smem:$0x3FB3] =	sst s0  }
0x18: {  	s0 =	sld [smem:$0x3F96];
	_ =	swait.ge [sflag:s4], $0x0  }
0x19: {  	s7 =	sld [smem:$0x3F97]  }
0x1a: {  	s8 =	sadd.s32 $0xFFFFE003, lr  }
0x1b: {  	s9 =	sadd.s32 $0xFFFFFEF7, lr;
	s5 =	simm.s32 $0xFFFFFFFF;
	p2 =	slt.u32 s8, $0xFFFFF086  }
0x1c: {  	p1 =	slt.u32 s9, $0xF7A;
	s5 =	simm.s32 @!p2 $0x0  }
0x1d: {  	s5 =	simm.s32 @p1 $0x1;
	p0 =	seq.s32 s7, s2  }
0x1e: {  	s7 =	smul.u32 @!p0 $0xF7A, s2;
	p2 =	seq.s32 @!p0 s5, $0x0  }
0x1f: {  	s9 =	smul.u32 $0xF7A, s1;
	s8 =	simm.s32 @!p0 $0x1BF5;
	p2 =	por !p2, p0  }
0x20: {  	[sflag:s8] =	ssyncset.s32 @!p0 $0xFFFFF086;
	s6 =	sadd.s32 @!p0 s3, s7;
	s7 =	simm.s32 @!p0 $0x108  }
0x21: {  	s3 =	sadd.s32 s3, s9;
	s6 =	sadd.s32 @!p0 $0x88, s6;
	s7 =	simm.s32 @p2 $0x1082  }
0x22: {  	[simem:s7], [sflag:s8] =	dma.local @!p0 [hbm:s6], $0xF7A  }
0x23: {  	s9 =	sor.u32 $0xD0000000, s2;
	s6 =	simm.s32 $0x108;
	_ =	swait.ge @!p0 [sflag:s8], $0x0  }
0x24: {  	s3 =	sadd.s32 $0x88, s3;
	s6 =	simm.s32 @!p1 $0x1082;
	[sflag:s4] =	ssyncset.s32 $0xFFFFF086  }
0x25: {  	[simem:s6], [sflag:s4] =	dma.local [hbm:s3], $0xF7A  }
0x26: {  	[smem:$0x3F97] =	sst s1;
	(tag) =	ssettag s2;
	_ =	strace s9  }
0x27: {  	s1 =	sld [smem:$0x3FA7]  }
0x28: {  	s2 =	sld [smem:$0x3FA8]  }
0x29: {  	s4 =	sld [smem:$0x3FAA]  }
0x2a: {  	p0 =	seq.s32 s5, $0x0;
	s5 =	sld [smem:$0x3FAB]  }
0x2b: {  	s6 =	sld [smem:$0x3FAC]  }
0x2c: {  	s7 =	sld [smem:$0x3FAD]  }
0x2d: {  	s3 =	simm.s32 $0x108;
	s8 =	sld [smem:$0x3FAE]  }
0x2e: {  	s3 =	simm.s32 @!p0 $0x1082;
	s9 =	sld [smem:$0x3FAF]  }
0x2f: {  	lr =	sadd.s32 s0, s3;
	s0 =	sld [smem:$0x3FA6]  }
0x30: {  	s3 =	sld [smem:$0x3FA9]  }
0x31: {  	[smem:$0x3FB2] =	sst s10  }
0x32: {  	s10 =	sld [smem:$0x3FB0];
	_ =	sdelay $0x3  }
0x33: {  	p0 =	seq.s32 s10, $0x1;
	s10 =	sld [smem:$0x3FB2];
	_ =	sdelay $0x3  }
0x34: {  	[smem:$0x3FB2] =	sst s10  }
0x35: {  	s10 =	sld [smem:$0x3FB1];
	_ =	sdelay $0x3  }
0x36: {  	p1 =	seq.s32 s10, $0x1;
	s10 =	sld [smem:$0x3FB2];
	_ =	sdelay $0x3  }
0x37: {  	[smem:$0x3FB2] =	sst s10  }
0x38: {  	s10 =	sld [smem:$0x3FB3]  }
0x39: {  	_ = 	snop;
	(pc) =	sbr.ind lr, $3  }
0x3a: {  	_ = 	snop  }
0x3b: {  	_ = 	snop  }
0x3c: {  	p2 =	seq.s32 s10, $0x1;
	s10 =	sld [smem:$0x3FB2]  }
0x3d: {  	_ =	shalt  }
0x3e: {  	_ =	shalt  }
0x3f: {  	_ =	shalt  }
0x40: {  	_ =	shalt  }
0x41: {  	_ =	shalt  }
0x42: {  	_ =	shalt  }
0x43: {  	_ =	shalt  }
0x44: {  	_ =	shalt  }
0x45: {  	_ =	shalt  }
0x46: {  	_ =	shalt  }
0x47: {  	_ =	shalt  }
0x48: {  	_ =	shalt  }
0x49: {  	_ =	shalt  }
0x4a: {  	_ =	shalt  }
0x4b: {  	_ =	shalt  }
0x4c: {  	_ =	shalt  }
0x4d: {  	_ =	shalt  }
0x4e: {  	_ =	shalt  }
0x4f: {  	_ =	shalt  }
0x50: {  	_ =	shalt  }
0x51: {  	_ =	shalt  }
0x52: {  	_ =	shalt  }
0x53: {  	_ =	shalt  }
0x54: {  	_ =	shalt  }
0x55: {  	_ =	shalt  }
0x56: {  	_ =	shalt  }
0x57: {  	_ =	shalt  }
0x58: {  	_ =	shalt  }
0x59: {  	_ =	shalt  }
0x5a: {  	_ =	shalt  }
0x5b: {  	_ =	shalt  }
0x5c: {  	_ =	shalt  }
0x5d: {  	_ =	shalt  }
0x5e: {  	_ =	shalt  }
0x5f: {  	_ =	shalt  }
0x60: {  	_ =	shalt  }
0x61: {  	_ =	shalt  }
0x62: {  	_ =	shalt  }
0x63: {  	_ =	shalt  }
0x64: {  	_ =	shalt  }
0x65: {  	_ =	shalt  }
0x66: {  	_ =	shalt  }
0x67: {  	_ =	shalt  }
0x68: {  	_ =	shalt  }
0x69: {  	_ =	shalt  }
0x6a: {  	_ =	shalt  }
0x6b: {  	_ =	shalt  }
0x6c: {  	_ =	shalt  }
0x6d: {  	_ =	shalt  }
0x6e: {  	_ =	shalt  }
0x6f: {  	_ =	shalt  }
0x70: {  	_ =	shalt  }
0x71: {  	_ =	shalt  }
0x72: {  	_ =	shalt  }
0x73: {  	_ =	shalt  }
0x74: {  	_ =	shalt  }
0x75: {  	_ =	shalt  }
0x76: {  	_ =	shalt  }
0x77: {  	_ =	shalt  }
0x78: {  	_ =	shalt  }
0x79: {  	_ =	shalt  }
0x7a: {  	_ =	shalt  }
0x7b: {  	_ =	shalt  }
0x7c: {  	_ =	shalt  }
0x7d: {  	_ =	shalt  }
0x7e: {  	_ =	shalt  }
0x7f: {  	_ =	shalt  }
0x80: {  	_ =	shalt  }
0x81: {  	_ =	shalt  }
0x82: {  	_ =	shalt  }
0x83: {  	_ =	shalt  }
0x84: {  	_ =	shalt  }
0x85: {  	_ =	shalt  }
0x86: {  	_ =	shalt  }
0x87: {  	_ =	shalt  }
.Lfunc_end0:
.L_simem_size_0:
called_computation.1_lowered:
.L_overlay_start_0:
0x88: {  	s2 =	sld [smem:$0x3FD9]  }
0x89: {  	s3 =	sld [smem:$0x3FFE];
	_ =	sdelay $0x1  }
0x8a: {  	s1 =	srdreg.scid  }
0x8b: {  	s0 =	sand.u32 $0x1, s1  }
0x8c: {  	s14 =	sshll.u32 s0, $0xA;
	s2 =	sadd.s32 s3, s2  }
0x8d: {  	s2 =	sadd.s32 s2, s14  }
0x8e: {  	[smem:$0x3FBE] =	sst s2  }
0x8f: {  	_ = 	snop  }
0x90: {  	s2 =	sld [smem:$0x3FD0];
	_ =	sdelay $0x2  }
0x91: {  	s15 =	simm.s32 $0xA;
	s4 =	simm.s32 $0x10  }
0x92: {  	[smem:s4], [sflag:s15] =	dma.local [hbm:s2], $0x1  }
0x93: {  	_ =	swait.eq [sflag:s15], $0x1  }
0x94: {  	[sflag:s15] =	ssyncset.done $0x0  }
0x95: {  	[sflag:s15] =	ssyncadd.s32 $0xFFFFFFFF  }
0x96: {  	s16 =	sld [smem:$0x11];
	(tm) =	ssettm $0x1  }
0x97: {  	s17 =	sld [smem:$0x3FFB];
	_ =	sdelay $0x3  }
0x98: {  	_ =	strace s17  }
0x99: {  	s3 =	sld [smem:$0x3FFC];
	_ =	sdelay $0x3  }
0x9a: {  	_ =	strace s3  }
0x9b: {  	s3 =	sld [smem:$0x3FFD];
	_ =	sdelay $0x3  }
0x9c: {  	_ =	strace s3  }
0x9d: {  	_ =	strace $0x8FFFFFFF  }
0x9e: {  	s18 =	sld [smem:$0x3FDB];
	_ =	sdelay $0x1  }
0x9f: {  	s19 =	simm.s32 $_scs_section_size  }
0xa0: {  	s5 =	simm.s32 $_size__tile_overlayer_lowered;
	s6 =	simm.s32 $_tile_overlayer_lowered  }
0xa1: {  	s22 =	simm.s32 $0x1BFF;
	s21 =	sshll.u32 s6, $0x1;
	s3 =	sadd.s32 s19, s18  }
0xa2: {  	s7 =	simm.s32 $0x0;
	s20 =	sshll.u32 s5, $0x1;
	s5 =	sadd.s32 s21, s3  }
0xa3: {  	[timem:s7], [sflag:s22] =	dma.local [hbm:s5], s20  }
0xa4: {  	_ =	swait.ge [sflag:s22], s20  }
0xa5: {  	s4 =	ssub.s32 $0x0, s20;
	[sflag:s22] =	ssyncset.done $0x0  }
0xa6: {  	[sflag:s22] =	ssyncadd.s32 s4;
	_ =	sdelay $0x1  }
0xa7: {  	s23 =	simm.s32 $0x1B8B  }
0xa8: {  	_ =	swait.ge [sflag:s23], $0x1  }
0xa9: {  	[sflag:s23] =	ssyncset.done $0x0  }
0xaa: {  	s25 =	simm.s32 $0x1B8E;
	s24 =	sld [smem:$0x3FFE];
	[sflag:s23] =	ssyncadd.s32 $0xFFFFFFFF  }
0xab: {  	s26 =	simm.s32 $execute0_lowered;
	[smem:$0x3FD2] =	sst s25  }
0xac: {  	s5 =	sshll.u32 s26, $0x1;
	_ =	strace $0x80000049;
	[dreg:$0x1] =	wrdreg $0xFFFFFFFF  }
0xad: {  	s28 =	simm.s32 $_size_execute0_lowered;
	s3 =	sadd.s32 s3, s5;
	[dreg:$0x0] =	wrdreg $0x0  }
0xae: {  	s5 =	sshll.u32 s28, $0x1;
	[dreg:$0x2] =	wrdreg s3  }
0xaf: {  	[dreg:$0x3] =	wrdreg s5  }
0xb0: {  	[dreg:$0x4] =	wrdreg $0xC0  }
0xb1: {  	_ =	task [dreg:s7], $0x5FFFF  }
0xb2: {  	[dreg:$0x1] =	wrdreg $0xFFFFFFFF  }
0xb3: {  	[dreg:$0x0] =	wrdreg $0x60  }
0xb4: {  	[dreg:$0x2] =	wrdreg s24  }
0xb5: {  	[dreg:$0x3] =	wrdreg s16  }
0xb6: {  	[dreg:$0x4] =	wrdreg $0xA0000  }
0xb7: {  	[dreg:$0x5] =	wrdreg $0x9  }
0xb8: {  	_ =	task.clear_ibuf [dreg:s7], $0x6FFFF;
	_ =	strace $0x90000049  }
0xb9: {  	s29 =	simm.s32 $0x9;
	_ =	strace $0x8000004B  }
0xba: {  	_ =	swait.ge [sflag:s29], $0x1  }
0xbb: {  	[sflag:s29] =	ssyncadd.s32 $0xFFFFFFFF  }
0xbc: {  	_ =	strace $0x9000004B  }
0xbd: {  	_ =	sfence  }
0xbe: {  	s30 =	sld [smem:$0x0];
	_ =	sdelay $0x2  }
0xbf: {  	s31 =	sshll.u32 s1, $0xD;
	s1 =	sshrl.u32 s1, $0x2  }
0xc0: {  	s3 =	sand.u32 $0x4000, s31;
	s1 =	sadd.s32 s1, s30  }
0xc1: {  	s0 =	sor.u32 s3, s0;
	s1 =	sshll.u32 s1, $0x11  }
0xc2: {  	s0 =	sor.u32 s1, s0  }
0xc3: {  	s0 =	sadd.s32 $0x8F2B, s0  }
0xc4: {  	[sflag:s0] =	ssyncadd.remote.s32 $0x1  }
0xc5: {  	_ =	sfence.sel $0xFFFF  }
0xc6: {  	[dreg:$0x0] =	wrdreg $0xFFFFFFFF;
	(pc) =	sbr.abs _section_cstart, $3  }
0xc7: {  	[dreg:$0x1] =	wrdreg $0xFFFFFFFF  }
0xc8: {  	_ =	task.clear_ibuf [dreg:s7], $0x2FFFF;
	_ =	strace $0x9FFFFFFF  }
0xc9: {  	(tm) =	ssettm $0x7FFFFFFF  }
tec
execute0_lowered:
.L_overlay_start_1:
0x0: {  	(tag) =	ssettag $0x1  }
0x1: {  	s5 =	rddreg [dreg:$0x0]  }
0x2: {  	s6 =	rddreg [dreg:$0x1];
	s0 =	srdreg.scid  }
0x3: {  	s2 =	rddreg [dreg:$0x2];
	s26 =	stileid.u32  }
0x4: {  	s3 =	simm.s32 $0x0;
	s14 =	simm.s32 $0x2;
	s15 =	simm.s32 $0xF80  }
0x5: {  	s16 =	simm.s32 $0x6000;
	s17 =	simm.s32 $0x0;
	s9 =	smul.u32 $0x14000, s26  }
0x6: {  	s7 =	sand.u32 $0x1, s0;
	[smem:$0x7FF] =	sst s3;
	s12 =	smul.u32 $0x50000, s26  }
0x7: {  	s4 =	sadd.s32 $0x3400, s5;
	s30 =	smul.u32 $0x2800, s26;
	s31 =	sshll.u32 s26, $0x6  }
0x8: {  	s8 =	smul.u32 $0x140000, s7;
	_ =	strace $0x8000004A;
	s10 =	sshll.u32 s7, $0x4  }
0x9: {  	s11 =	ssub.s32 $0x2, s7;
	p0 =	seq.s32 s7, $0x1;
	s10 =	sor.u32 s26, s10  }
0xa: {  	s28 =	sshrl.u32 s11, $0x1;
	s29 =	sshrl.u32 s12, $0x2;
	s8 =	sadd.s32 s9, s8  }
0xb: {  	s9 =	sadd.s32 $0x2B400, s5;
	s13 =	smul.u32 $0x5, s10;
	s11 =	ssub.s32 s11, s28  }
0xc: {  	s10 =	smul.u32 $0xA00, s10;
	s12 =	sadd.s32 s29, s2;
	s8 =	sshrl.u32 s8, $0x3  }
0xd: {  	s7 =	smax.u32 s11, $0x1;
	s11 =	simm.s32 $0x4;
	s8 =	sadd.s32 s8, s5  }
0xe: {  	[dreg:$0x4] =	wrdreg s13;
	s5 =	sadd.s32 s6, s10;
	s6 =	sadd.s32 $0x200, s6  }
0xf: {  	s10 =	smov.u32 s4;
	s13 =	simm.s32 $0x80;
	[dreg:$0x5] =	wrdreg s6  }
0x10: {  	s6 =	sadd.s32 $0x53400, s8;
	s10 =	smov.u32 @p0 s9;
	s9 =	sor.u32 $0x1C04, s31  }
0x11: {  	s8 =	sadd.s32 s10, s30;
	s10 =	sshrl.u32 s12, $0x3;
	s12 =	simm.s32 $0x2000  }
.LBB2_1:
0x12: {  	[spmem:s10], [sflag:s9] =	dma.local [hbm:s8], $0x2800  }
0x13: {  	_ =	swait.ge [sflag:s11], $0x2800  }
0x14: {  	[sflag:s11] =	ssyncset.done $0x0  }
0x15: {  	s18 =	sand.u32 $0x1, s3;
	s20 =	sand.u32 $0x4F, s3;
	[sflag:s11] =	ssyncadd.s32 $0xFFFFD800  }
0x16: {  	[tilespmem:s3], [sflag:$0x4] =	stream.linear.gather [hbm4b:s5+s3], $0x1000, $0x38;
	[tilespmem:$0x1E000] =	vst v63  }
0x17: {  	s21 =	simm.s32 $0x100;
	s24 =	sand.u32 $0x780, s13;
	_ =	swait.ge [sflag:s11], $0x1000  }
0x18: {  	s25 =	simm.s32 $0x0;
	s26 =	sand.u32 $0x1E00, s3;
	[sflag:s11] =	ssyncset.done $0x0  }
0x19: {  	s19 =	sadd.s32 $0x1, s18;
	p0 =	seq.s32 s20, $0xF;
	[sflag:s11] =	ssyncadd.s32 $0xFFFFF000  }
0x1a: {  	s22 =	sshll.u32 s18, $0xE;
	s18 =	sxor.u32 $0x1, s18;
	[bflag:$0x0] =	sbarrier.arrive $0xFFFF  }
0x1b: {  	[tilespmem:s12], [sflag:$0x1] =	stream.indirect.gather [hbm4b:s4+s13], $0x80, s3, s13, $0xb8;
	[tilespmem:$0x1E000] =	vst v63  }
0x1c: {  	s21 =	sand.u32 $0x1000, s21;
	s26 =	sshrl.u32 s26, $0x2;
	_ =	swait.ge [sflag:s19], $0x4000  }
0x1d: {  	s23 =	sshll.u32 s18, $0xE;
	p1 =	sne.s32 @!p0 s20, $0x0;
	[sflag:s19] =	ssyncset.done $0x0  }
0x1e: {  	s21 =	sor.u32 s24, s21;
	[sflag:s19] =	ssyncadd.s32 $0xFFFFC000;
	s19 =	simm.s32 @p0 $0x3  }
0x1f: {  	s24 =	sand.u32 $0x1, s25;
	p1 =	por p1, p0;
	_ =	swait.ge @p0 [sflag:s19], $0x1000  }
0x20: {  	s18 =	sadd.s32 $0x1, s18;
	s25 =	simm.s32 @!p1 $0x0;
	s20 =	rddreg [dreg:$0x4]  }
0x21: {  	s29 =	sshll.u32 @!p1 s24, $0xC;
	s24 =	sshll.u32 s24, $0xC;
	s20 =	sadd.s32 @!p1 $0x0, s20  }
0x22: {  	s28 =	rddreg [dreg:$0x5];
	[sflag:s19] =	ssyncset.done @p0 $0x0;
	s20 =	sshll.u32 @!p1 s20, $0x9  }
0x23: {  	[sflag:s19] =	ssyncadd.s32 @p0 $0xFFFFF000;
	s19 =	sxor.u32 @!p1 $0x1000, s29;
	s20 =	sadd.s32 @!p1 s20, s28  }
0x24: {  	[tilespmem:s19], [sflag:$0x3] =	stream.linear.gather @!p1 [hbm4b:s20+s25], $0x1000, $0x38;
	[tilespmem:$0x1E000] =	vst v63  }
0x25: {  	s30 =	sor.u32 $0x2000, s22;
	s29 =	sor.u32 s26, s24;
	s28 =	sor.u32 $0x2000, s23  }
0x26: {  	[tilespmem:s28], [sflag:s18] =	stream.indirect.gather [hbm4b:s4+s13], $0x80, s21, s13, $0xb8;
	[tilespmem:$0x1E000] =	vst v63  }
0x27: {  	s31 =	sor.u32 $0x800, s29;
	s19 =	simm.s32 $0x100;
	s20 =	simm.s32 $0x200  }
0x28: {  	[spmem:s2] =	stream.indirect.scatter.add.f32 [tilespmem:s30], [sflag:$0x4], $0x80, s31, s13, $0xb8;
	[tilespmem:$0x1E000] =	vst v63  }
0x29: {  	s18 =	simm.s32 $0x200;
	s21 =	simm.s32 $0x0;
	_ =	swait.ge [sflag:s11], $0x4000  }
.LBB2_2:
0x2a: {  	s21 =	sadd.s32 $0x1, s21;
	[sflag:s11] =	ssyncset.done $0x0;
	s22 =	smov.u32 s18  }
0x2b: {  	s18 =	sadd.s32 $0x100, s18;
	s29 =	sand.u32 $0x780, s19;
	s31 =	sand.u32 $0x1E00, s20  }
0x2c: {  	s23 =	sand.u32 $0x1, s21;
	p0 =	sne.s32 s18, $0x5000;
	[sflag:s11] =	ssyncadd.s32 $0xFFFFC000  }
0x2d: {  	s26 =	sand.u32 $0x4F, s21;
	s30 =	sshrl.u32 s21, $0x4;
	s22 =	sand.u32 $0x1000, s22  }
0x2e: {  	s31 =	sshrl.u32 s31, $0x2;
	s24 =	sshll.u32 s23, $0xE;
	s25 =	sadd.s32 $0x1, s23  }
0x2f: {  	s23 =	sxor.u32 $0x1, s23;
	p1 =	seq.s32 s26, $0xF;
	_ =	swait.ge [sflag:s25], $0x4000  }
0x30: {  	s22 =	sor.u32 s29, s22;
	s29 =	sand.u32 $0x1, s30;
	[sflag:s25] =	ssyncset.done $0x0  }
0x31: {  	p2 =	sne.s32 @!p1 s26, $0x0;
	[sflag:s25] =	ssyncadd.s32 $0xFFFFC000;
	s25 =	simm.s32 @p1 $0x3  }
0x32: {  	s28 =	sshll.u32 s23, $0xE;
	p2 =	por p2, p1;
	_ =	swait.ge @p1 [sflag:s25], $0x1000  }
0x33: {  	s1 =	sshll.u32 @!p2 s29, $0xC;
	s29 =	sshll.u32 s29, $0xC;
	s26 =	rddreg [dreg:$0x4]  }
0x34: {  	s1 =	sxor.u32 @!p2 $0x1000, s1;
	s29 =	sor.u32 s31, s29;
	s26 =	sadd.s32 @!p2 s26, s30  }
0x35: {  	s0 =	rddreg [dreg:$0x5];
	[sflag:s25] =	ssyncset.done @p1 $0x0;
	s26 =	sshll.u32 @!p2 s26, $0x9  }
0x36: {  	s30 =	simm.s32 @!p2 $0x0;
	[sflag:s25] =	ssyncadd.s32 @p1 $0xFFFFF000;
	s0 =	sadd.s32 @!p2 s26, s0  }
0x37: {  	[tilespmem:s1], [sflag:$0x3] =	stream.linear.gather @!p2 [hbm4b:s0+s30], $0x1000, $0x38;
	[tilespmem:$0x1E000] =	vst v63  }
.Ltmp0:
0x38: {  	s1 =	sor.u32 $0x2000, s28;
	s28 =	sadd.s32 $0x1, s23;
	(pc) =	sbr.rel @p0 .LBB2_2-.Ltmp0, $4  }
0x39: {  	[tilespmem:s1], [sflag:s28] =	stream.indirect.gather [hbm4b:s4+s13], $0x80, s22, s13, $0xb8;
	[tilespmem:$0x1E000] =	vst v63  }
0x3a: {  	s31 =	sor.u32 $0x800, s29;
	s30 =	sor.u32 $0x2000, s24  }
0x3b: {  	[spmem:s2] =	stream.indirect.scatter.add.f32 [tilespmem:s30], [sflag:$0x4], $0x80, s31, s13, $0xb8;
	[tilespmem:$0x1E000] =	vst v63  }
0x3c: {  	s19 =	sadd.s32 $0x80, s19;
	s20 =	sadd.s32 $0x200, s20;
	_ =	swait.ge [sflag:s11], $0x4000  }
0x3d: {  	[sflag:s11] =	ssyncset.done $0x0  }
0x3e: {  	[sflag:s11] =	ssyncadd.s32 $0xFFFFC000  }
0x3f: {  	_ =	swait.ge [sflag:s14], $0x4000  }
0x40: {  	[sflag:s14] =	ssyncset.done $0x0  }
0x41: {  	[sflag:s14] =	ssyncadd.s32 $0xFFFFC000  }
0x42: {  	[spmem:s2] =	stream.indirect.scatter.add.f32 [tilespmem:s16], [sflag:$0x4], $0x80, s15, s13, $0xb8;
	[tilespmem:$0x1E000] =	vst v63  }
0x43: {  	_ =	swait.ge [sflag:s11], $0x4000  }
0x44: {  	s17 =	sadd.s32 $0x1, s17;
	[sflag:s11] =	ssyncset.done $0x0  }
0x45: {  	p0 =	sne.s32 s17, s7;
	[sflag:s11] =	ssyncadd.s32 $0xFFFFC000  }
.Ltmp1:
0x46: {  	[bflag:$0x0] =	sbarrier.arrive $0xFFFF;
	(pc) =	sbr.rel @p0 .LBB2_1-.Ltmp1, $4  }
0x47: {  	[hbm:s6], [sflag:s9] =	dma.local [spmem:s10], $0x2800  }
0x48: {  	_ =	swait.ge [sflag:s11], $0x2800  }
0x49: {  	[sflag:s11] =	ssyncset.done $0x0  }
0x4a: {  	[sflag:s11] =	ssyncadd.s32 $0xFFFFD800  }
0x4b: {  	_ =	sfence.sel $0x180000  }
0x4c: {  	[bflag:$0x0] =	sbarrier.arrive $0xFFFF  }
0x4d: {  	_ =	strace $0x9000004A  }
0x4e: {  	s0 =	stileid.u32;
	[bflag:$0x2] =	sbarrier.arrive $0xFFFF  }
0x4f: {  	p0 =	sne.s32 s0, $0x0;
	s0 =	rddreg [dreg:$0x3]  }
0x50: {  	s0 =	sadd.s32 @!p0 $0x100000, s0  }
0x51: {  	[sflag:s0] =	ssyncadd.tile.s32 @!p0 $0x1;
	_ =	shalt  }
.Lfunc_end2:
_tile_overlayer_lowered:
.L_overlay_start_2:
0x52: {  	(tag) =	ssettag $0x2  }
0x53: {  	s0 =	rddreg [dreg:$0x0];
	s2 =	stileid.u32  }
0x54: {  	s1 =	rddreg [dreg:$0x1];
	p0 =	sne.s32 s2, $0x0  }
0x55: {  	s3 =	rddreg [dreg:$0x2];
	[bflag:$0x3] =	sbarrier.arrive $0xFFFF;
	s2 =	simm.s32 @!p0 $0x1C04  }
0x56: {  	[timem:s3], [sflag:s2] =	dma.local @!p0 [hbm:s0], s1  }
0x57: {  	s0 =	simm.s32 @!p0 $0x4  }
0x58: {  	_ =	swait.ge @!p0 [sflag:s0], s1  }
0x59: {  	s1 =	ssub.s32 @!p0 $0x0, s1;
	[sflag:s0] =	ssyncset.done @!p0 $0x0  }
0x5a: {  	[sflag:s0] =	ssyncadd.s32 @!p0 s1  }
0x5b: {  	[bflag:$0x3] =	sbarrier.arrive $0xFFFF  }
0x5c: {  	_ =	shalt  }

// kernel: kernel.16.cloned.1.call-start
scs
__scs_entry_jumppad:
0x0: {  	(pc) =	sbr.rel $0x88, $3  }
0x1: {  	(tag) =	ssettag $0x0;
	lr =	simm.s32 $0x1  }
0x2: {  	[smem:$0x3F97] =	sst lr;
	_ =	strace $0xD0000000  }
0x3: {  	_ = 	snop  }
0x4: {  	_ = 	snop  }
0x5: {  	_ = 	snop  }
0x6: {  	_ = 	snop  }
0x7: {  	_ = 	snop  }
__scs_overlays_trampoline_lowered:
0x8: {  	[smem:$0x3FA6] =	sst s0  }
0x9: {  	[smem:$0x3FA7] =	sst s1  }
0xa: {  	[smem:$0x3FA8] =	sst s2  }
0xb: {  	[smem:$0x3FA9] =	sst s3  }
0xc: {  	[smem:$0x3FAA] =	sst s4  }
0xd: {  	[smem:$0x3FAB] =	sst s5  }
0xe: {  	[smem:$0x3FAC] =	sst s6  }
0xf: {  	[smem:$0x3FAD] =	sst s7  }
0x10: {  	[smem:$0x3FAE] =	sst s8  }
0x11: {  	[smem:$0x3FAF] =	sst s9;
	s0 =	simm.s32 @!p0 $0x0  }
0x12: {  	s1 =	sld [smem:$0x3F95];
	s0 =	simm.s32 @p0 $0x1  }
0x13: {  	[smem:$0x3FB0] =	sst s0;
	s0 =	simm.s32 @!p1 $0x0  }
0x14: {  	s2 =	sld [smem:$0x3F94];
	s0 =	simm.s32 @p1 $0x1  }
0x15: {  	[smem:$0x3FB1] =	sst s0;
	s0 =	simm.s32 @!p2 $0x0  }
0x16: {  	s3 =	sld [smem:$0x3FDB];
	s0 =	simm.s32 @p2 $0x1  }
0x17: {  	s4 =	simm.s32 $0x1BF5;
	[smem:$0x3FB3] =	sst s0  }
0x18: {  	s0 =	sld [smem:$0x3F96];
	_ =	swait.ge [sflag:s4], $0x0  }
0x19: {  	s7 =	sld [smem:$0x3F97]  }
0x1a: {  	s8 =	sadd.s32 $0xFFFFE003, lr  }
0x1b: {  	s9 =	sadd.s32 $0xFFFFFEF7, lr;
	s5 =	simm.s32 $0xFFFFFFFF;
	p2 =	slt.u32 s8, $0xFFFFF086  }
0x1c: {  	p1 =	slt.u32 s9, $0xF7A;
	s5 =	simm.s32 @!p2 $0x0  }
0x1d: {  	s5 =	simm.s32 @p1 $0x1;
	p0 =	seq.s32 s7, s2  }
0x1e: {  	s7 =	smul.u32 @!p0 $0xF7A, s2;
	p2 =	seq.s32 @!p0 s5, $0x0  }
0x1f: {  	s9 =	smul.u32 $0xF7A, s1;
	s8 =	simm.s32 @!p0 $0x1BF5;
	p2 =	por !p2, p0  }
0x20: {  	[sflag:s8] =	ssyncset.s32 @!p0 $0xFFFFF086;
	s6 =	sadd.s32 @!p0 s3, s7;
	s7 =	simm.s32 @!p0 $0x108  }
0x21: {  	s3 =	sadd.s32 s3, s9;
	s6 =	sadd.s32 @!p0 $0x88, s6;
	s7 =	simm.s32 @p2 $0x1082  }
0x22: {  	[simem:s7], [sflag:s8] =	dma.local @!p0 [hbm:s6], $0xF7A  }
0x23: {  	s9 =	sor.u32 $0xD0000000, s2;
	s6 =	simm.s32 $0x108;
	_ =	swait.ge @!p0 [sflag:s8], $0x0  }
0x24: {  	s3 =	sadd.s32 $0x88, s3;
	s6 =	simm.s32 @!p1 $0x1082;
	[sflag:s4] =	ssyncset.s32 $0xFFFFF086  }
0x25: {  	[simem:s6], [sflag:s4] =	dma.local [hbm:s3], $0xF7A  }
0x26: {  	[smem:$0x3F97] =	sst s1;
	(tag) =	ssettag s2;
	_ =	strace s9  }
0x27: {  	s1 =	sld [smem:$0x3FA7]  }
0x28: {  	s2 =	sld [smem:$0x3FA8]  }
0x29: {  	s4 =	sld [smem:$0x3FAA]  }
0x2a: {  	p0 =	seq.s32 s5, $0x0;
	s5 =	sld [smem:$0x3FAB]  }
0x2b: {  	s6 =	sld [smem:$0x3FAC]  }
0x2c: {  	s7 =	sld [smem:$0x3FAD]  }
0x2d: {  	s3 =	simm.s32 $0x108;
	s8 =	sld [smem:$0x3FAE]  }
0x2e: {  	s3 =	simm.s32 @!p0 $0x1082;
	s9 =	sld [smem:$0x3FAF]  }
0x2f: {  	lr =	sadd.s32 s0, s3;
	s0 =	sld [smem:$0x3FA6]  }
0x30: {  	s3 =	sld [smem:$0x3FA9]  }
0x31: {  	[smem:$0x3FB2] =	sst s10  }
0x32: {  	s10 =	sld [smem:$0x3FB0];
	_ =	sdelay $0x3  }
0x33: {  	p0 =	seq.s32 s10, $0x1;
	s10 =	sld [smem:$0x3FB2];
	_ =	sdelay $0x3  }
0x34: {  	[smem:$0x3FB2] =	sst s10  }
0x35: {  	s10 =	sld [smem:$0x3FB1];
	_ =	sdelay $0x3  }
0x36: {  	p1 =	seq.s32 s10, $0x1;
	s10 =	sld [smem:$0x3FB2];
	_ =	sdelay $0x3  }
0x37: {  	[smem:$0x3FB2] =	sst s10  }
0x38: {  	s10 =	sld [smem:$0x3FB3]  }
0x39: {  	_ = 	snop;
	(pc) =	sbr.ind lr, $3  }
0x3a: {  	_ = 	snop  }
0x3b: {  	_ = 	snop  }
0x3c: {  	p2 =	seq.s32 s10, $0x1;
	s10 =	sld [smem:$0x3FB2]  }
0x3d: {  	_ =	shalt  }
0x3e: {  	_ =	shalt  }
0x3f: {  	_ =	shalt  }
0x40: {  	_ =	shalt  }
0x41: {  	_ =	shalt  }
0x42: {  	_ =	shalt  }
0x43: {  	_ =	shalt  }
0x44: {  	_ =	shalt  }
0x45: {  	_ =	shalt  }
0x46: {  	_ =	shalt  }
0x47: {  	_ =	shalt  }
0x48: {  	_ =	shalt  }
0x49: {  	_ =	shalt  }
0x4a: {  	_ =	shalt  }
0x4b: {  	_ =	shalt  }
0x4c: {  	_ =	shalt  }
0x4d: {  	_ =	shalt  }
0x4e: {  	_ =	shalt  }
0x4f: {  	_ =	shalt  }
0x50: {  	_ =	shalt  }
0x51: {  	_ =	shalt  }
0x52: {  	_ =	shalt  }
0x53: {  	_ =	shalt  }
0x54: {  	_ =	shalt  }
0x55: {  	_ =	shalt  }
0x56: {  	_ =	shalt  }
0x57: {  	_ =	shalt  }
0x58: {  	_ =	shalt  }
0x59: {  	_ =	shalt  }
0x5a: {  	_ =	shalt  }
0x5b: {  	_ =	shalt  }
0x5c: {  	_ =	shalt  }
0x5d: {  	_ =	shalt  }
0x5e: {  	_ =	shalt  }
0x5f: {  	_ =	shalt  }
0x60: {  	_ =	shalt  }
0x61: {  	_ =	shalt  }
0x62: {  	_ =	shalt  }
0x63: {  	_ =	shalt  }
0x64: {  	_ =	shalt  }
0x65: {  	_ =	shalt  }
0x66: {  	_ =	shalt  }
0x67: {  	_ =	shalt  }
0x68: {  	_ =	shalt  }
0x69: {  	_ =	shalt  }
0x6a: {  	_ =	shalt  }
0x6b: {  	_ =	shalt  }
0x6c: {  	_ =	shalt  }
0x6d: {  	_ =	shalt  }
0x6e: {  	_ =	shalt  }
0x6f: {  	_ =	shalt  }
0x70: {  	_ =	shalt  }
0x71: {  	_ =	shalt  }
0x72: {  	_ =	shalt  }
0x73: {  	_ =	shalt  }
0x74: {  	_ =	shalt  }
0x75: {  	_ =	shalt  }
0x76: {  	_ =	shalt  }
0x77: {  	_ =	shalt  }
0x78: {  	_ =	shalt  }
0x79: {  	_ =	shalt  }
0x7a: {  	_ =	shalt  }
0x7b: {  	_ =	shalt  }
0x7c: {  	_ =	shalt  }
0x7d: {  	_ =	shalt  }
0x7e: {  	_ =	shalt  }
0x7f: {  	_ =	shalt  }
0x80: {  	_ =	shalt  }
0x81: {  	_ =	shalt  }
0x82: {  	_ =	shalt  }
0x83: {  	_ =	shalt  }
0x84: {  	_ =	shalt  }
0x85: {  	_ =	shalt  }
0x86: {  	_ =	shalt  }
0x87: {  	_ =	shalt  }
.Lfunc_end0:
.L_simem_size_0:
called_computation.2_lowered:
.L_overlay_start_0:
0x88: {  	s2 =	sld [smem:$0x3FD9]  }
0x89: {  	s3 =	sld [smem:$0x3FFE];
	_ =	sdelay $0x1  }
0x8a: {  	s1 =	srdreg.scid  }
0x8b: {  	s0 =	sand.u32 $0x1, s1  }
0x8c: {  	s14 =	sshll.u32 s0, $0xA;
	s2 =	sadd.s32 s3, s2  }
0x8d: {  	s2 =	sadd.s32 s2, s14  }
0x8e: {  	[smem:$0x3FBE] =	sst s2  }
0x8f: {  	_ = 	snop  }
0x90: {  	s2 =	sld [smem:$0x3FD0];
	_ =	sdelay $0x2  }
0x91: {  	s15 =	simm.s32 $0xA;
	s4 =	simm.s32 $0x10  }
0x92: {  	[smem:s4], [sflag:s15] =	dma.local [hbm:s2], $0x1  }
0x93: {  	_ =	swait.eq [sflag:s15], $0x1  }
0x94: {  	[sflag:s15] =	ssyncset.done $0x0  }
0x95: {  	[sflag:s15] =	ssyncadd.s32 $0xFFFFFFFF  }
0x96: {  	s16 =	sld [smem:$0x11];
	(tm) =	ssettm $0x1  }
0x97: {  	s17 =	sld [smem:$0x3FFB];
	_ =	sdelay $0x3  }
0x98: {  	_ =	strace s17  }
0x99: {  	s3 =	sld [smem:$0x3FFC];
	_ =	sdelay $0x3  }
0x9a: {  	_ =	strace s3  }
0x9b: {  	s3 =	sld [smem:$0x3FFD];
	_ =	sdelay $0x3  }
0x9c: {  	_ =	strace s3  }
0x9d: {  	_ =	strace $0x8FFFFFFF  }
0x9e: {  	s18 =	sld [smem:$0x3FDB];
	_ =	sdelay $0x1  }
0x9f: {  	s19 =	simm.s32 $_scs_section_size  }
0xa0: {  	s5 =	simm.s32 $_size__tile_overlayer_lowered;
	s6 =	simm.s32 $_tile_overlayer_lowered  }
0xa1: {  	s22 =	simm.s32 $0x1BFF;
	s21 =	sshll.u32 s6, $0x1;
	s3 =	sadd.s32 s19, s18  }
0xa2: {  	s7 =	simm.s32 $0x0;
	s20 =	sshll.u32 s5, $0x1;
	s5 =	sadd.s32 s21, s3  }
0xa3: {  	[timem:s7], [sflag:s22] =	dma.local [hbm:s5], s20  }
0xa4: {  	_ =	swait.ge [sflag:s22], s20  }
0xa5: {  	s4 =	ssub.s32 $0x0, s20;
	[sflag:s22] =	ssyncset.done $0x0  }
0xa6: {  	[sflag:s22] =	ssyncadd.s32 s4;
	_ =	sdelay $0x1  }
0xa7: {  	s23 =	simm.s32 $0x1B8B  }
0xa8: {  	_ =	swait.ge [sflag:s23], $0x1  }
0xa9: {  	[sflag:s23] =	ssyncset.done $0x0  }
0xaa: {  	s25 =	simm.s32 $0x1B8E;
	s24 =	sld [smem:$0x3FFE];
	[sflag:s23] =	ssyncadd.s32 $0xFFFFFFFF  }
0xab: {  	s26 =	simm.s32 $execute0_lowered;
	[smem:$0x3FD2] =	sst s25  }
0xac: {  	s5 =	sshll.u32 s26, $0x1;
	_ =	strace $0x8000004C;
	[dreg:$0x1] =	wrdreg $0xFFFFFFFF  }
0xad: {  	s28 =	simm.s32 $_size_execute0_lowered;
	s3 =	sadd.s32 s3, s5;
	[dreg:$0x0] =	wrdreg $0x0  }
0xae: {  	s5 =	sshll.u32 s28, $0x1;
	[dreg:$0x2] =	wrdreg s3  }
0xaf: {  	[dreg:$0x3] =	wrdreg s5  }
0xb0: {  	[dreg:$0x4] =	wrdreg $0xC0  }
0xb1: {  	_ =	task [dreg:s7], $0x5FFFF  }
0xb2: {  	[dreg:$0x1] =	wrdreg $0xFFFFFFFF  }
0xb3: {  	[dreg:$0x0] =	wrdreg $0x60  }
0xb4: {  	[dreg:$0x2] =	wrdreg s24  }
0xb5: {  	[dreg:$0x3] =	wrdreg s16  }
0xb6: {  	[dreg:$0x4] =	wrdreg $0xA0000  }
0xb7: {  	[dreg:$0x5] =	wrdreg $0x9  }
0xb8: {  	_ =	task.clear_ibuf [dreg:s7], $0x6FFFF;
	_ =	strace $0x9000004C  }
0xb9: {  	s29 =	simm.s32 $0x9;
	_ =	strace $0x8000004E  }
0xba: {  	_ =	swait.ge [sflag:s29], $0x1  }
0xbb: {  	[sflag:s29] =	ssyncadd.s32 $0xFFFFFFFF  }
0xbc: {  	_ =	strace $0x9000004E  }
0xbd: {  	_ =	sfence  }
0xbe: {  	s30 =	sld [smem:$0x0];
	_ =	sdelay $0x2  }
0xbf: {  	s31 =	sshll.u32 s1, $0xD;
	s1 =	sshrl.u32 s1, $0x2  }
0xc0: {  	s3 =	sand.u32 $0x4000, s31;
	s1 =	sadd.s32 s1, s30  }
0xc1: {  	s0 =	sor.u32 s3, s0;
	s1 =	sshll.u32 s1, $0x11  }
0xc2: {  	s0 =	sor.u32 s1, s0  }
0xc3: {  	s0 =	sadd.s32 $0x8F2B, s0  }
0xc4: {  	[sflag:s0] =	ssyncadd.remote.s32 $0x1  }
0xc5: {  	_ =	sfence.sel $0xFFFF  }
0xc6: {  	[dreg:$0x0] =	wrdreg $0xFFFFFFFF;
	(pc) =	sbr.abs _section_cstart, $3  }
0xc7: {  	[dreg:$0x1] =	wrdreg $0xFFFFFFFF  }
0xc8: {  	_ =	task.clear_ibuf [dreg:s7], $0x2FFFF;
	_ =	strace $0x9FFFFFFF  }
0xc9: {  	(tm) =	ssettm $0x7FFFFFFF  }
tec
execute0_lowered:
.L_overlay_start_1:
0x0: {  	(tag) =	ssettag $0x1  }
0x1: {  	s5 =	rddreg [dreg:$0x0]  }
0x2: {  	s6 =	rddreg [dreg:$0x1];
	s0 =	srdreg.scid  }
0x3: {  	s2 =	rddreg [dreg:$0x2];
	s26 =	stileid.u32  }
0x4: {  	s3 =	simm.s32 $0x0;
	s14 =	simm.s32 $0x2;
	s15 =	simm.s32 $0xF80  }
0x5: {  	s16 =	simm.s32 $0x6000;
	s17 =	simm.s32 $0x0;
	s9 =	smul.u32 $0x14000, s26  }
0x6: {  	s7 =	sand.u32 $0x1, s0;
	[smem:$0x7FF] =	sst s3;
	s12 =	smul.u32 $0x50000, s26  }
0x7: {  	s4 =	sadd.s32 $0x3400, s5;
	s30 =	smul.u32 $0x2800, s26;
	s31 =	sshll.u32 s26, $0x6  }
0x8: {  	s8 =	smul.u32 $0x140000, s7;
	_ =	strace $0x8000004D;
	s10 =	sshll.u32 s7, $0x4  }
0x9: {  	s11 =	ssub.s32 $0x2, s7;
	p0 =	seq.s32 s7, $0x1;
	s10 =	sor.u32 s26, s10  }
0xa: {  	s28 =	sshrl.u32 s11, $0x1;
	s29 =	sshrl.u32 s12, $0x2;
	s8 =	sadd.s32 s9, s8  }
0xb: {  	s9 =	sadd.s32 $0x2B400, s5;
	s13 =	smul.u32 $0x5, s10;
	s11 =	ssub.s32 s11, s28  }
0xc: {  	s10 =	smul.u32 $0xA00, s10;
	s12 =	sadd.s32 s29, s2;
	s8 =	sshrl.u32 s8, $0x3  }
0xd: {  	s7 =	smax.u32 s11, $0x1;
	s11 =	simm.s32 $0x4;
	s8 =	sadd.s32 s8, s5  }
0xe: {  	[dreg:$0x4] =	wrdreg s13;
	s5 =	sadd.s32 s6, s10;
	s6 =	sadd.s32 $0x200, s6  }
0xf: {  	s10 =	smov.u32 s4;
	s13 =	simm.s32 $0x80;
	[dreg:$0x5] =	wrdreg s6  }
0x10: {  	s6 =	sadd.s32 $0x53400, s8;
	s10 =	smov.u32 @p0 s9;
	s9 =	sor.u32 $0x1C04, s31  }
0x11: {  	s8 =	sadd.s32 s10, s30;
	s10 =	sshrl.u32 s12, $0x3;
	s12 =	simm.s32 $0x2000  }
.LBB2_1:
0x12: {  	[spmem:s10], [sflag:s9] =	dma.local [hbm:s8], $0x2800  }
0x13: {  	_ =	swait.ge [sflag:s11], $0x2800  }
0x14: {  	[sflag:s11] =	ssyncset.done $0x0  }
0x15: {  	s18 =	sand.u32 $0x1, s3;
	s20 =	sand.u32 $0x4F, s3;
	[sflag:s11] =	ssyncadd.s32 $0xFFFFD800  }
0x16: {  	[tilespmem:s3], [sflag:$0x4] =	stream.linear.gather [hbm4b:s5+s3], $0x1000, $0x38;
	[tilespmem:$0x1E000] =	vst v63  }
0x17: {  	s21 =	simm.s32 $0x100;
	s24 =	sand.u32 $0x780, s13;
	_ =	swait.ge [sflag:s11], $0x1000  }
0x18: {  	s25 =	simm.s32 $0x0;
	s26 =	sand.u32 $0x1E00, s3;
	[sflag:s11] =	ssyncset.done $0x0  }
0x19: {  	s19 =	sadd.s32 $0x1, s18;
	p0 =	seq.s32 s20, $0xF;
	[sflag:s11] =	ssyncadd.s32 $0xFFFFF000  }
0x1a: {  	s22 =	sshll.u32 s18, $0xE;
	s18 =	sxor.u32 $0x1, s18;
	[bflag:$0x0] =	sbarrier.arrive $0xFFFF  }
0x1b: {  	[tilespmem:s12], [sflag:$0x1] =	stream.indirect.gather [hbm4b:s4+s13], $0x80, s3, s13, $0xb8;
	[tilespmem:$0x1E000] =	vst v63  }
0x1c: {  	s21 =	sand.u32 $0x1000, s21;
	s26 =	sshrl.u32 s26, $0x2;
	_ =	swait.ge [sflag:s19], $0x4000  }
0x1d: {  	s23 =	sshll.u32 s18, $0xE;
	p1 =	sne.s32 @!p0 s20, $0x0;
	[sflag:s19] =	ssyncset.done $0x0  }
0x1e: {  	s21 =	sor.u32 s24, s21;
	[sflag:s19] =	ssyncadd.s32 $0xFFFFC000;
	s19 =	simm.s32 @p0 $0x3  }
0x1f: {  	s24 =	sand.u32 $0x1, s25;
	p1 =	por p1, p0;
	_ =	swait.ge @p0 [sflag:s19], $0x1000  }
0x20: {  	s18 =	sadd.s32 $0x1, s18;
	s25 =	simm.s32 @!p1 $0x0;
	s20 =	rddreg [dreg:$0x4]  }
0x21: {  	s29 =	sshll.u32 @!p1 s24, $0xC;
	s24 =	sshll.u32 s24, $0xC;
	s20 =	sadd.s32 @!p1 $0x0, s20  }
0x22: {  	s28 =	rddreg [dreg:$0x5];
	[sflag:s19] =	ssyncset.done @p0 $0x0;
	s20 =	sshll.u32 @!p1 s20, $0x9  }
0x23: {  	[sflag:s19] =	ssyncadd.s32 @p0 $0xFFFFF000;
	s19 =	sxor.u32 @!p1 $0x1000, s29;
	s20 =	sadd.s32 @!p1 s20, s28  }
0x24: {  	[tilespmem:s19], [sflag:$0x3] =	stream.linear.gather @!p1 [hbm4b:s20+s25], $0x1000, $0x38;
	[tilespmem:$0x1E000] =	vst v63  }
0x25: {  	s30 =	sor.u32 $0x2000, s22;
	s29 =	sor.u32 s26, s24;
	s28 =	sor.u32 $0x2000, s23  }
0x26: {  	[tilespmem:s28], [sflag:s18] =	stream.indirect.gather [hbm4b:s4+s13], $0x80, s21, s13, $0xb8;
	[tilespmem:$0x1E000] =	vst v63  }
0x27: {  	s31 =	sor.u32 $0x800, s29;
	s19 =	simm.s32 $0x100;
	s20 =	simm.s32 $0x200  }
0x28: {  	[spmem:s2] =	stream.indirect.scatter.add.f32 [tilespmem:s30], [sflag:$0x4], $0x80, s31, s13, $0xb8;
	[tilespmem:$0x1E000] =	vst v63  }
0x29: {  	s18 =	simm.s32 $0x200;
	s21 =	simm.s32 $0x0;
	_ =	swait.ge [sflag:s11], $0x4000  }
.LBB2_2:
0x2a: {  	s21 =	sadd.s32 $0x1, s21;
	[sflag:s11] =	ssyncset.done $0x0;
	s22 =	smov.u32 s18  }
0x2b: {  	s18 =	sadd.s32 $0x100, s18;
	s29 =	sand.u32 $0x780, s19;
	s31 =	sand.u32 $0x1E00, s20  }
0x2c: {  	s23 =	sand.u32 $0x1, s21;
	p0 =	sne.s32 s18, $0x5000;
	[sflag:s11] =	ssyncadd.s32 $0xFFFFC000  }
0x2d: {  	s26 =	sand.u32 $0x4F, s21;
	s30 =	sshrl.u32 s21, $0x4;
	s22 =	sand.u32 $0x1000, s22  }
0x2e: {  	s31 =	sshrl.u32 s31, $0x2;
	s24 =	sshll.u32 s23, $0xE;
	s25 =	sadd.s32 $0x1, s23  }
0x2f: {  	s23 =	sxor.u32 $0x1, s23;
	p1 =	seq.s32 s26, $0xF;
	_ =	swait.ge [sflag:s25], $0x4000  }
0x30: {  	s22 =	sor.u32 s29, s22;
	s29 =	sand.u32 $0x1, s30;
	[sflag:s25] =	ssyncset.done $0x0  }
0x31: {  	p2 =	sne.s32 @!p1 s26, $0x0;
	[sflag:s25] =	ssyncadd.s32 $0xFFFFC000;
	s25 =	simm.s32 @p1 $0x3  }
0x32: {  	s28 =	sshll.u32 s23, $0xE;
	p2 =	por p2, p1;
	_ =	swait.ge @p1 [sflag:s25], $0x1000  }
0x33: {  	s1 =	sshll.u32 @!p2 s29, $0xC;
	s29 =	sshll.u32 s29, $0xC;
	s26 =	rddreg [dreg:$0x4]  }
0x34: {  	s1 =	sxor.u32 @!p2 $0x1000, s1;
	s29 =	sor.u32 s31, s29;
	s26 =	sadd.s32 @!p2 s26, s30  }
0x35: {  	s0 =	rddreg [dreg:$0x5];
	[sflag:s25] =	ssyncset.done @p1 $0x0;
	s26 =	sshll.u32 @!p2 s26, $0x9  }
0x36: {  	s30 =	simm.s32 @!p2 $0x0;
	[sflag:s25] =	ssyncadd.s32 @p1 $0xFFFFF000;
	s0 =	sadd.s32 @!p2 s26, s0  }
0x37: {  	[tilespmem:s1], [sflag:$0x3] =	stream.linear.gather @!p2 [hbm4b:s0+s30], $0x1000, $0x38;
	[tilespmem:$0x1E000] =	vst v63  }
.Ltmp0:
0x38: {  	s1 =	sor.u32 $0x2000, s28;
	s28 =	sadd.s32 $0x1, s23;
	(pc) =	sbr.rel @p0 .LBB2_2-.Ltmp0, $4  }
0x39: {  	[tilespmem:s1], [sflag:s28] =	stream.indirect.gather [hbm4b:s4+s13], $0x80, s22, s13, $0xb8;
	[tilespmem:$0x1E000] =	vst v63  }
0x3a: {  	s31 =	sor.u32 $0x800, s29;
	s30 =	sor.u32 $0x2000, s24  }
0x3b: {  	[spmem:s2] =	stream.indirect.scatter.add.f32 [tilespmem:s30], [sflag:$0x4], $0x80, s31, s13, $0xb8;
	[tilespmem:$0x1E000] =	vst v63  }
0x3c: {  	s19 =	sadd.s32 $0x80, s19;
	s20 =	sadd.s32 $0x200, s20;
	_ =	swait.ge [sflag:s11], $0x4000  }
0x3d: {  	[sflag:s11] =	ssyncset.done $0x0  }
0x3e: {  	[sflag:s11] =	ssyncadd.s32 $0xFFFFC000  }
0x3f: {  	_ =	swait.ge [sflag:s14], $0x4000  }
0x40: {  	[sflag:s14] =	ssyncset.done $0x0  }
0x41: {  	[sflag:s14] =	ssyncadd.s32 $0xFFFFC000  }
0x42: {  	[spmem:s2] =	stream.indirect.scatter.add.f32 [tilespmem:s16], [sflag:$0x4], $0x80, s15, s13, $0xb8;
	[tilespmem:$0x1E000] =	vst v63  }
0x43: {  	_ =	swait.ge [sflag:s11], $0x4000  }
0x44: {  	s17 =	sadd.s32 $0x1, s17;
	[sflag:s11] =	ssyncset.done $0x0  }
0x45: {  	p0 =	sne.s32 s17, s7;
	[sflag:s11] =	ssyncadd.s32 $0xFFFFC000  }
.Ltmp1:
0x46: {  	[bflag:$0x0] =	sbarrier.arrive $0xFFFF;
	(pc) =	sbr.rel @p0 .LBB2_1-.Ltmp1, $4  }
0x47: {  	[hbm:s6], [sflag:s9] =	dma.local [spmem:s10], $0x2800  }
0x48: {  	_ =	swait.ge [sflag:s11], $0x2800  }
0x49: {  	[sflag:s11] =	ssyncset.done $0x0  }
0x4a: {  	[sflag:s11] =	ssyncadd.s32 $0xFFFFD800  }
0x4b: {  	_ =	sfence.sel $0x180000  }
0x4c: {  	[bflag:$0x0] =	sbarrier.arrive $0xFFFF  }
0x4d: {  	_ =	strace $0x9000004D  }
0x4e: {  	s0 =	stileid.u32;
	[bflag:$0x2] =	sbarrier.arrive $0xFFFF  }
0x4f: {  	p0 =	sne.s32 s0, $0x0;
	s0 =	rddreg [dreg:$0x3]  }
0x50: {  	s0 =	sadd.s32 @!p0 $0x100000, s0  }
0x51: {  	[sflag:s0] =	ssyncadd.tile.s32 @!p0 $0x1;
	_ =	shalt  }
.Lfunc_end2:
_tile_overlayer_lowered:
.L_overlay_start_2:
0x52: {  	(tag) =	ssettag $0x2  }
0x53: {  	s0 =	rddreg [dreg:$0x0];
	s2 =	stileid.u32  }
0x54: {  	s1 =	rddreg [dreg:$0x1];
	p0 =	sne.s32 s2, $0x0  }
0x55: {  	s3 =	rddreg [dreg:$0x2];
	[bflag:$0x3] =	sbarrier.arrive $0xFFFF;
	s2 =	simm.s32 @!p0 $0x1C04  }
0x56: {  	[timem:s3], [sflag:s2] =	dma.local @!p0 [hbm:s0], s1  }
0x57: {  	s0 =	simm.s32 @!p0 $0x4  }
0x58: {  	_ =	swait.ge @!p0 [sflag:s0], s1  }
0x59: {  	s1 =	ssub.s32 @!p0 $0x0, s1;
	[sflag:s0] =	ssyncset.done @!p0 $0x0  }
0x5a: {  	[sflag:s0] =	ssyncadd.s32 @!p0 s1  }
0x5b: {  	[bflag:$0x3] =	sbarrier.arrive $0xFFFF  }
0x5c: {  	_ =	shalt  }

// kernel: kernel.19.cloned.1.call-start
scs
__scs_entry_jumppad:
0x0: {  	(pc) =	sbr.rel $0x88, $3  }
0x1: {  	(tag) =	ssettag $0x0;
	lr =	simm.s32 $0x1  }
0x2: {  	[smem:$0x3F97] =	sst lr;
	_ =	strace $0xD0000000  }
0x3: {  	_ = 	snop  }
0x4: {  	_ = 	snop  }
0x5: {  	_ = 	snop  }
0x6: {  	_ = 	snop  }
0x7: {  	_ = 	snop  }
__scs_overlays_trampoline_lowered:
0x8: {  	[smem:$0x3FA6] =	sst s0  }
0x9: {  	[smem:$0x3FA7] =	sst s1  }
0xa: {  	[smem:$0x3FA8] =	sst s2  }
0xb: {  	[smem:$0x3FA9] =	sst s3  }
0xc: {  	[smem:$0x3FAA] =	sst s4  }
0xd: {  	[smem:$0x3FAB] =	sst s5  }
0xe: {  	[smem:$0x3FAC] =	sst s6  }
0xf: {  	[smem:$0x3FAD] =	sst s7  }
0x10: {  	[smem:$0x3FAE] =	sst s8  }
0x11: {  	[smem:$0x3FAF] =	sst s9;
	s0 =	simm.s32 @!p0 $0x0  }
0x12: {  	s1 =	sld [smem:$0x3F95];
	s0 =	simm.s32 @p0 $0x1  }
0x13: {  	[smem:$0x3FB0] =	sst s0;
	s0 =	simm.s32 @!p1 $0x0  }
0x14: {  	s2 =	sld [smem:$0x3F94];
	s0 =	simm.s32 @p1 $0x1  }
0x15: {  	[smem:$0x3FB1] =	sst s0;
	s0 =	simm.s32 @!p2 $0x0  }
0x16: {  	s3 =	sld [smem:$0x3FDB];
	s0 =	simm.s32 @p2 $0x1  }
0x17: {  	s4 =	simm.s32 $0x1BF5;
	[smem:$0x3FB3] =	sst s0  }
0x18: {  	s0 =	sld [smem:$0x3F96];
	_ =	swait.ge [sflag:s4], $0x0  }
0x19: {  	s7 =	sld [smem:$0x3F97]  }
0x1a: {  	s8 =	sadd.s32 $0xFFFFE003, lr  }
0x1b: {  	s9 =	sadd.s32 $0xFFFFFEF7, lr;
	s5 =	simm.s32 $0xFFFFFFFF;
	p2 =	slt.u32 s8, $0xFFFFF086  }
0x1c: {  	p1 =	slt.u32 s9, $0xF7A;
	s5 =	simm.s32 @!p2 $0x0  }
0x1d: {  	s5 =	simm.s32 @p1 $0x1;
	p0 =	seq.s32 s7, s2  }
0x1e: {  	s7 =	smul.u32 @!p0 $0xF7A, s2;
	p2 =	seq.s32 @!p0 s5, $0x0  }
0x1f: {  	s9 =	smul.u32 $0xF7A, s1;
	s8 =	simm.s32 @!p0 $0x1BF5;
	p2 =	por !p2, p0  }
0x20: {  	[sflag:s8] =	ssyncset.s32 @!p0 $0xFFFFF086;
	s6 =	sadd.s32 @!p0 s3, s7;
	s7 =	simm.s32 @!p0 $0x108  }
0x21: {  	s3 =	sadd.s32 s3, s9;
	s6 =	sadd.s32 @!p0 $0x88, s6;
	s7 =	simm.s32 @p2 $0x1082  }
0x22: {  	[simem:s7], [sflag:s8] =	dma.local @!p0 [hbm:s6], $0xF7A  }
0x23: {  	s9 =	sor.u32 $0xD0000000, s2;
	s6 =	simm.s32 $0x108;
	_ =	swait.ge @!p0 [sflag:s8], $0x0  }
0x24: {  	s3 =	sadd.s32 $0x88, s3;
	s6 =	simm.s32 @!p1 $0x1082;
	[sflag:s4] =	ssyncset.s32 $0xFFFFF086  }
0x25: {  	[simem:s6], [sflag:s4] =	dma.local [hbm:s3], $0xF7A  }
0x26: {  	[smem:$0x3F97] =	sst s1;
	(tag) =	ssettag s2;
	_ =	strace s9  }
0x27: {  	s1 =	sld [smem:$0x3FA7]  }
0x28: {  	s2 =	sld [smem:$0x3FA8]  }
0x29: {  	s4 =	sld [smem:$0x3FAA]  }
0x2a: {  	p0 =	seq.s32 s5, $0x0;
	s5 =	sld [smem:$0x3FAB]  }
0x2b: {  	s6 =	sld [smem:$0x3FAC]  }
0x2c: {  	s7 =	sld [smem:$0x3FAD]  }
0x2d: {  	s3 =	simm.s32 $0x108;
	s8 =	sld [smem:$0x3FAE]  }
0x2e: {  	s3 =	simm.s32 @!p0 $0x1082;
	s9 =	sld [smem:$0x3FAF]  }
0x2f: {  	lr =	sadd.s32 s0, s3;
	s0 =	sld [smem:$0x3FA6]  }
0x30: {  	s3 =	sld [smem:$0x3FA9]  }
0x31: {  	[smem:$0x3FB2] =	sst s10  }
0x32: {  	s10 =	sld [smem:$0x3FB0];
	_ =	sdelay $0x3  }
0x33: {  	p0 =	seq.s32 s10, $0x1;
	s10 =	sld [smem:$0x3FB2];
	_ =	sdelay $0x3  }
0x34: {  	[smem:$0x3FB2] =	sst s10  }
0x35: {  	s10 =	sld [smem:$0x3FB1];
	_ =	sdelay $0x3  }
0x36: {  	p1 =	seq.s32 s10, $0x1;
	s10 =	sld [smem:$0x3FB2];
	_ =	sdelay $0x3  }
0x37: {  	[smem:$0x3FB2] =	sst s10  }
0x38: {  	s10 =	sld [smem:$0x3FB3]  }
0x39: {  	_ = 	snop;
	(pc) =	sbr.ind lr, $3  }
0x3a: {  	_ = 	snop  }
0x3b: {  	_ = 	snop  }
0x3c: {  	p2 =	seq.s32 s10, $0x1;
	s10 =	sld [smem:$0x3FB2]  }
0x3d: {  	_ =	shalt  }
0x3e: {  	_ =	shalt  }
0x3f: {  	_ =	shalt  }
0x40: {  	_ =	shalt  }
0x41: {  	_ =	shalt  }
0x42: {  	_ =	shalt  }
0x43: {  	_ =	shalt  }
0x44: {  	_ =	shalt  }
0x45: {  	_ =	shalt  }
0x46: {  	_ =	shalt  }
0x47: {  	_ =	shalt  }
0x48: {  	_ =	shalt  }
0x49: {  	_ =	shalt  }
0x4a: {  	_ =	shalt  }
0x4b: {  	_ =	shalt  }
0x4c: {  	_ =	shalt  }
0x4d: {  	_ =	shalt  }
0x4e: {  	_ =	shalt  }
0x4f: {  	_ =	shalt  }
0x50: {  	_ =	shalt  }
0x51: {  	_ =	shalt  }
0x52: {  	_ =	shalt  }
0x53: {  	_ =	shalt  }
0x54: {  	_ =	shalt  }
0x55: {  	_ =	shalt  }
0x56: {  	_ =	shalt  }
0x57: {  	_ =	shalt  }
0x58: {  	_ =	shalt  }
0x59: {  	_ =	shalt  }
0x5a: {  	_ =	shalt  }
0x5b: {  	_ =	shalt  }
0x5c: {  	_ =	shalt  }
0x5d: {  	_ =	shalt  }
0x5e: {  	_ =	shalt  }
0x5f: {  	_ =	shalt  }
0x60: {  	_ =	shalt  }
0x61: {  	_ =	shalt  }
0x62: {  	_ =	shalt  }
0x63: {  	_ =	shalt  }
0x64: {  	_ =	shalt  }
0x65: {  	_ =	shalt  }
0x66: {  	_ =	shalt  }
0x67: {  	_ =	shalt  }
0x68: {  	_ =	shalt  }
0x69: {  	_ =	shalt  }
0x6a: {  	_ =	shalt  }
0x6b: {  	_ =	shalt  }
0x6c: {  	_ =	shalt  }
0x6d: {  	_ =	shalt  }
0x6e: {  	_ =	shalt  }
0x6f: {  	_ =	shalt  }
0x70: {  	_ =	shalt  }
0x71: {  	_ =	shalt  }
0x72: {  	_ =	shalt  }
0x73: {  	_ =	shalt  }
0x74: {  	_ =	shalt  }
0x75: {  	_ =	shalt  }
0x76: {  	_ =	shalt  }
0x77: {  	_ =	shalt  }
0x78: {  	_ =	shalt  }
0x79: {  	_ =	shalt  }
0x7a: {  	_ =	shalt  }
0x7b: {  	_ =	shalt  }
0x7c: {  	_ =	shalt  }
0x7d: {  	_ =	shalt  }
0x7e: {  	_ =	shalt  }
0x7f: {  	_ =	shalt  }
0x80: {  	_ =	shalt  }
0x81: {  	_ =	shalt  }
0x82: {  	_ =	shalt  }
0x83: {  	_ =	shalt  }
0x84: {  	_ =	shalt  }
0x85: {  	_ =	shalt  }
0x86: {  	_ =	shalt  }
0x87: {  	_ =	shalt  }
.Lfunc_end0:
.L_simem_size_0:
called_computation.3_lowered:
.L_overlay_start_0:
0x88: {  	s2 =	sld [smem:$0x3FD9]  }
0x89: {  	s3 =	sld [smem:$0x3FFE];
	_ =	sdelay $0x1  }
0x8a: {  	s1 =	srdreg.scid  }
0x8b: {  	s0 =	sand.u32 $0x1, s1  }
0x8c: {  	s14 =	sshll.u32 s0, $0xA;
	s2 =	sadd.s32 s3, s2  }
0x8d: {  	s2 =	sadd.s32 s2, s14  }
0x8e: {  	[smem:$0x3FBE] =	sst s2  }
0x8f: {  	_ = 	snop  }
0x90: {  	s2 =	sld [smem:$0x3FD0];
	_ =	sdelay $0x2  }
0x91: {  	s15 =	simm.s32 $0xA;
	s4 =	simm.s32 $0x10  }
0x92: {  	[smem:s4], [sflag:s15] =	dma.local [hbm:s2], $0x1  }
0x93: {  	_ =	swait.eq [sflag:s15], $0x1  }
0x94: {  	[sflag:s15] =	ssyncset.done $0x0  }
0x95: {  	s16 =	sld [smem:$0x10];
	[sflag:s15] =	ssyncadd.s32 $0xFFFFFFFF  }
0x96: {  	s17 =	sld [smem:$0x11];
	(tm) =	ssettm $0x1  }
0x97: {  	s18 =	sld [smem:$0x3FFB];
	_ =	sdelay $0x3  }
0x98: {  	_ =	strace s18  }
0x99: {  	s4 =	sld [smem:$0x3FFC];
	_ =	sdelay $0x3  }
0x9a: {  	_ =	strace s4  }
0x9b: {  	s4 =	sld [smem:$0x3FFD];
	_ =	sdelay $0x3  }
0x9c: {  	_ =	strace s4  }
0x9d: {  	_ =	strace $0x8FFFFFFF  }
0x9e: {  	s19 =	sld [smem:$0x3FDB];
	_ =	sdelay $0x1  }
0x9f: {  	s5 =	simm.s32 $_scs_section_size  }
0xa0: {  	s6 =	simm.s32 $_size__tile_overlayer_lowered;
	s7 =	simm.s32 $_tile_overlayer_lowered  }
0xa1: {  	s22 =	simm.s32 $0x1BFF;
	s21 =	sshll.u32 s7, $0x1;
	s4 =	sadd.s32 s5, s19  }
0xa2: {  	s8 =	simm.s32 $0x0;
	s20 =	sshll.u32 s6, $0x1;
	s6 =	sadd.s32 s21, s4  }
0xa3: {  	[timem:s8], [sflag:s22] =	dma.local [hbm:s6], s20  }
0xa4: {  	_ =	swait.ge [sflag:s22], s20  }
0xa5: {  	s5 =	ssub.s32 $0x0, s20;
	[sflag:s22] =	ssyncset.done $0x0  }
0xa6: {  	[sflag:s22] =	ssyncadd.s32 s5;
	_ =	sdelay $0x1  }
0xa7: {  	s23 =	simm.s32 $0x1B8B  }
0xa8: {  	_ =	swait.ge [sflag:s23], $0x1  }
0xa9: {  	[sflag:s23] =	ssyncset.done $0x0  }
0xaa: {  	s25 =	simm.s32 $0x1B8E;
	s24 =	sld [smem:$0x3FFE];
	[sflag:s23] =	ssyncadd.s32 $0xFFFFFFFF  }
0xab: {  	s26 =	simm.s32 $execute0_lowered;
	[smem:$0x3FD2] =	sst s25  }
0xac: {  	s6 =	sshll.u32 s26, $0x1;
	_ =	strace $0x8000004F;
	[dreg:$0x1] =	wrdreg $0xFFFFFFFF  }
0xad: {  	s28 =	simm.s32 $_size_execute0_lowered;
	s4 =	sadd.s32 s4, s6;
	[dreg:$0x0] =	wrdreg $0x0  }
0xae: {  	s6 =	sshll.u32 s28, $0x1;
	[dreg:$0x2] =	wrdreg s4  }
0xaf: {  	[dreg:$0x3] =	wrdreg s6  }
0xb0: {  	[dreg:$0x4] =	wrdreg $0xC0  }
0xb1: {  	_ =	task [dreg:s8], $0x5FFFF  }
0xb2: {  	[dreg:$0x1] =	wrdreg $0xFFFFFFFF  }
0xb3: {  	[dreg:$0x0] =	wrdreg $0x60  }
0xb4: {  	[dreg:$0x2] =	wrdreg s16  }
0xb5: {  	[dreg:$0x3] =	wrdreg s24  }
0xb6: {  	[dreg:$0x4] =	wrdreg s17  }
0xb7: {  	[dreg:$0x5] =	wrdreg $0x93000  }
0xb8: {  	[dreg:$0x6] =	wrdreg $0x1D3000  }
0xb9: {  	[dreg:$0x7] =	wrdreg $0x9  }
0xba: {  	_ =	task.clear_ibuf [dreg:s8], $0x8FFFF;
	_ =	strace $0x9000004F  }
0xbb: {  	s29 =	simm.s32 $0x9;
	_ =	strace $0x80000051  }
0xbc: {  	_ =	swait.ge [sflag:s29], $0x1  }
0xbd: {  	[sflag:s29] =	ssyncadd.s32 $0xFFFFFFFF  }
0xbe: {  	_ =	strace $0x90000051  }
0xbf: {  	_ =	sfence  }
0xc0: {  	s30 =	sld [smem:$0x0];
	_ =	sdelay $0x2  }
0xc1: {  	s31 =	sshll.u32 s1, $0xD;
	s1 =	sshrl.u32 s1, $0x2  }
0xc2: {  	s3 =	sand.u32 $0x4000, s31;
	s1 =	sadd.s32 s1, s30  }
0xc3: {  	s0 =	sor.u32 s3, s0;
	s1 =	sshll.u32 s1, $0x11  }
0xc4: {  	s0 =	sor.u32 s1, s0  }
0xc5: {  	s0 =	sadd.s32 $0x8F2B, s0  }
0xc6: {  	[sflag:s0] =	ssyncadd.remote.s32 $0x1  }
0xc7: {  	_ =	sfence.sel $0xFFFF  }
0xc8: {  	[dreg:$0x0] =	wrdreg $0xFFFFFFFF;
	(pc) =	sbr.abs _section_cstart, $3  }
0xc9: {  	[dreg:$0x1] =	wrdreg $0xFFFFFFFF  }
0xca: {  	_ =	task.clear_ibuf [dreg:s8], $0x2FFFF;
	_ =	strace $0x9FFFFFFF  }
0xcb: {  	(tm) =	ssettm $0x7FFFFFFF  }
tec
execute0_lowered:
.L_overlay_start_1:
0x0: {  	(tag) =	ssettag $0x1  }
0x1: {  	s1 =	rddreg [dreg:$0x0]  }
0x2: {  	s6 =	rddreg [dreg:$0x1]  }
0x3: {  	s12 =	rddreg [dreg:$0x2]  }
0x4: {  	s2 =	rddreg [dreg:$0x3]  }
0x5: {  	s4 =	rddreg [dreg:$0x4];
	s5 =	simm.s32 $0x0  }
0x6: {  	s7 =	srdreg.scid;
	s0 =	stileid.u32;
	s17 =	simm.s32 $0x1000  }
0x7: {  	s18 =	simm.s32 $0x80;
	s19 =	simm.s32 $0x9000;
	s8 =	smul.u32 $0x14000, s0  }
0x8: {  	s20 =	simm.s32 $0x1;
	s21 =	simm.s32 $0xE00;
	s13 =	smul.u32 $0x50000, s0  }
0x9: {  	[smem:$0x7FF] =	sst s5;
	s7 =	sand.u32 $0x1, s7;
	s26 =	smul.u32 $0xA00, s0  }
0xa: {  	s10 =	sshll.u32 s0, $0x8;
	s28 =	smul.u32 $0x500, s0;
	s29 =	sshll.u32 s0, $0x6  }
0xb: {  	s9 =	sshll.u32 s7, $0xC;
	s11 =	smul.u32 $0x140000, s7;
	_ =	strace $0x80000050  }
0xc: {  	s23 =	ssub.s32 $0x2, s7;
	s30 =	sshll.u32 s7, $0x7;
	s7 =	sor.u32 $0x1C04, s29  }
0xd: {  	s9 =	sor.u32 s10, s9;
	s22 =	sshrl.u32 s8, $0x3;
	s24 =	sshrl.u32 s23, $0x1  }
0xe: {  	s25 =	sshrl.u32 s13, $0x2;
	s31 =	sor.u32 s30, s28;
	s10 =	sadd.s32 s9, s6  }
0xf: {  	s8 =	sadd.s32 s8, s11;
	s9 =	sadd.s32 s22, s6;
	s15 =	ssub.s32 s23, s24  }
0x10: {  	s16 =	sadd.s32 s25, s2;
	s13 =	sshrl.u32 s31, $0x3;
	s22 =	simm.s32 $0x3  }
0x11: {  	s23 =	simm.s32 $0x20;
	s24 =	simm.s32 $0x10;
	s25 =	simm.s32 $0x0  }
0x12: {  	s8 =	sshrl.u32 s8, $0x3;
	s12 =	sadd.s32 s12, s13;
	s13 =	smax.u32 s15, $0x1  }
0x13: {  	s15 =	simm.s32 $0x4;
	s14 =	sadd.s32 s8, s6;
	s6 =	sadd.s32 $0x2B400, s9  }
0x14: {  	s8 =	sshrl.u32 s26, $0x2;
	s9 =	sadd.s32 $0xA3400, s10;
	s10 =	sadd.s32 $0xA5400, s10  }
0x15: {  	v0 =	vimm.f32 $1.000000000e+00;
	v1 =	vimm.f32 $0.0e+00;
	s8 =	sadd.s32 s8, s4;
	s11 =	sadd.s32 $0x53400, s14;
	s14 =	sshrl.u32 s16, $0x3  }
.LBB2_1:
0x16: {  	[tilespmem:$0x9000] =	vst v0  }
0x17: {  	[tilespmem:$0x9010] =	vst v0  }
0x18: {  	[tilespmem:$0x9020] =	vst v0  }
0x19: {  	[tilespmem:$0x9030] =	vst v0  }
0x1a: {  	[tilespmem:$0x9040] =	vst v0  }
0x1b: {  	[tilespmem:$0x9050] =	vst v0  }
0x1c: {  	[tilespmem:$0x9060] =	vst v0  }
0x1d: {  	[tilespmem:$0x9070] =	vst v0  }
0x1e: {  	[tilespmem:$0x9080] =	vst v1  }
0x1f: {  	[tilespmem:$0x9090] =	vst v1  }
0x20: {  	[tilespmem:$0x90A0] =	vst v1  }
0x21: {  	[tilespmem:$0x90B0] =	vst v1  }
0x22: {  	[tilespmem:$0x90C0] =	vst v1  }
0x23: {  	[tilespmem:$0x90D0] =	vst v1  }
0x24: {  	[tilespmem:$0x90E0] =	vst v1  }
0x25: {  	[tilespmem:$0x90F0] =	vst v1  }
0x26: {  	[tilespmem:$0x9100] =	vst v1  }
0x27: {  	[tilespmem:$0x9110] =	vst v1  }
0x28: {  	[tilespmem:$0x9120] =	vst v1  }
0x29: {  	[tilespmem:$0x9130] =	vst v1  }
0x2a: {  	[tilespmem:$0x9140] =	vst v1  }
0x2b: {  	[tilespmem:$0x9150] =	vst v1  }
0x2c: {  	[tilespmem:$0x9160] =	vst v1  }
0x2d: {  	[tilespmem:$0x9170] =	vst v1  }
0x2e: {  	[tilespmem:$0x9180] =	vst v1  }
0x2f: {  	[tilespmem:$0x9190] =	vst v1  }
0x30: {  	[tilespmem:$0x91A0] =	vst v1  }
0x31: {  	[tilespmem:$0x91B0] =	vst v1  }
0x32: {  	[tilespmem:$0x91C0] =	vst v1  }
0x33: {  	[tilespmem:$0x91D0] =	vst v1  }
0x34: {  	[tilespmem:$0x91E0] =	vst v1  }
0x35: {  	[tilespmem:$0x91F0] =	vst v1  }
0x36: {  	[tilespmem:$0x9200] =	vst v1  }
0x37: {  	[tilespmem:$0x9210] =	vst v1  }
0x38: {  	[tilespmem:$0x9220] =	vst v1  }
0x39: {  	[tilespmem:$0x9230] =	vst v1  }
0x3a: {  	[tilespmem:$0x9240] =	vst v1  }
0x3b: {  	[tilespmem:$0x9250] =	vst v1  }
0x3c: {  	[tilespmem:$0x9260] =	vst v1  }
0x3d: {  	[tilespmem:$0x9270] =	vst v1  }
0x3e: {  	[tilespmem:$0x9280] =	vst v1  }
0x3f: {  	[tilespmem:$0x9290] =	vst v1  }
0x40: {  	[tilespmem:$0x92A0] =	vst v1  }
0x41: {  	[tilespmem:$0x92B0] =	vst v1  }
0x42: {  	[tilespmem:$0x92C0] =	vst v1  }
0x43: {  	[tilespmem:$0x92D0] =	vst v1  }
0x44: {  	[tilespmem:$0x92E0] =	vst v1  }
0x45: {  	[tilespmem:$0x92F0] =	vst v1  }
0x46: {  	[spmem:s14], [sflag:s7] =	dma.local [hbm:s6], $0x2800  }
0x47: {  	_ =	swait.ge [sflag:s15], $0x2800  }
0x48: {  	[sflag:s15] =	ssyncset.done $0x0  }
0x49: {  	s0 =	simm.s32 $0x9080;
	[sflag:s15] =	ssyncadd.s32 $0xFFFFD800  }
0x4a: {  	[spmem:s8] =	stream.linear.scatter [tilespmem:s0], [sflag:$0x4], $0x280, $0x38;
	[tilespmem:$0x1D580] =	vst v63  }
0x4b: {  	_ =	swait.ge [sflag:s15], $0x280  }
0x4c: {  	[sflag:s15] =	ssyncset.done $0x0  }
0x4d: {  	[sflag:s15] =	ssyncadd.s32 $0xFFFFFD80  }
0x4e: {  	[tilespmem:s5], [sflag:$0x4] =	stream.linear.gather [hbm4b:s9+s5], $0x680, $0x38;
	[tilespmem:$0x1D580] =	vst v63  }
0x4f: {  	_ =	swait.ge [sflag:s15], $0x680  }
0x50: {  	[sflag:s15] =	ssyncset.done $0x0  }
0x51: {  	s26 =	simm.s32 $0x800;
	[sflag:s15] =	ssyncadd.s32 $0xFFFFF980  }
0x52: {  	[tilespmem:s26], [sflag:$0x4] =	stream.linear.gather [hbm4b:s10+s5], $0x680, $0x38;
	[tilespmem:$0x1D580] =	vst v63  }
0x53: {  	_ =	swait.ge [sflag:s15], $0x680  }
0x54: {  	[sflag:s15] =	ssyncset.done $0x0  }
0x55: {  	s28 =	sand.u32 $0x1, s5;
	[sflag:s15] =	ssyncadd.s32 $0xFFFFF980  }
0x56: {  	s29 =	sadd.s32 $0x1, s28;
	[bflag:$0x0] =	sbarrier.arrive $0xFFFF  }
0x57: {  	[tilespmem:s17], [sflag:$0x1] =	stream.indirect.gather [hbm4b:s1+s18], $0x80, s5, s18, $0xb8;
	[tilespmem:$0x1D580] =	vst v63  }
0x58: {  	s30 =	sxor.u32 $0x1, s28;
	_ =	swait.ge [sflag:s29], $0x4000  }
0x59: {  	s31 =	sshll.u32 s30, $0xE;
	[sflag:s29] =	ssyncset.done $0x0  }
0x5a: {  	s30 =	sadd.s32 $0x1, s30;
	[sflag:s29] =	ssyncadd.s32 $0xFFFFC000;
	s29 =	sor.u32 $0x1000, s31  }
0x5b: {  	[tilespmem:s29], [sflag:s30] =	stream.indirect.gather [hbm4b:s1+s18], $0x80, s18, s18, $0xb8;
	[tilespmem:$0x1D580] =	vst v63  }
0x5c: {  	s28 =	sshll.u32 s28, $0xE  }
0x5d: {  	[spmem:s4] =	stream.indirect.scatter.add.f32 [tilespmem:s19], [sflag:$0x3], $0x1, s26, s18, $0xb8;
	[tilespmem:$0x1D580] =	vst v63  }
0x5e: {  	s28 =	sor.u32 $0x1000, s28  }
0x5f: {  	[spmem:s2] =	stream.indirect.scatter.add.f32 [tilespmem:s28], [sflag:$0x4], $0x80, s26, s18, $0xb8;
	[tilespmem:$0x1D580] =	vst v63  }
0x60: {  	s29 =	simm.s32 $0x1;
	s30 =	simm.s32 $0x2;
	_ =	swait.ge [sflag:s15], $0x4000  }
0x61: {  	s26 =	simm.s32 $0x880;
	s28 =	simm.s32 $0x100;
	[sflag:s15] =	ssyncset.done $0x0  }
.LBB2_2:
0x62: {  	s31 =	sand.u32 $0x1, s29  }
0x63: {  	[sflag:s15] =	ssyncadd.s32 $0xFFFFC000;
	s29 =	smov.u32 s30;
	s0 =	sadd.s32 $0x1, s30  }
0x64: {  	s3 =	sshll.u32 s31, $0xE;
	s16 =	sadd.s32 $0x1, s31;
	s31 =	sxor.u32 $0x1, s31  }
0x65: {  	p0 =	sne.s32 s30, $0xB;
	_ =	swait.ge [sflag:s16], $0x4000;
	s30 =	sshll.u32 s31, $0xE  }
0x66: {  	[sflag:s16] =	ssyncset.done $0x0  }
0x67: {  	[sflag:s16] =	ssyncadd.s32 $0xFFFFC000;
	s16 =	sor.u32 $0x1000, s30;
	s30 =	sadd.s32 $0x1, s31  }
0x68: {  	[tilespmem:s16], [sflag:s30] =	stream.indirect.gather [hbm4b:s1+s18], $0x80, s28, s18, $0xb8;
	[tilespmem:$0x1D580] =	vst v63  }
0x69: {  	_ = 	snop  }
0x6a: {  	[spmem:s4] =	stream.indirect.scatter.add.f32 [tilespmem:s19], [sflag:$0x3], $0x1, s26, s18, $0xb8;
	[tilespmem:$0x1D580] =	vst v63  }
.Ltmp0:
0x6b: {  	_ = 	snop;
	(pc) =	sbr.rel @p0 .LBB2_2-.Ltmp0, $4  }
0x6c: {  	s3 =	sor.u32 $0x1000, s3  }
0x6d: {  	[spmem:s2] =	stream.indirect.scatter.add.f32 [tilespmem:s3], [sflag:$0x4], $0x80, s26, s18, $0xb8;
	[tilespmem:$0x1D580] =	vst v63  }
0x6e: {  	s28 =	sadd.s32 $0x80, s28;
	_ =	swait.ge [sflag:s15], $0x4000  }
0x6f: {  	s30 =	smov.u32 s0;
	s26 =	sadd.s32 $0x80, s26;
	[sflag:s15] =	ssyncset.done $0x0  }
0x70: {  	s0 =	sand.u32 $0x1, s29  }
0x71: {  	[sflag:s15] =	ssyncadd.s32 $0xFFFFC000;
	s3 =	sadd.s32 $0x1, s0  }
0x72: {  	s16 =	sxor.u32 $0x1, s0;
	_ =	swait.ge [sflag:s3], $0x4000  }
0x73: {  	s31 =	sshll.u32 s16, $0xE;
	[sflag:s3] =	ssyncset.done $0x0  }
0x74: {  	s16 =	sadd.s32 $0x1, s16;
	s30 =	sor.u32 $0x1000, s31;
	[sflag:s3] =	ssyncadd.s32 $0xFFFFC000  }
0x75: {  	[tilespmem:s30], [sflag:s16] =	stream.indirect.gather [hbm4b:s1+s18], $0x80, s28, s18, $0xb8;
	[tilespmem:$0x1D580] =	vst v63  }
0x76: {  	s0 =	sshll.u32 s0, $0xE  }
0x77: {  	[spmem:s4] =	stream.indirect.scatter.add.f32 [tilespmem:s19], [sflag:$0x3], $0x1, s26, s18, $0xb8;
	[tilespmem:$0x1D580] =	vst v63  }
0x78: {  	s0 =	sor.u32 $0x1000, s0  }
0x79: {  	[spmem:s2] =	stream.indirect.scatter.add.f32 [tilespmem:s0], [sflag:$0x4], $0x80, s26, s18, $0xb8;
	[tilespmem:$0x1D580] =	vst v63  }
0x7a: {  	_ =	swait.ge [sflag:s15], $0x4000  }
0x7b: {  	[sflag:s15] =	ssyncset.done $0x0  }
0x7c: {  	[sflag:s15] =	ssyncadd.s32 $0xFFFFC000  }
0x7d: {  	_ =	swait.ge [sflag:s20], $0x4000  }
0x7e: {  	[sflag:s20] =	ssyncset.done $0x0  }
0x7f: {  	[sflag:s20] =	ssyncadd.s32 $0xFFFFC000  }
0x80: {  	[spmem:s4] =	stream.indirect.scatter.add.f32 [tilespmem:s19], [sflag:$0x3], $0x1, s21, s18, $0xb8;
	[tilespmem:$0x1D580] =	vst v63  }
0x81: {  	_ = 	snop  }
0x82: {  	[spmem:s2] =	stream.indirect.scatter.add.f32 [tilespmem:s17], [sflag:$0x4], $0x80, s21, s18, $0xb8;
	[tilespmem:$0x1D580] =	vst v63  }
0x83: {  	_ =	swait.ge [sflag:s15], $0x4000  }
0x84: {  	[sflag:s15] =	ssyncset.done $0x0  }
0x85: {  	[sflag:s15] =	ssyncadd.s32 $0xFFFFC000  }
0x86: {  	_ =	swait.ge [sflag:s22], $0x80  }
0x87: {  	[sflag:s22] =	ssyncset.done $0x0  }
0x88: {  	[sflag:s22] =	ssyncadd.s32 $0xFFFFFF80  }
0x89: {  	_ =	swait.ge [sflag:s22], $0x80  }
0x8a: {  	[sflag:s22] =	ssyncset.done $0x0  }
0x8b: {  	[sflag:s22] =	ssyncadd.s32 $0xFFFFFF80  }
0x8c: {  	_ =	swait.ge [sflag:s22], $0x80  }
0x8d: {  	[sflag:s22] =	ssyncset.done $0x0  }
0x8e: {  	[sflag:s22] =	ssyncadd.s32 $0xFFFFFF80  }
0x8f: {  	_ =	swait.ge [sflag:s22], $0x80  }
0x90: {  	[sflag:s22] =	ssyncset.done $0x0  }
0x91: {  	[sflag:s22] =	ssyncadd.s32 $0xFFFFFF80  }
0x92: {  	_ =	swait.ge [sflag:s22], $0x80  }
0x93: {  	[sflag:s22] =	ssyncset.done $0x0  }
0x94: {  	[sflag:s22] =	ssyncadd.s32 $0xFFFFFF80  }
0x95: {  	_ =	swait.ge [sflag:s22], $0x80  }
0x96: {  	[sflag:s22] =	ssyncset.done $0x0  }
0x97: {  	[sflag:s22] =	ssyncadd.s32 $0xFFFFFF80  }
0x98: {  	_ =	swait.ge [sflag:s22], $0x80  }
0x99: {  	[sflag:s22] =	ssyncset.done $0x0  }
0x9a: {  	[sflag:s22] =	ssyncadd.s32 $0xFFFFFF80  }
0x9b: {  	_ =	swait.ge [sflag:s22], $0x80  }
0x9c: {  	[sflag:s22] =	ssyncset.done $0x0  }
0x9d: {  	[sflag:s22] =	ssyncadd.s32 $0xFFFFFF80  }
0x9e: {  	_ =	swait.ge [sflag:s22], $0x80  }
0x9f: {  	[sflag:s22] =	ssyncset.done $0x0  }
0xa0: {  	[sflag:s22] =	ssyncadd.s32 $0xFFFFFF80  }
0xa1: {  	_ =	swait.ge [sflag:s22], $0x80  }
0xa2: {  	[sflag:s22] =	ssyncset.done $0x0  }
0xa3: {  	[sflag:s22] =	ssyncadd.s32 $0xFFFFFF80  }
0xa4: {  	_ =	swait.ge [sflag:s22], $0x80  }
0xa5: {  	[sflag:s22] =	ssyncset.done $0x0  }
0xa6: {  	[sflag:s22] =	ssyncadd.s32 $0xFFFFFF80  }
0xa7: {  	_ =	swait.ge [sflag:s22], $0x80  }
0xa8: {  	[sflag:s22] =	ssyncset.done $0x0  }
0xa9: {  	[sflag:s22] =	ssyncadd.s32 $0xFFFFFF80  }
0xaa: {  	_ =	swait.ge [sflag:s22], $0x80  }
0xab: {  	[sflag:s22] =	ssyncset.done $0x0  }
0xac: {  	[sflag:s22] =	ssyncadd.s32 $0xFFFFFF80  }
0xad: {  	[bflag:$0x0] =	sbarrier.arrive $0xFFFF  }
0xae: {  	[hbm:s11], [sflag:s7] =	dma.local [spmem:s14], $0x2800  }
0xaf: {  	s25 =	sadd.s32 $0x1, s25;
	_ =	swait.ge [sflag:s15], $0x2800  }
0xb0: {  	p0 =	sne.s32 s25, s13;
	[sflag:s15] =	ssyncset.done $0x0  }
.Ltmp1:
0xb1: {  	s31 =	sshrl.u32 s8, $0x3;
	[sflag:s15] =	ssyncadd.s32 $0xFFFFD800;
	(pc) =	sbr.rel @p0 .LBB2_1-.Ltmp1, $4  }
0xb2: {  	[hbm:s12@s23], [sflag:s7] =	dma.strided [spmem:s31@s24], $0x50, s20, $0x10   }
0xb3: {  	_ =	swait.ge [sflag:s15], $0x50  }
0xb4: {  	[sflag:s15] =	ssyncset.done $0x0  }
0xb5: {  	[sflag:s15] =	ssyncadd.s32 $0xFFFFFFB0  }
0xb6: {  	_ =	sfence.sel $0x180000  }
0xb7: {  	[bflag:$0x0] =	sbarrier.arrive $0xFFFF  }
0xb8: {  	_ =	strace $0x90000050  }
0xb9: {  	s0 =	stileid.u32;
	[bflag:$0x2] =	sbarrier.arrive $0xFFFF  }
0xba: {  	p0 =	sne.s32 s0, $0x0;
	s0 =	rddreg [dreg:$0x5]  }
0xbb: {  	s0 =	sadd.s32 @!p0 $0x100000, s0  }
0xbc: {  	[sflag:s0] =	ssyncadd.tile.s32 @!p0 $0x1;
	_ =	shalt  }
.Lfunc_end2:
_tile_overlayer_lowered:
.L_overlay_start_2:
0xbd: {  	(tag) =	ssettag $0x2  }
0xbe: {  	s0 =	rddreg [dreg:$0x0];
	s2 =	stileid.u32  }
0xbf: {  	s1 =	rddreg [dreg:$0x1];
	p0 =	sne.s32 s2, $0x0  }
0xc0: {  	s3 =	rddreg [dreg:$0x2];
	[bflag:$0x3] =	sbarrier.arrive $0xFFFF;
	s2 =	simm.s32 @!p0 $0x1C04  }
0xc1: {  	[timem:s3], [sflag:s2] =	dma.local @!p0 [hbm:s0], s1  }
0xc2: {  	s0 =	simm.s32 @!p0 $0x4  }
0xc3: {  	_ =	swait.ge @!p0 [sflag:s0], s1  }
0xc4: {  	s1 =	ssub.s32 @!p0 $0x0, s1;
	[sflag:s0] =	ssyncset.done @!p0 $0x0  }
0xc5: {  	[sflag:s0] =	ssyncadd.s32 @!p0 s1  }
0xc6: {  	[bflag:$0x3] =	sbarrier.arrive $0xFFFF  }
0xc7: {  	_ =	shalt  }

</sc_bundles>
